<compile_context>
chip_gen: v7x
topology: tpu7x:2x2x1
jax: 0.10.2.dev20260603
libtpu: 0.0.44.dev20260713+nightly
codegen_flags: <defaults>
</compile_context>

<pallas_src>
import jax
import jax.numpy as jnp
from jax import lax
from jax.experimental import pallas as pl
from jax.experimental.pallas import tpu as pltpu
from jax.experimental.pallas import tpu_sc as plsc

VOCAB = 49408
EMBED = 768
MAX_POS = 77
BATCH = 4096
SEQ = 77

NUM_WORKERS = 32
SEQS_PER_W = BATCH // NUM_WORKERS
PAIRS_PER_W = SEQS_PER_W // 2
POS_BLK = 8
MAIN_BLKS = 9
TAIL_ROWS = SEQ - MAIN_BLKS * POS_BLK
ROWS_PER_CHUNK = 2 * POS_BLK
MAIN_CHUNKS = PAIRS_PER_W * MAIN_BLKS
TAIL_CHUNKS = PAIRS_PER_W
CHUNKS_PER_W = MAIN_CHUNKS + TAIL_CHUNKS
IDX_PER_W = CHUNKS_PER_W * ROWS_PER_CHUNK
LANES = 16
VREGS_PER_ROW = EMBED // LANES
NBUF = 4


def _body(ids_hbm, tok_hbm, pos_hbm, out_hbm, idx_v, pos_v,
          buf0, buf1, buf2, buf3, g0, g1, g2, g3, o0, o1, o2, o3):
    wid = lax.axis_index("s") * 2 + lax.axis_index("c")
    seq0 = wid * SEQS_PER_W

    pltpu.sync_copy(ids_hbm.at[pl.ds(wid * IDX_PER_W, IDX_PER_W)], idx_v)
    pltpu.sync_copy(pos_hbm, pos_v)

    bufs = ((buf0, g0, o0), (buf1, g1, o1), (buf2, g2, o2), (buf3, g3, o3))

    def start_gather(c, buf, gsem):
        pltpu.async_copy(
            tok_hbm.at[idx_v.at[pl.ds(c * ROWS_PER_CHUNK, ROWS_PER_CHUNK)]],
            buf, gsem)

    def wait_gather(c, buf, gsem):
        pltpu.make_async_copy(
            tok_hbm.at[idx_v.at[pl.ds(c * ROWS_PER_CHUNK, ROWS_PER_CHUNK)]],
            buf, gsem).wait()

    def add_pos(buf, p0, nrows):
        def row_add(j, carry):
            prow = p0 + j

            def one_vreg(v):
                sl = pl.ds(v * LANES, LANES)
                pv = pos_v[prow, sl]
                plsc.addupdate(buf.at[j, sl], pv)
                plsc.addupdate(buf.at[POS_BLK + j, sl], pv)

            plsc.parallel_loop(0, VREGS_PER_ROW, unroll=8)(one_vreg)
            return carry

        lax.fori_loop(0, nrows, row_add, 0, unroll=False)

    def writeback(buf, osem, seq_a, p0, nrows):
        pltpu.async_copy(buf.at[pl.ds(0, nrows)],
                         out_hbm.at[seq_a, pl.ds(p0, nrows)], osem)
        pltpu.async_copy(buf.at[pl.ds(POS_BLK, nrows)],
                         out_hbm.at[seq_a + 1, pl.ds(p0, nrows)], osem)

    def drain_wb(buf, osem, nrows):
        pltpu.make_async_copy(buf.at[pl.ds(0, nrows)],
                              out_hbm.at[0, pl.ds(0, nrows)], osem).wait()
        pltpu.make_async_copy(buf.at[pl.ds(POS_BLK, nrows)],
                              out_hbm.at[0, pl.ds(0, nrows)], osem).wait()

    start_gather(0, bufs[0][0], bufs[0][1])
    start_gather(1, bufs[1][0], bufs[1][1])

    def main_body(c2, carry):
        p, t = carry
        for k in range(NBUF):
            c = NBUF * c2 + k
            buf, gsem, osem = bufs[k]
            wait_gather(c, buf, gsem)
            p0 = t * POS_BLK
            add_pos(buf, p0, POS_BLK)
            writeback(buf, osem, seq0 + 2 * p, p0, POS_BLK)
            twrap = t == MAIN_BLKS - 1
            p = p + twrap.astype(jnp.int32)
            t = lax.select(twrap, jnp.int32(0), t + 1)

            nbuf_, ngsem, nosem = bufs[(k + 2) % NBUF]

            @pl.when(c + 2 < MAIN_CHUNKS)
            def _():
                def drain_and_fetch():
                    drain_wb(nbuf_, nosem, POS_BLK)
                    start_gather(c + 2, nbuf_, ngsem)

                if k < 2:
                    @pl.when(c2 > 0)
                    def _():
                        drain_and_fetch()

                    @pl.when(c2 == 0)
                    def _():
                        start_gather(c + 2, nbuf_, ngsem)
                else:
                    drain_and_fetch()

        return (p, t)

    lax.fori_loop(0, MAIN_CHUNKS // NBUF, main_body,
                  (jnp.int32(0), jnp.int32(0)), unroll=False)

    for k in range(NBUF):
        buf, _, osem = bufs[k]
        drain_wb(buf, osem, POS_BLK)

    start_gather(MAIN_CHUNKS + 0, bufs[0][0], bufs[0][1])
    start_gather(MAIN_CHUNKS + 1, bufs[1][0], bufs[1][1])

    def tail_body(c2, carry):
        for k in range(NBUF):
            i = NBUF * c2 + k
            c = MAIN_CHUNKS + i
            buf, gsem, osem = bufs[k]
            wait_gather(c, buf, gsem)
            add_pos(buf, MAIN_BLKS * POS_BLK, TAIL_ROWS)
            writeback(buf, osem, seq0 + 2 * i, MAIN_BLKS * POS_BLK, TAIL_ROWS)

            nbuf_, ngsem, nosem = bufs[(k + 2) % NBUF]

            @pl.when(i + 2 < TAIL_CHUNKS)
            def _():
                def drain_and_fetch():
                    drain_wb(nbuf_, nosem, TAIL_ROWS)
                    start_gather(c + 2, nbuf_, ngsem)

                if k < 2:
                    @pl.when(c2 > 0)
                    def _():
                        drain_and_fetch()

                    @pl.when(c2 == 0)
                    def _():
                        start_gather(c + 2, nbuf_, ngsem)
                else:
                    drain_and_fetch()

        return carry

    lax.fori_loop(0, TAIL_CHUNKS // NBUF, tail_body, 0, unroll=False)

    for k in range(NBUF):
        buf, _, osem = bufs[k]
        drain_wb(buf, osem, TAIL_ROWS)


@jax.jit
def _run(ids_grouped, token_embedding, position_embedding):
    mesh = plsc.VectorSubcoreMesh(core_axis_name="c", subcore_axis_name="s")
    out = pl.kernel(
        _body,
        out_type=jax.ShapeDtypeStruct((BATCH, SEQ, EMBED), jnp.float32),
        mesh=mesh,
        scratch_types=[
            pltpu.VMEM((IDX_PER_W,), jnp.int32),
            pltpu.VMEM((MAX_POS, EMBED), jnp.float32),
            pltpu.VMEM((ROWS_PER_CHUNK, EMBED), jnp.float32),
            pltpu.VMEM((ROWS_PER_CHUNK, EMBED), jnp.float32),
            pltpu.VMEM((ROWS_PER_CHUNK, EMBED), jnp.float32),
            pltpu.VMEM((ROWS_PER_CHUNK, EMBED), jnp.float32),
            pltpu.SemaphoreType.DMA,
            pltpu.SemaphoreType.DMA,
            pltpu.SemaphoreType.DMA,
            pltpu.SemaphoreType.DMA,
            pltpu.SemaphoreType.DMA,
            pltpu.SemaphoreType.DMA,
            pltpu.SemaphoreType.DMA,
            pltpu.SemaphoreType.DMA,
        ],
    )(ids_grouped, token_embedding, position_embedding)
    return out


def _arrange_ids(input_ids):
    ids_pad = jnp.pad(input_ids, ((0, 0), (0, 80 - SEQ)))
    g = ids_pad.reshape(NUM_WORKERS, PAIRS_PER_W, 2, 10, POS_BLK)
    g = g.transpose(0, 1, 3, 2, 4)
    main = g[:, :, :MAIN_BLKS]
    tail = g[:, :, MAIN_BLKS:]
    main = main.reshape(NUM_WORKERS, MAIN_CHUNKS * ROWS_PER_CHUNK)
    tail = tail.reshape(NUM_WORKERS, TAIL_CHUNKS * ROWS_PER_CHUNK)
    return jnp.concatenate([main, tail], axis=1).reshape(-1)


def kernel(input_ids, token_embedding, position_embedding):
    ids_grouped = _arrange_ids(input_ids)
    return _run(ids_grouped, token_embedding, position_embedding)

# --- scband reference (transcript-rebuilt; emitter-appended) ---
"""Pipeline reference for scband-cliptext-embeddings-30820685316256 (READ-ONLY COPY).

The authoritative reference and input builder live on the scoring server;
editing this copy changes nothing except your own understanding.
"""

import jax, jax.numpy as jnp
import numpy as np

VOCAB = 49408
EMBED = 768
MAX_POS = 77
BATCH = 4096
SEQ = 77

def setup_inputs(seed: int = 0) -> dict:
    key = jax.random.key(seed)
    k1, k2, k3 = jax.random.split(key, 3)
    input_ids = jax.random.randint(k1, (BATCH, SEQ), 0, VOCAB, dtype=jnp.int32)
    token_embedding = jax.random.normal(k2, (VOCAB, EMBED), dtype=jnp.float32) * 0.02
    position_embedding = jax.random.normal(k3, (MAX_POS, EMBED), dtype=jnp.float32) * 0.02
    return {"input_ids": input_ids, "token_embedding": token_embedding, "position_embedding": position_embedding}

def reference(input_ids, token_embedding, position_embedding):
    seq_length = input_ids.shape[-1]
    position_ids = jnp.arange(seq_length, dtype=jnp.int32)  # position_ids buffer[:, :seq_length]
    input_embeds = jnp.take(token_embedding, input_ids, axis=0)          # [B, S, D]
    position_embeddings = jnp.take(position_embedding, position_ids, axis=0)[None, :, :]  # [1, S, D]
    embeddings = input_embeds + position_embeddings
    return embeddings

if __name__ == "__main__":
    import jax
    _d = setup_inputs()
    print(jax.jit(kernel)(*tuple(_d.values())))

</pallas_src>

<mosaic_0001>
#map = affine_map<(d0, d1) -> (0)>
#map1 = affine_map<(d0, d1) -> (0, 0)>
#map2 = affine_map<(d0, d1) -> (0, 0, 0)>
module attributes {stable_mosaic.version = 14 : i64} {
  func.func @_body(%arg0: i32, %arg1: i32, %arg2: memref<327680xi32, #tpu.memory_space<hbm>>, %arg3: memref<49408x768xf32, #tpu.memory_space<hbm>>, %arg4: memref<77x768xf32, #tpu.memory_space<hbm>>, %arg5: memref<4096x77x768xf32, #tpu.memory_space<hbm>>, %arg6: memref<10240xi32, #tpu.memory_space<vmem>>, %arg7: memref<77x768xf32, #tpu.memory_space<vmem>>, %arg8: memref<16x768xf32, #tpu.memory_space<vmem>>, %arg9: memref<16x768xf32, #tpu.memory_space<vmem>>, %arg10: memref<16x768xf32, #tpu.memory_space<vmem>>, %arg11: memref<16x768xf32, #tpu.memory_space<vmem>>, %arg12: memref<!tpu.dma_semaphore, #tpu.memory_space<semaphore_mem>>, %arg13: memref<!tpu.dma_semaphore, #tpu.memory_space<semaphore_mem>>, %arg14: memref<!tpu.dma_semaphore, #tpu.memory_space<semaphore_mem>>, %arg15: memref<!tpu.dma_semaphore, #tpu.memory_space<semaphore_mem>>, %arg16: memref<!tpu.dma_semaphore, #tpu.memory_space<semaphore_mem>>, %arg17: memref<!tpu.dma_semaphore, #tpu.memory_space<semaphore_mem>>, %arg18: memref<!tpu.dma_semaphore, #tpu.memory_space<semaphore_mem>>, %arg19: memref<!tpu.dma_semaphore, #tpu.memory_space<semaphore_mem>>) attributes {dimension_semantics = [#tpu.dimension_semantics<core_parallel>, #tpu.dimension_semantics<subcore_parallel>], iteration_bounds = array<i64: 2, 16>, scalar_prefetch = 0 : i64, scratch_operands = 14 : i64, tpu.core_type = #tpu.core_type<sc_vector_subcore>, window_params = [{transform_indices = #map}, {transform_indices = #map1}, {transform_indices = #map1}, {transform_indices = #map2}]} {
    %mul3A = arith.constant 2 : i32
    %mul3A_0 = arith.muli %arg1, %mul3A : i32
    %add3A = arith.addi %mul3A_0, %arg0 : i32
    %mul3A_1 = arith.constant 128 : i32
    %mul3A_2 = arith.muli %add3A, %mul3A_1 : i32
    %mul3A_3 = arith.constant 10240 : i32
    %mul3A_4 = arith.muli %add3A, %mul3A_3 : i32
    "tpu.region"() ({
      %run_scoped3A = tpu.sem_alloc : memref<!tpu.dma_semaphore, #tpu.memory_space<semaphore_mem>>
      %dma_start3A_276 = tpu.memref_slice %arg2[%mul3A_4] : memref<327680xi32, #tpu.memory_space<hbm>> -> memref<10240xi32, #tpu.memory_space<hbm>>
      %dma_start3A_277 = tpu.memref_slice %arg2[%mul3A_4] : memref<327680xi32, #tpu.memory_space<hbm>> -> memref<10240xi32, #tpu.memory_space<hbm>>
      tpu.enqueue_dma source(%dma_start3A_277 : memref<10240xi32, #tpu.memory_space<hbm>>) target(%arg6 : memref<10240xi32, #tpu.memory_space<vmem>>) target_semaphore(%run_scoped3A : memref<!tpu.dma_semaphore, #tpu.memory_space<semaphore_mem>>)
      %dma_wait3A_278 = tpu.memref_slice %arg2[%mul3A_4] : memref<327680xi32, #tpu.memory_space<hbm>> -> memref<10240xi32, #tpu.memory_space<hbm>>
      %dma_wait3A_279 = tpu.memref_slice %arg2[%mul3A_4] : memref<327680xi32, #tpu.memory_space<hbm>> -> memref<10240xi32, #tpu.memory_space<hbm>>
      tpu.wait_dma2 semaphore(%run_scoped3A : memref<!tpu.dma_semaphore, #tpu.memory_space<semaphore_mem>>) src(%dma_wait3A_279 : memref<10240xi32, #tpu.memory_space<hbm>>) dst(%arg6 : memref<10240xi32, #tpu.memory_space<vmem>>)
      tpu.yield
    }) : () -> ()
    "tpu.region"() ({
      %run_scoped3A = tpu.sem_alloc : memref<!tpu.dma_semaphore, #tpu.memory_space<semaphore_mem>>
      tpu.enqueue_dma source(%arg4 : memref<77x768xf32, #tpu.memory_space<hbm>>) target(%arg7 : memref<77x768xf32, #tpu.memory_space<vmem>>) target_semaphore(%run_scoped3A : memref<!tpu.dma_semaphore, #tpu.memory_space<semaphore_mem>>)
      tpu.wait_dma2 semaphore(%run_scoped3A : memref<!tpu.dma_semaphore, #tpu.memory_space<semaphore_mem>>) src(%arg4 : memref<77x768xf32, #tpu.memory_space<hbm>>) dst(%arg7 : memref<77x768xf32, #tpu.memory_space<vmem>>)
      tpu.yield
    }) : () -> ()
    %dma_start3A = arith.constant 0 : i32
    %dma_start3A_5 = tpu.memref_slice %arg6[%dma_start3A] : memref<10240xi32, #tpu.memory_space<vmem>> -> memref<16xi32, #tpu.memory_space<vmem>>
    %dma_start3A_6 = arith.constant 0 : i32
    %dma_start3A_7 = arith.constant 0 : i32
    %dma_start3A_8 = tpu.memref_slice %arg3[%dma_start3A_6, %dma_start3A_7] : memref<49408x768xf32, #tpu.memory_space<hbm>> -> memref<49408x768xf32, #tpu.memory_space<hbm>>
    tpu.enqueue_indirect_dma source(%dma_start3A_8 : memref<49408x768xf32, #tpu.memory_space<hbm>>) target(%arg8 : memref<16x768xf32, #tpu.memory_space<vmem>>) offsets(%dma_start3A_5 : memref<16xi32, #tpu.memory_space<vmem>>) semaphore(%arg12 : memref<!tpu.dma_semaphore, #tpu.memory_space<semaphore_mem>>)
    %dma_start3A_9 = arith.constant 16 : i32
    %dma_start3A_10 = tpu.memref_slice %arg6[%dma_start3A_9] : memref<10240xi32, #tpu.memory_space<vmem>> -> memref<16xi32, #tpu.memory_space<vmem>>
    %dma_start3A_11 = arith.constant 0 : i32
    %dma_start3A_12 = arith.constant 0 : i32
    %dma_start3A_13 = tpu.memref_slice %arg3[%dma_start3A_11, %dma_start3A_12] : memref<49408x768xf32, #tpu.memory_space<hbm>> -> memref<49408x768xf32, #tpu.memory_space<hbm>>
    tpu.enqueue_indirect_dma source(%dma_start3A_13 : memref<49408x768xf32, #tpu.memory_space<hbm>>) target(%arg9 : memref<16x768xf32, #tpu.memory_space<vmem>>) offsets(%dma_start3A_10 : memref<16xi32, #tpu.memory_space<vmem>>) semaphore(%arg13 : memref<!tpu.dma_semaphore, #tpu.memory_space<semaphore_mem>>)
    %scan3A = arith.constant 0 : i32
    %scan3A_14 = arith.constant 0 : i32
    %scan3A_15 = arith.constant 0 : i32
    %scan3A_16 = arith.constant 144 : i32
    %scan3A_17 = arith.addi %scan3A_15, %scan3A_16 : i32
    %scan3A_18 = arith.constant 1 : i32
    %scan3A_19:2 = scf.for %scan3A_276 = %scan3A_15 to %scan3A_17 step %scan3A_18 iter_args(%scan3A_277 = %scan3A, %scan3A_278 = %scan3A_14) -> (i32, i32)  : i32 {
      %mul3A_279 = arith.constant 4 : i32
      %mul3A_280 = arith.muli %mul3A_279, %scan3A_276 : i32
      %add3A_281 = arith.constant 0 : i32
      %add3A_282 = arith.addi %mul3A_280, %add3A_281 : i32
      %mul3A_283 = arith.constant 16 : i32
      %mul3A_284 = arith.muli %add3A_282, %mul3A_283 : i32
      %dma_wait3A_285 = tpu.memref_slice %arg6[%mul3A_284] : memref<10240xi32, #tpu.memory_space<vmem>> -> memref<16xi32, #tpu.memory_space<vmem>>
      %dma_wait3A_286 = arith.constant 0 : i32
      %dma_wait3A_287 = arith.constant 0 : i32
      %dma_wait3A_288 = tpu.memref_slice %arg3[%dma_wait3A_286, %dma_wait3A_287] : memref<49408x768xf32, #tpu.memory_space<hbm>> -> memref<49408x768xf32, #tpu.memory_space<hbm>>
      tpu.wait_indirect_dma semaphore(%arg12 : memref<!tpu.dma_semaphore, #tpu.memory_space<semaphore_mem>>) src(%dma_wait3A_288 : memref<49408x768xf32, #tpu.memory_space<hbm>>) dst(%arg8 : memref<16x768xf32, #tpu.memory_space<vmem>>)
      %mul3A_289 = arith.constant 8 : i32
      %mul3A_290 = arith.muli %scan3A_278, %mul3A_289 : i32
      %scan3A_291 = arith.constant 0 : i32
      %scan3A_292 = arith.constant 0 : i32
      %scan3A_293 = arith.constant 8 : i32
      %scan3A_294 = arith.addi %scan3A_292, %scan3A_293 : i32
      %scan3A_295 = arith.constant 1 : i32
      scf.for %scan3A_522 = %scan3A_292 to %scan3A_294 step %scan3A_295  : i32 {
        %add3A_523 = arith.addi %mul3A_290, %scan3A_522 : i32
        %parallel_loop3A = arith.constant 0 : i32
        %parallel_loop3A_524 = arith.constant 48 : i32
        %parallel_loop3A_525 = arith.constant 1 : i32
        scf.for %parallel_loop3A_526 = %parallel_loop3A to %parallel_loop3A_524 step %parallel_loop3A_525  : i32 {
          %parallel_loop3A_527 = arith.constant 16 : i32
          %parallel_loop3A_528 = arith.muli %parallel_loop3A_526, %parallel_loop3A_527 : i32
          %parallel_loop3A_529 = arith.index_cast %add3A_523 : i32 to index
          %parallel_loop3A_530 = arith.index_cast %parallel_loop3A_528 : i32 to index
          %parallel_loop3A_531 = tpu.vector_load %arg7[%parallel_loop3A_529, %parallel_loop3A_530] {strides = array<i32>} : memref<77x768xf32, #tpu.memory_space<vmem>>, vector<1x16xf32>,
          %parallel_loop3A_532 = vector.shape_cast %parallel_loop3A_531 : vector<1x16xf32> to vector<16xf32>
          %parallel_loop3A_533 = arith.index_cast %scan3A_522 : i32 to index
          %parallel_loop3A_534 = arith.index_cast %parallel_loop3A_528 : i32 to index
          %parallel_loop3A_535 = tpu.vector_load %arg8[%parallel_loop3A_533, %parallel_loop3A_534] {strides = array<i32>} : memref<16x768xf32, #tpu.memory_space<vmem>>, vector<1x16xf32>,
          %parallel_loop3A_536 = vector.shape_cast %parallel_loop3A_535 : vector<1x16xf32> to vector<16xf32>
          %parallel_loop3A_537 = vector.shape_cast %parallel_loop3A_532 : vector<16xf32> to vector<1x16xf32>
          tpu.vector_store %arg8[%parallel_loop3A_533, %parallel_loop3A_534], %parallel_loop3A_537 {add = true, strides = array<i32>} : memref<16x768xf32, #tpu.memory_space<vmem>>, vector<1x16xf32>,
          %parallel_loop3A_538 = arith.constant 8 : i32
          %parallel_loop3A_539 = arith.addi %parallel_loop3A_538, %scan3A_522 : i32
          %parallel_loop3A_540 = arith.index_cast %parallel_loop3A_539 : i32 to index
          %parallel_loop3A_541 = arith.index_cast %parallel_loop3A_528 : i32 to index
          %parallel_loop3A_542 = tpu.vector_load %arg8[%parallel_loop3A_540, %parallel_loop3A_541] {strides = array<i32>} : memref<16x768xf32, #tpu.memory_space<vmem>>, vector<1x16xf32>,
          %parallel_loop3A_543 = vector.shape_cast %parallel_loop3A_542 : vector<1x16xf32> to vector<16xf32>
          %parallel_loop3A_544 = vector.shape_cast %parallel_loop3A_532 : vector<16xf32> to vector<1x16xf32>
          tpu.vector_store %arg8[%parallel_loop3A_540, %parallel_loop3A_541], %parallel_loop3A_544 {add = true, strides = array<i32>} : memref<16x768xf32, #tpu.memory_space<vmem>>, vector<1x16xf32>,
        } {sc.loop_unroll_factor = 8 : i64, sc.parallel_access}
      }
      %scan3A_296 = arith.constant 8 : i32
      %mul3A_297 = arith.constant 2 : i32
      %mul3A_298 = arith.muli %mul3A_297, %scan3A_277 : i32
      %add3A_299 = arith.addi %mul3A_2, %mul3A_298 : i32
      %dma_start3A_300 = arith.constant 0 : i32
      %dma_start3A_301 = arith.constant 0 : i32
      %dma_start3A_302 = tpu.memref_slice %arg8[%dma_start3A_300, %dma_start3A_301] : memref<16x768xf32, #tpu.memory_space<vmem>> -> memref<8x768xf32, #tpu.memory_space<vmem>>
      %dma_start3A_303 = arith.constant 0 : i32
      %dma_start3A_304 = tpu.memref_slice %arg5[%add3A_299, %mul3A_290, %dma_start3A_303] : memref<4096x77x768xf32, #tpu.memory_space<hbm>> -> memref<1x8x768xf32, #tpu.memory_space<hbm>>
      %dma_start3A_305 = tpu.memref_squeeze %dma_start3A_304 : memref<1x8x768xf32, #tpu.memory_space<hbm>> -> memref<8x768xf32, #tpu.memory_space<hbm>>
      %dma_start3A_306 = arith.constant 0 : i32
      %dma_start3A_307 = tpu.memref_slice %arg5[%add3A_299, %mul3A_290, %dma_start3A_306] : memref<4096x77x768xf32, #tpu.memory_space<hbm>> -> memref<1x8x768xf32, #tpu.memory_space<hbm>>
      %dma_start3A_308 = tpu.memref_squeeze %dma_start3A_307 : memref<1x8x768xf32, #tpu.memory_space<hbm>> -> memref<8x768xf32, #tpu.memory_space<hbm>>
      %dma_start3A_309 = arith.constant 0 : i32
      %dma_start3A_310 = arith.constant 0 : i32
      %dma_start3A_311 = tpu.memref_slice %arg8[%dma_start3A_309, %dma_start3A_310] : memref<16x768xf32, #tpu.memory_space<vmem>> -> memref<8x768xf32, #tpu.memory_space<vmem>>
      tpu.enqueue_dma source(%dma_start3A_311 : memref<8x768xf32, #tpu.memory_space<vmem>>) target(%dma_start3A_308 : memref<8x768xf32, #tpu.memory_space<hbm>>) target_semaphore(%arg16 : memref<!tpu.dma_semaphore, #tpu.memory_space<semaphore_mem>>)
      %add3A_312 = arith.constant 1 : i32
      %add3A_313 = arith.addi %add3A_299, %add3A_312 : i32
      %dma_start3A_314 = arith.constant 8 : i32
      %dma_start3A_315 = arith.constant 0 : i32
      %dma_start3A_316 = tpu.memref_slice %arg8[%dma_start3A_314, %dma_start3A_315] : memref<16x768xf32, #tpu.memory_space<vmem>> -> memref<8x768xf32, #tpu.memory_space<vmem>>
      %dma_start3A_317 = arith.constant 0 : i32
      %dma_start3A_318 = tpu.memref_slice %arg5[%add3A_313, %mul3A_290, %dma_start3A_317] : memref<4096x77x768xf32, #tpu.memory_space<hbm>> -> memref<1x8x768xf32, #tpu.memory_space<hbm>>
      %dma_start3A_319 = tpu.memref_squeeze %dma_start3A_318 : memref<1x8x768xf32, #tpu.memory_space<hbm>> -> memref<8x768xf32, #tpu.memory_space<hbm>>
      %dma_start3A_320 = arith.constant 0 : i32
      %dma_start3A_321 = tpu.memref_slice %arg5[%add3A_313, %mul3A_290, %dma_start3A_320] : memref<4096x77x768xf32, #tpu.memory_space<hbm>> -> memref<1x8x768xf32, #tpu.memory_space<hbm>>
      %dma_start3A_322 = tpu.memref_squeeze %dma_start3A_321 : memref<1x8x768xf32, #tpu.memory_space<hbm>> -> memref<8x768xf32, #tpu.memory_space<hbm>>
      %dma_start3A_323 = arith.constant 8 : i32
      %dma_start3A_324 = arith.constant 0 : i32
      %dma_start3A_325 = tpu.memref_slice %arg8[%dma_start3A_323, %dma_start3A_324] : memref<16x768xf32, #tpu.memory_space<vmem>> -> memref<8x768xf32, #tpu.memory_space<vmem>>
      tpu.enqueue_dma source(%dma_start3A_325 : memref<8x768xf32, #tpu.memory_space<vmem>>) target(%dma_start3A_322 : memref<8x768xf32, #tpu.memory_space<hbm>>) target_semaphore(%arg16 : memref<!tpu.dma_semaphore, #tpu.memory_space<semaphore_mem>>)
      %eq3A = arith.constant 8 : i32
      %eq3A_326 = arith.cmpi eq, %scan3A_278, %eq3A : i32
      %convert_element_type3A = arith.extui %eq3A_326 : i1 to i32
      %add3A_327 = arith.addi %scan3A_277, %convert_element_type3A : i32
      %add3A_328 = arith.constant 1 : i32
      %add3A_329 = arith.addi %scan3A_278, %add3A_328 : i32
      %select_n3A = arith.constant 0 : i32
      %select_n3A_330 = arith.select %eq3A_326, %select_n3A, %add3A_329 : i32
      %add3A_331 = arith.constant 2 : i32
      %add3A_332 = arith.addi %add3A_282, %add3A_331 : i32
      %lt3A = arith.constant 576 : i32
      %lt3A_333 = arith.cmpi slt, %add3A_332, %lt3A : i32
      %convert_element_type3A_334 = arith.extui %lt3A_333 : i1 to i32
      %cond3A = arith.constant 0 : i32
      %cond3A_335 = arith.cmpi ne, %convert_element_type3A_334, %cond3A : i32
      scf.if %cond3A_335 {
        %gt3A = arith.constant 0 : i32
        %gt3A_522 = arith.cmpi sgt, %scan3A_276, %gt3A : i32
        %convert_element_type3A_523 = arith.extui %gt3A_522 : i1 to i32
        %cond3A_524 = arith.constant 0 : i32
        %cond3A_525 = arith.cmpi ne, %convert_element_type3A_523, %cond3A_524 : i32
        scf.if %cond3A_525 {
          %dma_wait3A_531 = arith.constant 0 : i32
          %dma_wait3A_532 = arith.constant 0 : i32
          %dma_wait3A_533 = arith.constant 0 : i32
          %dma_wait3A_534 = tpu.memref_slice %arg10[%dma_wait3A_532, %dma_wait3A_533] : memref<16x768xf32, #tpu.memory_space<vmem>> -> memref<8x768xf32, #tpu.memory_space<vmem>>
          %dma_wait3A_535 = arith.constant 0 : i32
          %dma_wait3A_536 = arith.constant 0 : i32
          %dma_wait3A_537 = tpu.memref_slice %arg5[%dma_wait3A_531, %dma_wait3A_535, %dma_wait3A_536] : memref<4096x77x768xf32, #tpu.memory_space<hbm>> -> memref<1x8x768xf32, #tpu.memory_space<hbm>>
          %dma_wait3A_538 = tpu.memref_squeeze %dma_wait3A_537 : memref<1x8x768xf32, #tpu.memory_space<hbm>> -> memref<8x768xf32, #tpu.memory_space<hbm>>
          %dma_wait3A_539 = arith.constant 0 : i32
          %dma_wait3A_540 = arith.constant 0 : i32
          %dma_wait3A_541 = tpu.memref_slice %arg5[%dma_wait3A_531, %dma_wait3A_539, %dma_wait3A_540] : memref<4096x77x768xf32, #tpu.memory_space<hbm>> -> memref<1x8x768xf32, #tpu.memory_space<hbm>>
          %dma_wait3A_542 = tpu.memref_squeeze %dma_wait3A_541 : memref<1x8x768xf32, #tpu.memory_space<hbm>> -> memref<8x768xf32, #tpu.memory_space<hbm>>
          %dma_wait3A_543 = arith.constant 0 : i32
          %dma_wait3A_544 = arith.constant 0 : i32
          %dma_wait3A_545 = tpu.memref_slice %arg10[%dma_wait3A_543, %dma_wait3A_544] : memref<16x768xf32, #tpu.memory_space<vmem>> -> memref<8x768xf32, #tpu.memory_space<vmem>>
          tpu.wait_dma2 semaphore(%arg18 : memref<!tpu.dma_semaphore, #tpu.memory_space<semaphore_mem>>) src(%dma_wait3A_545 : memref<8x768xf32, #tpu.memory_space<vmem>>) dst(%dma_wait3A_542 : memref<8x768xf32, #tpu.memory_space<hbm>>)
          %dma_wait3A_546 = arith.constant 0 : i32
          %dma_wait3A_547 = arith.constant 8 : i32
          %dma_wait3A_548 = arith.constant 0 : i32
          %dma_wait3A_549 = tpu.memref_slice %arg10[%dma_wait3A_547, %dma_wait3A_548] : memref<16x768xf32, #tpu.memory_space<vmem>> -> memref<8x768xf32, #tpu.memory_space<vmem>>
          %dma_wait3A_550 = arith.constant 0 : i32
          %dma_wait3A_551 = arith.constant 0 : i32
          %dma_wait3A_552 = tpu.memref_slice %arg5[%dma_wait3A_546, %dma_wait3A_550, %dma_wait3A_551] : memref<4096x77x768xf32, #tpu.memory_space<hbm>> -> memref<1x8x768xf32, #tpu.memory_space<hbm>>
          %dma_wait3A_553 = tpu.memref_squeeze %dma_wait3A_552 : memref<1x8x768xf32, #tpu.memory_space<hbm>> -> memref<8x768xf32, #tpu.memory_space<hbm>>
          %dma_wait3A_554 = arith.constant 0 : i32
          %dma_wait3A_555 = arith.constant 0 : i32
          %dma_wait3A_556 = tpu.memref_slice %arg5[%dma_wait3A_546, %dma_wait3A_554, %dma_wait3A_555] : memref<4096x77x768xf32, #tpu.memory_space<hbm>> -> memref<1x8x768xf32, #tpu.memory_space<hbm>>
          %dma_wait3A_557 = tpu.memref_squeeze %dma_wait3A_556 : memref<1x8x768xf32, #tpu.memory_space<hbm>> -> memref<8x768xf32, #tpu.memory_space<hbm>>
          %dma_wait3A_558 = arith.constant 8 : i32
          %dma_wait3A_559 = arith.constant 0 : i32
          %dma_wait3A_560 = tpu.memref_slice %arg10[%dma_wait3A_558, %dma_wait3A_559] : memref<16x768xf32, #tpu.memory_space<vmem>> -> memref<8x768xf32, #tpu.memory_space<vmem>>
          tpu.wait_dma2 semaphore(%arg18 : memref<!tpu.dma_semaphore, #tpu.memory_space<semaphore_mem>>) src(%dma_wait3A_560 : memref<8x768xf32, #tpu.memory_space<vmem>>) dst(%dma_wait3A_557 : memref<8x768xf32, #tpu.memory_space<hbm>>)
          %add3A_561 = arith.constant 2 : i32
          %add3A_562 = arith.addi %add3A_282, %add3A_561 : i32
          %mul3A_563 = arith.constant 16 : i32
          %mul3A_564 = arith.muli %add3A_562, %mul3A_563 : i32
          %dma_start3A_565 = tpu.memref_slice %arg6[%mul3A_564] : memref<10240xi32, #tpu.memory_space<vmem>> -> memref<16xi32, #tpu.memory_space<vmem>>
          %dma_start3A_566 = arith.constant 0 : i32
          %dma_start3A_567 = arith.constant 0 : i32
          %dma_start3A_568 = tpu.memref_slice %arg3[%dma_start3A_566, %dma_start3A_567] : memref<49408x768xf32, #tpu.memory_space<hbm>> -> memref<49408x768xf32, #tpu.memory_space<hbm>>
          tpu.enqueue_indirect_dma source(%dma_start3A_568 : memref<49408x768xf32, #tpu.memory_space<hbm>>) target(%arg10 : memref<16x768xf32, #tpu.memory_space<vmem>>) offsets(%dma_start3A_565 : memref<16xi32, #tpu.memory_space<vmem>>) semaphore(%arg14 : memref<!tpu.dma_semaphore, #tpu.memory_space<semaphore_mem>>)
        } else {
        }
        %eq3A_526 = arith.constant 0 : i32
        %eq3A_527 = arith.cmpi eq, %scan3A_276, %eq3A_526 : i32
        %convert_element_type3A_528 = arith.extui %eq3A_527 : i1 to i32
        %cond3A_529 = arith.constant 0 : i32
        %cond3A_530 = arith.cmpi ne, %convert_element_type3A_528, %cond3A_529 : i32
        scf.if %cond3A_530 {
          %add3A_531 = arith.constant 2 : i32
          %add3A_532 = arith.addi %add3A_282, %add3A_531 : i32
          %mul3A_533 = arith.constant 16 : i32
          %mul3A_534 = arith.muli %add3A_532, %mul3A_533 : i32
          %dma_start3A_535 = tpu.memref_slice %arg6[%mul3A_534] : memref<10240xi32, #tpu.memory_space<vmem>> -> memref<16xi32, #tpu.memory_space<vmem>>
          %dma_start3A_536 = arith.constant 0 : i32
          %dma_start3A_537 = arith.constant 0 : i32
          %dma_start3A_538 = tpu.memref_slice %arg3[%dma_start3A_536, %dma_start3A_537] : memref<49408x768xf32, #tpu.memory_space<hbm>> -> memref<49408x768xf32, #tpu.memory_space<hbm>>
          tpu.enqueue_indirect_dma source(%dma_start3A_538 : memref<49408x768xf32, #tpu.memory_space<hbm>>) target(%arg10 : memref<16x768xf32, #tpu.memory_space<vmem>>) offsets(%dma_start3A_535 : memref<16xi32, #tpu.memory_space<vmem>>) semaphore(%arg14 : memref<!tpu.dma_semaphore, #tpu.memory_space<semaphore_mem>>)
        } else {
        }
      } else {
      }
      %mul3A_336 = arith.constant 4 : i32
      %mul3A_337 = arith.muli %mul3A_336, %scan3A_276 : i32
      %add3A_338 = arith.constant 1 : i32
      %add3A_339 = arith.addi %mul3A_337, %add3A_338 : i32
      %mul3A_340 = arith.constant 16 : i32
      %mul3A_341 = arith.muli %add3A_339, %mul3A_340 : i32
      %dma_wait3A_342 = tpu.memref_slice %arg6[%mul3A_341] : memref<10240xi32, #tpu.memory_space<vmem>> -> memref<16xi32, #tpu.memory_space<vmem>>
      %dma_wait3A_343 = arith.constant 0 : i32
      %dma_wait3A_344 = arith.constant 0 : i32
      %dma_wait3A_345 = tpu.memref_slice %arg3[%dma_wait3A_343, %dma_wait3A_344] : memref<49408x768xf32, #tpu.memory_space<hbm>> -> memref<49408x768xf32, #tpu.memory_space<hbm>>
      tpu.wait_indirect_dma semaphore(%arg13 : memref<!tpu.dma_semaphore, #tpu.memory_space<semaphore_mem>>) src(%dma_wait3A_345 : memref<49408x768xf32, #tpu.memory_space<hbm>>) dst(%arg9 : memref<16x768xf32, #tpu.memory_space<vmem>>)
      %mul3A_346 = arith.constant 8 : i32
      %mul3A_347 = arith.muli %select_n3A_330, %mul3A_346 : i32
      %scan3A_348 = arith.constant 0 : i32
      %scan3A_349 = arith.constant 0 : i32
      %scan3A_350 = arith.constant 8 : i32
      %scan3A_351 = arith.addi %scan3A_349, %scan3A_350 : i32
      %scan3A_352 = arith.constant 1 : i32
      scf.for %scan3A_522 = %scan3A_349 to %scan3A_351 step %scan3A_352  : i32 {
        %add3A_523 = arith.addi %mul3A_347, %scan3A_522 : i32
        %parallel_loop3A = arith.constant 0 : i32
        %parallel_loop3A_524 = arith.constant 48 : i32
        %parallel_loop3A_525 = arith.constant 1 : i32
        scf.for %parallel_loop3A_526 = %parallel_loop3A to %parallel_loop3A_524 step %parallel_loop3A_525  : i32 {
          %parallel_loop3A_527 = arith.constant 16 : i32
          %parallel_loop3A_528 = arith.muli %parallel_loop3A_526, %parallel_loop3A_527 : i32
          %parallel_loop3A_529 = arith.index_cast %add3A_523 : i32 to index
          %parallel_loop3A_530 = arith.index_cast %parallel_loop3A_528 : i32 to index
          %parallel_loop3A_531 = tpu.vector_load %arg7[%parallel_loop3A_529, %parallel_loop3A_530] {strides = array<i32>} : memref<77x768xf32, #tpu.memory_space<vmem>>, vector<1x16xf32>,
          %parallel_loop3A_532 = vector.shape_cast %parallel_loop3A_531 : vector<1x16xf32> to vector<16xf32>
          %parallel_loop3A_533 = arith.index_cast %scan3A_522 : i32 to index
          %parallel_loop3A_534 = arith.index_cast %parallel_loop3A_528 : i32 to index
          %parallel_loop3A_535 = tpu.vector_load %arg9[%parallel_loop3A_533, %parallel_loop3A_534] {strides = array<i32>} : memref<16x768xf32, #tpu.memory_space<vmem>>, vector<1x16xf32>,
          %parallel_loop3A_536 = vector.shape_cast %parallel_loop3A_535 : vector<1x16xf32> to vector<16xf32>
          %parallel_loop3A_537 = vector.shape_cast %parallel_loop3A_532 : vector<16xf32> to vector<1x16xf32>
          tpu.vector_store %arg9[%parallel_loop3A_533, %parallel_loop3A_534], %parallel_loop3A_537 {add = true, strides = array<i32>} : memref<16x768xf32, #tpu.memory_space<vmem>>, vector<1x16xf32>,
          %parallel_loop3A_538 = arith.constant 8 : i32
          %parallel_loop3A_539 = arith.addi %parallel_loop3A_538, %scan3A_522 : i32
          %parallel_loop3A_540 = arith.index_cast %parallel_loop3A_539 : i32 to index
          %parallel_loop3A_541 = arith.index_cast %parallel_loop3A_528 : i32 to index
          %parallel_loop3A_542 = tpu.vector_load %arg9[%parallel_loop3A_540, %parallel_loop3A_541] {strides = array<i32>} : memref<16x768xf32, #tpu.memory_space<vmem>>, vector<1x16xf32>,
          %parallel_loop3A_543 = vector.shape_cast %parallel_loop3A_542 : vector<1x16xf32> to vector<16xf32>
          %parallel_loop3A_544 = vector.shape_cast %parallel_loop3A_532 : vector<16xf32> to vector<1x16xf32>
          tpu.vector_store %arg9[%parallel_loop3A_540, %parallel_loop3A_541], %parallel_loop3A_544 {add = true, strides = array<i32>} : memref<16x768xf32, #tpu.memory_space<vmem>>, vector<1x16xf32>,
        } {sc.loop_unroll_factor = 8 : i64, sc.parallel_access}
      }
      %scan3A_353 = arith.constant 8 : i32
      %mul3A_354 = arith.constant 2 : i32
      %mul3A_355 = arith.muli %mul3A_354, %add3A_327 : i32
      %add3A_356 = arith.addi %mul3A_2, %mul3A_355 : i32
      %dma_start3A_357 = arith.constant 0 : i32
      %dma_start3A_358 = arith.constant 0 : i32
      %dma_start3A_359 = tpu.memref_slice %arg9[%dma_start3A_357, %dma_start3A_358] : memref<16x768xf32, #tpu.memory_space<vmem>> -> memref<8x768xf32, #tpu.memory_space<vmem>>
      %dma_start3A_360 = arith.constant 0 : i32
      %dma_start3A_361 = tpu.memref_slice %arg5[%add3A_356, %mul3A_347, %dma_start3A_360] : memref<4096x77x768xf32, #tpu.memory_space<hbm>> -> memref<1x8x768xf32, #tpu.memory_space<hbm>>
      %dma_start3A_362 = tpu.memref_squeeze %dma_start3A_361 : memref<1x8x768xf32, #tpu.memory_space<hbm>> -> memref<8x768xf32, #tpu.memory_space<hbm>>
      %dma_start3A_363 = arith.constant 0 : i32
      %dma_start3A_364 = tpu.memref_slice %arg5[%add3A_356, %mul3A_347, %dma_start3A_363] : memref<4096x77x768xf32, #tpu.memory_space<hbm>> -> memref<1x8x768xf32, #tpu.memory_space<hbm>>
      %dma_start3A_365 = tpu.memref_squeeze %dma_start3A_364 : memref<1x8x768xf32, #tpu.memory_space<hbm>> -> memref<8x768xf32, #tpu.memory_space<hbm>>
      %dma_start3A_366 = arith.constant 0 : i32
      %dma_start3A_367 = arith.constant 0 : i32
      %dma_start3A_368 = tpu.memref_slice %arg9[%dma_start3A_366, %dma_start3A_367] : memref<16x768xf32, #tpu.memory_space<vmem>> -> memref<8x768xf32, #tpu.memory_space<vmem>>
      tpu.enqueue_dma source(%dma_start3A_368 : memref<8x768xf32, #tpu.memory_space<vmem>>) target(%dma_start3A_365 : memref<8x768xf32, #tpu.memory_space<hbm>>) target_semaphore(%arg17 : memref<!tpu.dma_semaphore, #tpu.memory_space<semaphore_mem>>)
      %add3A_369 = arith.constant 1 : i32
      %add3A_370 = arith.addi %add3A_356, %add3A_369 : i32
      %dma_start3A_371 = arith.constant 8 : i32
      %dma_start3A_372 = arith.constant 0 : i32
      %dma_start3A_373 = tpu.memref_slice %arg9[%dma_start3A_371, %dma_start3A_372] : memref<16x768xf32, #tpu.memory_space<vmem>> -> memref<8x768xf32, #tpu.memory_space<vmem>>
      %dma_start3A_374 = arith.constant 0 : i32
      %dma_start3A_375 = tpu.memref_slice %arg5[%add3A_370, %mul3A_347, %dma_start3A_374] : memref<4096x77x768xf32, #tpu.memory_space<hbm>> -> memref<1x8x768xf32, #tpu.memory_space<hbm>>
      %dma_start3A_376 = tpu.memref_squeeze %dma_start3A_375 : memref<1x8x768xf32, #tpu.memory_space<hbm>> -> memref<8x768xf32, #tpu.memory_space<hbm>>
      %dma_start3A_377 = arith.constant 0 : i32
      %dma_start3A_378 = tpu.memref_slice %arg5[%add3A_370, %mul3A_347, %dma_start3A_377] : memref<4096x77x768xf32, #tpu.memory_space<hbm>> -> memref<1x8x768xf32, #tpu.memory_space<hbm>>
      %dma_start3A_379 = tpu.memref_squeeze %dma_start3A_378 : memref<1x8x768xf32, #tpu.memory_space<hbm>> -> memref<8x768xf32, #tpu.memory_space<hbm>>
      %dma_start3A_380 = arith.constant 8 : i32
      %dma_start3A_381 = arith.constant 0 : i32
      %dma_start3A_382 = tpu.memref_slice %arg9[%dma_start3A_380, %dma_start3A_381] : memref<16x768xf32, #tpu.memory_space<vmem>> -> memref<8x768xf32, #tpu.memory_space<vmem>>
      tpu.enqueue_dma source(%dma_start3A_382 : memref<8x768xf32, #tpu.memory_space<vmem>>) target(%dma_start3A_379 : memref<8x768xf32, #tpu.memory_space<hbm>>) target_semaphore(%arg17 : memref<!tpu.dma_semaphore, #tpu.memory_space<semaphore_mem>>)
      %eq3A_383 = arith.constant 8 : i32
      %eq3A_384 = arith.cmpi eq, %select_n3A_330, %eq3A_383 : i32
      %convert_element_type3A_385 = arith.extui %eq3A_384 : i1 to i32
      %add3A_386 = arith.addi %add3A_327, %convert_element_type3A_385 : i32
      %add3A_387 = arith.constant 1 : i32
      %add3A_388 = arith.addi %select_n3A_330, %add3A_387 : i32
      %select_n3A_389 = arith.constant 0 : i32
      %select_n3A_390 = arith.select %eq3A_384, %select_n3A_389, %add3A_388 : i32
      %add3A_391 = arith.constant 2 : i32
      %add3A_392 = arith.addi %add3A_339, %add3A_391 : i32
      %lt3A_393 = arith.constant 576 : i32
      %lt3A_394 = arith.cmpi slt, %add3A_392, %lt3A_393 : i32
      %convert_element_type3A_395 = arith.extui %lt3A_394 : i1 to i32
      %cond3A_396 = arith.constant 0 : i32
      %cond3A_397 = arith.cmpi ne, %convert_element_type3A_395, %cond3A_396 : i32
      scf.if %cond3A_397 {
        %gt3A = arith.constant 0 : i32
        %gt3A_522 = arith.cmpi sgt, %scan3A_276, %gt3A : i32
        %convert_element_type3A_523 = arith.extui %gt3A_522 : i1 to i32
        %cond3A_524 = arith.constant 0 : i32
        %cond3A_525 = arith.cmpi ne, %convert_element_type3A_523, %cond3A_524 : i32
        scf.if %cond3A_525 {
          %dma_wait3A_531 = arith.constant 0 : i32
          %dma_wait3A_532 = arith.constant 0 : i32
          %dma_wait3A_533 = arith.constant 0 : i32
          %dma_wait3A_534 = tpu.memref_slice %arg11[%dma_wait3A_532, %dma_wait3A_533] : memref<16x768xf32, #tpu.memory_space<vmem>> -> memref<8x768xf32, #tpu.memory_space<vmem>>
          %dma_wait3A_535 = arith.constant 0 : i32
          %dma_wait3A_536 = arith.constant 0 : i32
          %dma_wait3A_537 = tpu.memref_slice %arg5[%dma_wait3A_531, %dma_wait3A_535, %dma_wait3A_536] : memref<4096x77x768xf32, #tpu.memory_space<hbm>> -> memref<1x8x768xf32, #tpu.memory_space<hbm>>
          %dma_wait3A_538 = tpu.memref_squeeze %dma_wait3A_537 : memref<1x8x768xf32, #tpu.memory_space<hbm>> -> memref<8x768xf32, #tpu.memory_space<hbm>>
          %dma_wait3A_539 = arith.constant 0 : i32
          %dma_wait3A_540 = arith.constant 0 : i32
          %dma_wait3A_541 = tpu.memref_slice %arg5[%dma_wait3A_531, %dma_wait3A_539, %dma_wait3A_540] : memref<4096x77x768xf32, #tpu.memory_space<hbm>> -> memref<1x8x768xf32, #tpu.memory_space<hbm>>
          %dma_wait3A_542 = tpu.memref_squeeze %dma_wait3A_541 : memref<1x8x768xf32, #tpu.memory_space<hbm>> -> memref<8x768xf32, #tpu.memory_space<hbm>>
          %dma_wait3A_543 = arith.constant 0 : i32
          %dma_wait3A_544 = arith.constant 0 : i32
          %dma_wait3A_545 = tpu.memref_slice %arg11[%dma_wait3A_543, %dma_wait3A_544] : memref<16x768xf32, #tpu.memory_space<vmem>> -> memref<8x768xf32, #tpu.memory_space<vmem>>
          tpu.wait_dma2 semaphore(%arg19 : memref<!tpu.dma_semaphore, #tpu.memory_space<semaphore_mem>>) src(%dma_wait3A_545 : memref<8x768xf32, #tpu.memory_space<vmem>>) dst(%dma_wait3A_542 : memref<8x768xf32, #tpu.memory_space<hbm>>)
          %dma_wait3A_546 = arith.constant 0 : i32
          %dma_wait3A_547 = arith.constant 8 : i32
          %dma_wait3A_548 = arith.constant 0 : i32
          %dma_wait3A_549 = tpu.memref_slice %arg11[%dma_wait3A_547, %dma_wait3A_548] : memref<16x768xf32, #tpu.memory_space<vmem>> -> memref<8x768xf32, #tpu.memory_space<vmem>>
          %dma_wait3A_550 = arith.constant 0 : i32
          %dma_wait3A_551 = arith.constant 0 : i32
          %dma_wait3A_552 = tpu.memref_slice %arg5[%dma_wait3A_546, %dma_wait3A_550, %dma_wait3A_551] : memref<4096x77x768xf32, #tpu.memory_space<hbm>> -> memref<1x8x768xf32, #tpu.memory_space<hbm>>
          %dma_wait3A_553 = tpu.memref_squeeze %dma_wait3A_552 : memref<1x8x768xf32, #tpu.memory_space<hbm>> -> memref<8x768xf32, #tpu.memory_space<hbm>>
          %dma_wait3A_554 = arith.constant 0 : i32
          %dma_wait3A_555 = arith.constant 0 : i32
          %dma_wait3A_556 = tpu.memref_slice %arg5[%dma_wait3A_546, %dma_wait3A_554, %dma_wait3A_555] : memref<4096x77x768xf32, #tpu.memory_space<hbm>> -> memref<1x8x768xf32, #tpu.memory_space<hbm>>
          %dma_wait3A_557 = tpu.memref_squeeze %dma_wait3A_556 : memref<1x8x768xf32, #tpu.memory_space<hbm>> -> memref<8x768xf32, #tpu.memory_space<hbm>>
          %dma_wait3A_558 = arith.constant 8 : i32
          %dma_wait3A_559 = arith.constant 0 : i32
          %dma_wait3A_560 = tpu.memref_slice %arg11[%dma_wait3A_558, %dma_wait3A_559] : memref<16x768xf32, #tpu.memory_space<vmem>> -> memref<8x768xf32, #tpu.memory_space<vmem>>
          tpu.wait_dma2 semaphore(%arg19 : memref<!tpu.dma_semaphore, #tpu.memory_space<semaphore_mem>>) src(%dma_wait3A_560 : memref<8x768xf32, #tpu.memory_space<vmem>>) dst(%dma_wait3A_557 : memref<8x768xf32, #tpu.memory_space<hbm>>)
          %add3A_561 = arith.constant 2 : i32
          %add3A_562 = arith.addi %add3A_339, %add3A_561 : i32
          %mul3A_563 = arith.constant 16 : i32
          %mul3A_564 = arith.muli %add3A_562, %mul3A_563 : i32
          %dma_start3A_565 = tpu.memref_slice %arg6[%mul3A_564] : memref<10240xi32, #tpu.memory_space<vmem>> -> memref<16xi32, #tpu.memory_space<vmem>>
          %dma_start3A_566 = arith.constant 0 : i32
          %dma_start3A_567 = arith.constant 0 : i32
          %dma_start3A_568 = tpu.memref_slice %arg3[%dma_start3A_566, %dma_start3A_567] : memref<49408x768xf32, #tpu.memory_space<hbm>> -> memref<49408x768xf32, #tpu.memory_space<hbm>>
          tpu.enqueue_indirect_dma source(%dma_start3A_568 : memref<49408x768xf32, #tpu.memory_space<hbm>>) target(%arg11 : memref<16x768xf32, #tpu.memory_space<vmem>>) offsets(%dma_start3A_565 : memref<16xi32, #tpu.memory_space<vmem>>) semaphore(%arg15 : memref<!tpu.dma_semaphore, #tpu.memory_space<semaphore_mem>>)
        } else {
        }
        %eq3A_526 = arith.constant 0 : i32
        %eq3A_527 = arith.cmpi eq, %scan3A_276, %eq3A_526 : i32
        %convert_element_type3A_528 = arith.extui %eq3A_527 : i1 to i32
        %cond3A_529 = arith.constant 0 : i32
        %cond3A_530 = arith.cmpi ne, %convert_element_type3A_528, %cond3A_529 : i32
        scf.if %cond3A_530 {
          %add3A_531 = arith.constant 2 : i32
          %add3A_532 = arith.addi %add3A_339, %add3A_531 : i32
          %mul3A_533 = arith.constant 16 : i32
          %mul3A_534 = arith.muli %add3A_532, %mul3A_533 : i32
          %dma_start3A_535 = tpu.memref_slice %arg6[%mul3A_534] : memref<10240xi32, #tpu.memory_space<vmem>> -> memref<16xi32, #tpu.memory_space<vmem>>
          %dma_start3A_536 = arith.constant 0 : i32
          %dma_start3A_537 = arith.constant 0 : i32
          %dma_start3A_538 = tpu.memref_slice %arg3[%dma_start3A_536, %dma_start3A_537] : memref<49408x768xf32, #tpu.memory_space<hbm>> -> memref<49408x768xf32, #tpu.memory_space<hbm>>
          tpu.enqueue_indirect_dma source(%dma_start3A_538 : memref<49408x768xf32, #tpu.memory_space<hbm>>) target(%arg11 : memref<16x768xf32, #tpu.memory_space<vmem>>) offsets(%dma_start3A_535 : memref<16xi32, #tpu.memory_space<vmem>>) semaphore(%arg15 : memref<!tpu.dma_semaphore, #tpu.memory_space<semaphore_mem>>)
        } else {
        }
      } else {
      }
      %mul3A_398 = arith.constant 4 : i32
      %mul3A_399 = arith.muli %mul3A_398, %scan3A_276 : i32
      %add3A_400 = arith.constant 2 : i32
      %add3A_401 = arith.addi %mul3A_399, %add3A_400 : i32
      %mul3A_402 = arith.constant 16 : i32
      %mul3A_403 = arith.muli %add3A_401, %mul3A_402 : i32
      %dma_wait3A_404 = tpu.memref_slice %arg6[%mul3A_403] : memref<10240xi32, #tpu.memory_space<vmem>> -> memref<16xi32, #tpu.memory_space<vmem>>
      %dma_wait3A_405 = arith.constant 0 : i32
      %dma_wait3A_406 = arith.constant 0 : i32
      %dma_wait3A_407 = tpu.memref_slice %arg3[%dma_wait3A_405, %dma_wait3A_406] : memref<49408x768xf32, #tpu.memory_space<hbm>> -> memref<49408x768xf32, #tpu.memory_space<hbm>>
      tpu.wait_indirect_dma semaphore(%arg14 : memref<!tpu.dma_semaphore, #tpu.memory_space<semaphore_mem>>) src(%dma_wait3A_407 : memref<49408x768xf32, #tpu.memory_space<hbm>>) dst(%arg10 : memref<16x768xf32, #tpu.memory_space<vmem>>)
      %mul3A_408 = arith.constant 8 : i32
      %mul3A_409 = arith.muli %select_n3A_390, %mul3A_408 : i32
      %scan3A_410 = arith.constant 0 : i32
      %scan3A_411 = arith.constant 0 : i32
      %scan3A_412 = arith.constant 8 : i32
      %scan3A_413 = arith.addi %scan3A_411, %scan3A_412 : i32
      %scan3A_414 = arith.constant 1 : i32
      scf.for %scan3A_522 = %scan3A_411 to %scan3A_413 step %scan3A_414  : i32 {
        %add3A_523 = arith.addi %mul3A_409, %scan3A_522 : i32
        %parallel_loop3A = arith.constant 0 : i32
        %parallel_loop3A_524 = arith.constant 48 : i32
        %parallel_loop3A_525 = arith.constant 1 : i32
        scf.for %parallel_loop3A_526 = %parallel_loop3A to %parallel_loop3A_524 step %parallel_loop3A_525  : i32 {
          %parallel_loop3A_527 = arith.constant 16 : i32
          %parallel_loop3A_528 = arith.muli %parallel_loop3A_526, %parallel_loop3A_527 : i32
          %parallel_loop3A_529 = arith.index_cast %add3A_523 : i32 to index
          %parallel_loop3A_530 = arith.index_cast %parallel_loop3A_528 : i32 to index
          %parallel_loop3A_531 = tpu.vector_load %arg7[%parallel_loop3A_529, %parallel_loop3A_530] {strides = array<i32>} : memref<77x768xf32, #tpu.memory_space<vmem>>, vector<1x16xf32>,
          %parallel_loop3A_532 = vector.shape_cast %parallel_loop3A_531 : vector<1x16xf32> to vector<16xf32>
          %parallel_loop3A_533 = arith.index_cast %scan3A_522 : i32 to index
          %parallel_loop3A_534 = arith.index_cast %parallel_loop3A_528 : i32 to index
          %parallel_loop3A_535 = tpu.vector_load %arg10[%parallel_loop3A_533, %parallel_loop3A_534] {strides = array<i32>} : memref<16x768xf32, #tpu.memory_space<vmem>>, vector<1x16xf32>,
          %parallel_loop3A_536 = vector.shape_cast %parallel_loop3A_535 : vector<1x16xf32> to vector<16xf32>
          %parallel_loop3A_537 = vector.shape_cast %parallel_loop3A_532 : vector<16xf32> to vector<1x16xf32>
          tpu.vector_store %arg10[%parallel_loop3A_533, %parallel_loop3A_534], %parallel_loop3A_537 {add = true, strides = array<i32>} : memref<16x768xf32, #tpu.memory_space<vmem>>, vector<1x16xf32>,
          %parallel_loop3A_538 = arith.constant 8 : i32
          %parallel_loop3A_539 = arith.addi %parallel_loop3A_538, %scan3A_522 : i32
          %parallel_loop3A_540 = arith.index_cast %parallel_loop3A_539 : i32 to index
          %parallel_loop3A_541 = arith.index_cast %parallel_loop3A_528 : i32 to index
          %parallel_loop3A_542 = tpu.vector_load %arg10[%parallel_loop3A_540, %parallel_loop3A_541] {strides = array<i32>} : memref<16x768xf32, #tpu.memory_space<vmem>>, vector<1x16xf32>,
          %parallel_loop3A_543 = vector.shape_cast %parallel_loop3A_542 : vector<1x16xf32> to vector<16xf32>
          %parallel_loop3A_544 = vector.shape_cast %parallel_loop3A_532 : vector<16xf32> to vector<1x16xf32>
          tpu.vector_store %arg10[%parallel_loop3A_540, %parallel_loop3A_541], %parallel_loop3A_544 {add = true, strides = array<i32>} : memref<16x768xf32, #tpu.memory_space<vmem>>, vector<1x16xf32>,
        } {sc.loop_unroll_factor = 8 : i64, sc.parallel_access}
      }
      %scan3A_415 = arith.constant 8 : i32
      %mul3A_416 = arith.constant 2 : i32
      %mul3A_417 = arith.muli %mul3A_416, %add3A_386 : i32
      %add3A_418 = arith.addi %mul3A_2, %mul3A_417 : i32
      %dma_start3A_419 = arith.constant 0 : i32
      %dma_start3A_420 = arith.constant 0 : i32
      %dma_start3A_421 = tpu.memref_slice %arg10[%dma_start3A_419, %dma_start3A_420] : memref<16x768xf32, #tpu.memory_space<vmem>> -> memref<8x768xf32, #tpu.memory_space<vmem>>
      %dma_start3A_422 = arith.constant 0 : i32
      %dma_start3A_423 = tpu.memref_slice %arg5[%add3A_418, %mul3A_409, %dma_start3A_422] : memref<4096x77x768xf32, #tpu.memory_space<hbm>> -> memref<1x8x768xf32, #tpu.memory_space<hbm>>
      %dma_start3A_424 = tpu.memref_squeeze %dma_start3A_423 : memref<1x8x768xf32, #tpu.memory_space<hbm>> -> memref<8x768xf32, #tpu.memory_space<hbm>>
      %dma_start3A_425 = arith.constant 0 : i32
      %dma_start3A_426 = tpu.memref_slice %arg5[%add3A_418, %mul3A_409, %dma_start3A_425] : memref<4096x77x768xf32, #tpu.memory_space<hbm>> -> memref<1x8x768xf32, #tpu.memory_space<hbm>>
      %dma_start3A_427 = tpu.memref_squeeze %dma_start3A_426 : memref<1x8x768xf32, #tpu.memory_space<hbm>> -> memref<8x768xf32, #tpu.memory_space<hbm>>
      %dma_start3A_428 = arith.constant 0 : i32
      %dma_start3A_429 = arith.constant 0 : i32
      %dma_start3A_430 = tpu.memref_slice %arg10[%dma_start3A_428, %dma_start3A_429] : memref<16x768xf32, #tpu.memory_space<vmem>> -> memref<8x768xf32, #tpu.memory_space<vmem>>
      tpu.enqueue_dma source(%dma_start3A_430 : memref<8x768xf32, #tpu.memory_space<vmem>>) target(%dma_start3A_427 : memref<8x768xf32, #tpu.memory_space<hbm>>) target_semaphore(%arg18 : memref<!tpu.dma_semaphore, #tpu.memory_space<semaphore_mem>>)
      %add3A_431 = arith.constant 1 : i32
      %add3A_432 = arith.addi %add3A_418, %add3A_431 : i32
      %dma_start3A_433 = arith.constant 8 : i32
      %dma_start3A_434 = arith.constant 0 : i32
      %dma_start3A_435 = tpu.memref_slice %arg10[%dma_start3A_433, %dma_start3A_434] : memref<16x768xf32, #tpu.memory_space<vmem>> -> memref<8x768xf32, #tpu.memory_space<vmem>>
      %dma_start3A_436 = arith.constant 0 : i32
      %dma_start3A_437 = tpu.memref_slice %arg5[%add3A_432, %mul3A_409, %dma_start3A_436] : memref<4096x77x768xf32, #tpu.memory_space<hbm>> -> memref<1x8x768xf32, #tpu.memory_space<hbm>>
      %dma_start3A_438 = tpu.memref_squeeze %dma_start3A_437 : memref<1x8x768xf32, #tpu.memory_space<hbm>> -> memref<8x768xf32, #tpu.memory_space<hbm>>
      %dma_start3A_439 = arith.constant 0 : i32
      %dma_start3A_440 = tpu.memref_slice %arg5[%add3A_432, %mul3A_409, %dma_start3A_439] : memref<4096x77x768xf32, #tpu.memory_space<hbm>> -> memref<1x8x768xf32, #tpu.memory_space<hbm>>
      %dma_start3A_441 = tpu.memref_squeeze %dma_start3A_440 : memref<1x8x768xf32, #tpu.memory_space<hbm>> -> memref<8x768xf32, #tpu.memory_space<hbm>>
      %dma_start3A_442 = arith.constant 8 : i32
      %dma_start3A_443 = arith.constant 0 : i32
      %dma_start3A_444 = tpu.memref_slice %arg10[%dma_start3A_442, %dma_start3A_443] : memref<16x768xf32, #tpu.memory_space<vmem>> -> memref<8x768xf32, #tpu.memory_space<vmem>>
      tpu.enqueue_dma source(%dma_start3A_444 : memref<8x768xf32, #tpu.memory_space<vmem>>) target(%dma_start3A_441 : memref<8x768xf32, #tpu.memory_space<hbm>>) target_semaphore(%arg18 : memref<!tpu.dma_semaphore, #tpu.memory_space<semaphore_mem>>)
      %eq3A_445 = arith.constant 8 : i32
      %eq3A_446 = arith.cmpi eq, %select_n3A_390, %eq3A_445 : i32
      %convert_element_type3A_447 = arith.extui %eq3A_446 : i1 to i32
      %add3A_448 = arith.addi %add3A_386, %convert_element_type3A_447 : i32
      %add3A_449 = arith.constant 1 : i32
      %add3A_450 = arith.addi %select_n3A_390, %add3A_449 : i32
      %select_n3A_451 = arith.constant 0 : i32
      %select_n3A_452 = arith.select %eq3A_446, %select_n3A_451, %add3A_450 : i32
      %add3A_453 = arith.constant 2 : i32
      %add3A_454 = arith.addi %add3A_401, %add3A_453 : i32
      %lt3A_455 = arith.constant 576 : i32
      %lt3A_456 = arith.cmpi slt, %add3A_454, %lt3A_455 : i32
      %convert_element_type3A_457 = arith.extui %lt3A_456 : i1 to i32
      %cond3A_458 = arith.constant 0 : i32
      %cond3A_459 = arith.cmpi ne, %convert_element_type3A_457, %cond3A_458 : i32
      scf.if %cond3A_459 {
        %dma_wait3A_522 = arith.constant 0 : i32
        %dma_wait3A_523 = arith.constant 0 : i32
        %dma_wait3A_524 = arith.constant 0 : i32
        %dma_wait3A_525 = tpu.memref_slice %arg8[%dma_wait3A_523, %dma_wait3A_524] : memref<16x768xf32, #tpu.memory_space<vmem>> -> memref<8x768xf32, #tpu.memory_space<vmem>>
        %dma_wait3A_526 = arith.constant 0 : i32
        %dma_wait3A_527 = arith.constant 0 : i32
        %dma_wait3A_528 = tpu.memref_slice %arg5[%dma_wait3A_522, %dma_wait3A_526, %dma_wait3A_527] : memref<4096x77x768xf32, #tpu.memory_space<hbm>> -> memref<1x8x768xf32, #tpu.memory_space<hbm>>
        %dma_wait3A_529 = tpu.memref_squeeze %dma_wait3A_528 : memref<1x8x768xf32, #tpu.memory_space<hbm>> -> memref<8x768xf32, #tpu.memory_space<hbm>>
        %dma_wait3A_530 = arith.constant 0 : i32
        %dma_wait3A_531 = arith.constant 0 : i32
        %dma_wait3A_532 = tpu.memref_slice %arg5[%dma_wait3A_522, %dma_wait3A_530, %dma_wait3A_531] : memref<4096x77x768xf32, #tpu.memory_space<hbm>> -> memref<1x8x768xf32, #tpu.memory_space<hbm>>
        %dma_wait3A_533 = tpu.memref_squeeze %dma_wait3A_532 : memref<1x8x768xf32, #tpu.memory_space<hbm>> -> memref<8x768xf32, #tpu.memory_space<hbm>>
        %dma_wait3A_534 = arith.constant 0 : i32
        %dma_wait3A_535 = arith.constant 0 : i32
        %dma_wait3A_536 = tpu.memref_slice %arg8[%dma_wait3A_534, %dma_wait3A_535] : memref<16x768xf32, #tpu.memory_space<vmem>> -> memref<8x768xf32, #tpu.memory_space<vmem>>
        tpu.wait_dma2 semaphore(%arg16 : memref<!tpu.dma_semaphore, #tpu.memory_space<semaphore_mem>>) src(%dma_wait3A_536 : memref<8x768xf32, #tpu.memory_space<vmem>>) dst(%dma_wait3A_533 : memref<8x768xf32, #tpu.memory_space<hbm>>)
        %dma_wait3A_537 = arith.constant 0 : i32
        %dma_wait3A_538 = arith.constant 8 : i32
        %dma_wait3A_539 = arith.constant 0 : i32
        %dma_wait3A_540 = tpu.memref_slice %arg8[%dma_wait3A_538, %dma_wait3A_539] : memref<16x768xf32, #tpu.memory_space<vmem>> -> memref<8x768xf32, #tpu.memory_space<vmem>>
        %dma_wait3A_541 = arith.constant 0 : i32
        %dma_wait3A_542 = arith.constant 0 : i32
        %dma_wait3A_543 = tpu.memref_slice %arg5[%dma_wait3A_537, %dma_wait3A_541, %dma_wait3A_542] : memref<4096x77x768xf32, #tpu.memory_space<hbm>> -> memref<1x8x768xf32, #tpu.memory_space<hbm>>
        %dma_wait3A_544 = tpu.memref_squeeze %dma_wait3A_543 : memref<1x8x768xf32, #tpu.memory_space<hbm>> -> memref<8x768xf32, #tpu.memory_space<hbm>>
        %dma_wait3A_545 = arith.constant 0 : i32
        %dma_wait3A_546 = arith.constant 0 : i32
        %dma_wait3A_547 = tpu.memref_slice %arg5[%dma_wait3A_537, %dma_wait3A_545, %dma_wait3A_546] : memref<4096x77x768xf32, #tpu.memory_space<hbm>> -> memref<1x8x768xf32, #tpu.memory_space<hbm>>
        %dma_wait3A_548 = tpu.memref_squeeze %dma_wait3A_547 : memref<1x8x768xf32, #tpu.memory_space<hbm>> -> memref<8x768xf32, #tpu.memory_space<hbm>>
        %dma_wait3A_549 = arith.constant 8 : i32
        %dma_wait3A_550 = arith.constant 0 : i32
        %dma_wait3A_551 = tpu.memref_slice %arg8[%dma_wait3A_549, %dma_wait3A_550] : memref<16x768xf32, #tpu.memory_space<vmem>> -> memref<8x768xf32, #tpu.memory_space<vmem>>
        tpu.wait_dma2 semaphore(%arg16 : memref<!tpu.dma_semaphore, #tpu.memory_space<semaphore_mem>>) src(%dma_wait3A_551 : memref<8x768xf32, #tpu.memory_space<vmem>>) dst(%dma_wait3A_548 : memref<8x768xf32, #tpu.memory_space<hbm>>)
        %add3A_552 = arith.constant 2 : i32
        %add3A_553 = arith.addi %add3A_401, %add3A_552 : i32
        %mul3A_554 = arith.constant 16 : i32
        %mul3A_555 = arith.muli %add3A_553, %mul3A_554 : i32
        %dma_start3A_556 = tpu.memref_slice %arg6[%mul3A_555] : memref<10240xi32, #tpu.memory_space<vmem>> -> memref<16xi32, #tpu.memory_space<vmem>>
        %dma_start3A_557 = arith.constant 0 : i32
        %dma_start3A_558 = arith.constant 0 : i32
        %dma_start3A_559 = tpu.memref_slice %arg3[%dma_start3A_557, %dma_start3A_558] : memref<49408x768xf32, #tpu.memory_space<hbm>> -> memref<49408x768xf32, #tpu.memory_space<hbm>>
        tpu.enqueue_indirect_dma source(%dma_start3A_559 : memref<49408x768xf32, #tpu.memory_space<hbm>>) target(%arg8 : memref<16x768xf32, #tpu.memory_space<vmem>>) offsets(%dma_start3A_556 : memref<16xi32, #tpu.memory_space<vmem>>) semaphore(%arg12 : memref<!tpu.dma_semaphore, #tpu.memory_space<semaphore_mem>>)
      } else {
      }
      %mul3A_460 = arith.constant 4 : i32
      %mul3A_461 = arith.muli %mul3A_460, %scan3A_276 : i32
      %add3A_462 = arith.constant 3 : i32
      %add3A_463 = arith.addi %mul3A_461, %add3A_462 : i32
      %mul3A_464 = arith.constant 16 : i32
      %mul3A_465 = arith.muli %add3A_463, %mul3A_464 : i32
      %dma_wait3A_466 = tpu.memref_slice %arg6[%mul3A_465] : memref<10240xi32, #tpu.memory_space<vmem>> -> memref<16xi32, #tpu.memory_space<vmem>>
      %dma_wait3A_467 = arith.constant 0 : i32
      %dma_wait3A_468 = arith.constant 0 : i32
      %dma_wait3A_469 = tpu.memref_slice %arg3[%dma_wait3A_467, %dma_wait3A_468] : memref<49408x768xf32, #tpu.memory_space<hbm>> -> memref<49408x768xf32, #tpu.memory_space<hbm>>
      tpu.wait_indirect_dma semaphore(%arg15 : memref<!tpu.dma_semaphore, #tpu.memory_space<semaphore_mem>>) src(%dma_wait3A_469 : memref<49408x768xf32, #tpu.memory_space<hbm>>) dst(%arg11 : memref<16x768xf32, #tpu.memory_space<vmem>>)
      %mul3A_470 = arith.constant 8 : i32
      %mul3A_471 = arith.muli %select_n3A_452, %mul3A_470 : i32
      %scan3A_472 = arith.constant 0 : i32
      %scan3A_473 = arith.constant 0 : i32
      %scan3A_474 = arith.constant 8 : i32
      %scan3A_475 = arith.addi %scan3A_473, %scan3A_474 : i32
      %scan3A_476 = arith.constant 1 : i32
      scf.for %scan3A_522 = %scan3A_473 to %scan3A_475 step %scan3A_476  : i32 {
        %add3A_523 = arith.addi %mul3A_471, %scan3A_522 : i32
        %parallel_loop3A = arith.constant 0 : i32
        %parallel_loop3A_524 = arith.constant 48 : i32
        %parallel_loop3A_525 = arith.constant 1 : i32
        scf.for %parallel_loop3A_526 = %parallel_loop3A to %parallel_loop3A_524 step %parallel_loop3A_525  : i32 {
          %parallel_loop3A_527 = arith.constant 16 : i32
          %parallel_loop3A_528 = arith.muli %parallel_loop3A_526, %parallel_loop3A_527 : i32
          %parallel_loop3A_529 = arith.index_cast %add3A_523 : i32 to index
          %parallel_loop3A_530 = arith.index_cast %parallel_loop3A_528 : i32 to index
          %parallel_loop3A_531 = tpu.vector_load %arg7[%parallel_loop3A_529, %parallel_loop3A_530] {strides = array<i32>} : memref<77x768xf32, #tpu.memory_space<vmem>>, vector<1x16xf32>,
          %parallel_loop3A_532 = vector.shape_cast %parallel_loop3A_531 : vector<1x16xf32> to vector<16xf32>
          %parallel_loop3A_533 = arith.index_cast %scan3A_522 : i32 to index
          %parallel_loop3A_534 = arith.index_cast %parallel_loop3A_528 : i32 to index
          %parallel_loop3A_535 = tpu.vector_load %arg11[%parallel_loop3A_533, %parallel_loop3A_534] {strides = array<i32>} : memref<16x768xf32, #tpu.memory_space<vmem>>, vector<1x16xf32>,
          %parallel_loop3A_536 = vector.shape_cast %parallel_loop3A_535 : vector<1x16xf32> to vector<16xf32>
          %parallel_loop3A_537 = vector.shape_cast %parallel_loop3A_532 : vector<16xf32> to vector<1x16xf32>
          tpu.vector_store %arg11[%parallel_loop3A_533, %parallel_loop3A_534], %parallel_loop3A_537 {add = true, strides = array<i32>} : memref<16x768xf32, #tpu.memory_space<vmem>>, vector<1x16xf32>,
          %parallel_loop3A_538 = arith.constant 8 : i32
          %parallel_loop3A_539 = arith.addi %parallel_loop3A_538, %scan3A_522 : i32
          %parallel_loop3A_540 = arith.index_cast %parallel_loop3A_539 : i32 to index
          %parallel_loop3A_541 = arith.index_cast %parallel_loop3A_528 : i32 to index
          %parallel_loop3A_542 = tpu.vector_load %arg11[%parallel_loop3A_540, %parallel_loop3A_541] {strides = array<i32>} : memref<16x768xf32, #tpu.memory_space<vmem>>, vector<1x16xf32>,
          %parallel_loop3A_543 = vector.shape_cast %parallel_loop3A_542 : vector<1x16xf32> to vector<16xf32>
          %parallel_loop3A_544 = vector.shape_cast %parallel_loop3A_532 : vector<16xf32> to vector<1x16xf32>
          tpu.vector_store %arg11[%parallel_loop3A_540, %parallel_loop3A_541], %parallel_loop3A_544 {add = true, strides = array<i32>} : memref<16x768xf32, #tpu.memory_space<vmem>>, vector<1x16xf32>,
        } {sc.loop_unroll_factor = 8 : i64, sc.parallel_access}
      }
      %scan3A_477 = arith.constant 8 : i32
      %mul3A_478 = arith.constant 2 : i32
      %mul3A_479 = arith.muli %mul3A_478, %add3A_448 : i32
      %add3A_480 = arith.addi %mul3A_2, %mul3A_479 : i32
      %dma_start3A_481 = arith.constant 0 : i32
      %dma_start3A_482 = arith.constant 0 : i32
      %dma_start3A_483 = tpu.memref_slice %arg11[%dma_start3A_481, %dma_start3A_482] : memref<16x768xf32, #tpu.memory_space<vmem>> -> memref<8x768xf32, #tpu.memory_space<vmem>>
      %dma_start3A_484 = arith.constant 0 : i32
      %dma_start3A_485 = tpu.memref_slice %arg5[%add3A_480, %mul3A_471, %dma_start3A_484] : memref<4096x77x768xf32, #tpu.memory_space<hbm>> -> memref<1x8x768xf32, #tpu.memory_space<hbm>>
      %dma_start3A_486 = tpu.memref_squeeze %dma_start3A_485 : memref<1x8x768xf32, #tpu.memory_space<hbm>> -> memref<8x768xf32, #tpu.memory_space<hbm>>
      %dma_start3A_487 = arith.constant 0 : i32
      %dma_start3A_488 = tpu.memref_slice %arg5[%add3A_480, %mul3A_471, %dma_start3A_487] : memref<4096x77x768xf32, #tpu.memory_space<hbm>> -> memref<1x8x768xf32, #tpu.memory_space<hbm>>
      %dma_start3A_489 = tpu.memref_squeeze %dma_start3A_488 : memref<1x8x768xf32, #tpu.memory_space<hbm>> -> memref<8x768xf32, #tpu.memory_space<hbm>>
      %dma_start3A_490 = arith.constant 0 : i32
      %dma_start3A_491 = arith.constant 0 : i32
      %dma_start3A_492 = tpu.memref_slice %arg11[%dma_start3A_490, %dma_start3A_491] : memref<16x768xf32, #tpu.memory_space<vmem>> -> memref<8x768xf32, #tpu.memory_space<vmem>>
      tpu.enqueue_dma source(%dma_start3A_492 : memref<8x768xf32, #tpu.memory_space<vmem>>) target(%dma_start3A_489 : memref<8x768xf32, #tpu.memory_space<hbm>>) target_semaphore(%arg19 : memref<!tpu.dma_semaphore, #tpu.memory_space<semaphore_mem>>)
      %add3A_493 = arith.constant 1 : i32
      %add3A_494 = arith.addi %add3A_480, %add3A_493 : i32
      %dma_start3A_495 = arith.constant 8 : i32
      %dma_start3A_496 = arith.constant 0 : i32
      %dma_start3A_497 = tpu.memref_slice %arg11[%dma_start3A_495, %dma_start3A_496] : memref<16x768xf32, #tpu.memory_space<vmem>> -> memref<8x768xf32, #tpu.memory_space<vmem>>
      %dma_start3A_498 = arith.constant 0 : i32
      %dma_start3A_499 = tpu.memref_slice %arg5[%add3A_494, %mul3A_471, %dma_start3A_498] : memref<4096x77x768xf32, #tpu.memory_space<hbm>> -> memref<1x8x768xf32, #tpu.memory_space<hbm>>
      %dma_start3A_500 = tpu.memref_squeeze %dma_start3A_499 : memref<1x8x768xf32, #tpu.memory_space<hbm>> -> memref<8x768xf32, #tpu.memory_space<hbm>>
      %dma_start3A_501 = arith.constant 0 : i32
      %dma_start3A_502 = tpu.memref_slice %arg5[%add3A_494, %mul3A_471, %dma_start3A_501] : memref<4096x77x768xf32, #tpu.memory_space<hbm>> -> memref<1x8x768xf32, #tpu.memory_space<hbm>>
      %dma_start3A_503 = tpu.memref_squeeze %dma_start3A_502 : memref<1x8x768xf32, #tpu.memory_space<hbm>> -> memref<8x768xf32, #tpu.memory_space<hbm>>
      %dma_start3A_504 = arith.constant 8 : i32
      %dma_start3A_505 = arith.constant 0 : i32
      %dma_start3A_506 = tpu.memref_slice %arg11[%dma_start3A_504, %dma_start3A_505] : memref<16x768xf32, #tpu.memory_space<vmem>> -> memref<8x768xf32, #tpu.memory_space<vmem>>
      tpu.enqueue_dma source(%dma_start3A_506 : memref<8x768xf32, #tpu.memory_space<vmem>>) target(%dma_start3A_503 : memref<8x768xf32, #tpu.memory_space<hbm>>) target_semaphore(%arg19 : memref<!tpu.dma_semaphore, #tpu.memory_space<semaphore_mem>>)
      %eq3A_507 = arith.constant 8 : i32
      %eq3A_508 = arith.cmpi eq, %select_n3A_452, %eq3A_507 : i32
      %convert_element_type3A_509 = arith.extui %eq3A_508 : i1 to i32
      %add3A_510 = arith.addi %add3A_448, %convert_element_type3A_509 : i32
      %add3A_511 = arith.constant 1 : i32
      %add3A_512 = arith.addi %select_n3A_452, %add3A_511 : i32
      %select_n3A_513 = arith.constant 0 : i32
      %select_n3A_514 = arith.select %eq3A_508, %select_n3A_513, %add3A_512 : i32
      %add3A_515 = arith.constant 2 : i32
      %add3A_516 = arith.addi %add3A_463, %add3A_515 : i32
      %lt3A_517 = arith.constant 576 : i32
      %lt3A_518 = arith.cmpi slt, %add3A_516, %lt3A_517 : i32
      %convert_element_type3A_519 = arith.extui %lt3A_518 : i1 to i32
      %cond3A_520 = arith.constant 0 : i32
      %cond3A_521 = arith.cmpi ne, %convert_element_type3A_519, %cond3A_520 : i32
      scf.if %cond3A_521 {
        %dma_wait3A_522 = arith.constant 0 : i32
        %dma_wait3A_523 = arith.constant 0 : i32
        %dma_wait3A_524 = arith.constant 0 : i32
        %dma_wait3A_525 = tpu.memref_slice %arg9[%dma_wait3A_523, %dma_wait3A_524] : memref<16x768xf32, #tpu.memory_space<vmem>> -> memref<8x768xf32, #tpu.memory_space<vmem>>
        %dma_wait3A_526 = arith.constant 0 : i32
        %dma_wait3A_527 = arith.constant 0 : i32
        %dma_wait3A_528 = tpu.memref_slice %arg5[%dma_wait3A_522, %dma_wait3A_526, %dma_wait3A_527] : memref<4096x77x768xf32, #tpu.memory_space<hbm>> -> memref<1x8x768xf32, #tpu.memory_space<hbm>>
        %dma_wait3A_529 = tpu.memref_squeeze %dma_wait3A_528 : memref<1x8x768xf32, #tpu.memory_space<hbm>> -> memref<8x768xf32, #tpu.memory_space<hbm>>
        %dma_wait3A_530 = arith.constant 0 : i32
        %dma_wait3A_531 = arith.constant 0 : i32
        %dma_wait3A_532 = tpu.memref_slice %arg5[%dma_wait3A_522, %dma_wait3A_530, %dma_wait3A_531] : memref<4096x77x768xf32, #tpu.memory_space<hbm>> -> memref<1x8x768xf32, #tpu.memory_space<hbm>>
        %dma_wait3A_533 = tpu.memref_squeeze %dma_wait3A_532 : memref<1x8x768xf32, #tpu.memory_space<hbm>> -> memref<8x768xf32, #tpu.memory_space<hbm>>
        %dma_wait3A_534 = arith.constant 0 : i32
        %dma_wait3A_535 = arith.constant 0 : i32
        %dma_wait3A_536 = tpu.memref_slice %arg9[%dma_wait3A_534, %dma_wait3A_535] : memref<16x768xf32, #tpu.memory_space<vmem>> -> memref<8x768xf32, #tpu.memory_space<vmem>>
        tpu.wait_dma2 semaphore(%arg17 : memref<!tpu.dma_semaphore, #tpu.memory_space<semaphore_mem>>) src(%dma_wait3A_536 : memref<8x768xf32, #tpu.memory_space<vmem>>) dst(%dma_wait3A_533 : memref<8x768xf32, #tpu.memory_space<hbm>>)
        %dma_wait3A_537 = arith.constant 0 : i32
        %dma_wait3A_538 = arith.constant 8 : i32
        %dma_wait3A_539 = arith.constant 0 : i32
        %dma_wait3A_540 = tpu.memref_slice %arg9[%dma_wait3A_538, %dma_wait3A_539] : memref<16x768xf32, #tpu.memory_space<vmem>> -> memref<8x768xf32, #tpu.memory_space<vmem>>
        %dma_wait3A_541 = arith.constant 0 : i32
        %dma_wait3A_542 = arith.constant 0 : i32
        %dma_wait3A_543 = tpu.memref_slice %arg5[%dma_wait3A_537, %dma_wait3A_541, %dma_wait3A_542] : memref<4096x77x768xf32, #tpu.memory_space<hbm>> -> memref<1x8x768xf32, #tpu.memory_space<hbm>>
        %dma_wait3A_544 = tpu.memref_squeeze %dma_wait3A_543 : memref<1x8x768xf32, #tpu.memory_space<hbm>> -> memref<8x768xf32, #tpu.memory_space<hbm>>
        %dma_wait3A_545 = arith.constant 0 : i32
        %dma_wait3A_546 = arith.constant 0 : i32
        %dma_wait3A_547 = tpu.memref_slice %arg5[%dma_wait3A_537, %dma_wait3A_545, %dma_wait3A_546] : memref<4096x77x768xf32, #tpu.memory_space<hbm>> -> memref<1x8x768xf32, #tpu.memory_space<hbm>>
        %dma_wait3A_548 = tpu.memref_squeeze %dma_wait3A_547 : memref<1x8x768xf32, #tpu.memory_space<hbm>> -> memref<8x768xf32, #tpu.memory_space<hbm>>
        %dma_wait3A_549 = arith.constant 8 : i32
        %dma_wait3A_550 = arith.constant 0 : i32
        %dma_wait3A_551 = tpu.memref_slice %arg9[%dma_wait3A_549, %dma_wait3A_550] : memref<16x768xf32, #tpu.memory_space<vmem>> -> memref<8x768xf32, #tpu.memory_space<vmem>>
        tpu.wait_dma2 semaphore(%arg17 : memref<!tpu.dma_semaphore, #tpu.memory_space<semaphore_mem>>) src(%dma_wait3A_551 : memref<8x768xf32, #tpu.memory_space<vmem>>) dst(%dma_wait3A_548 : memref<8x768xf32, #tpu.memory_space<hbm>>)
        %add3A_552 = arith.constant 2 : i32
        %add3A_553 = arith.addi %add3A_463, %add3A_552 : i32
        %mul3A_554 = arith.constant 16 : i32
        %mul3A_555 = arith.muli %add3A_553, %mul3A_554 : i32
        %dma_start3A_556 = tpu.memref_slice %arg6[%mul3A_555] : memref<10240xi32, #tpu.memory_space<vmem>> -> memref<16xi32, #tpu.memory_space<vmem>>
        %dma_start3A_557 = arith.constant 0 : i32
        %dma_start3A_558 = arith.constant 0 : i32
        %dma_start3A_559 = tpu.memref_slice %arg3[%dma_start3A_557, %dma_start3A_558] : memref<49408x768xf32, #tpu.memory_space<hbm>> -> memref<49408x768xf32, #tpu.memory_space<hbm>>
        tpu.enqueue_indirect_dma source(%dma_start3A_559 : memref<49408x768xf32, #tpu.memory_space<hbm>>) target(%arg9 : memref<16x768xf32, #tpu.memory_space<vmem>>) offsets(%dma_start3A_556 : memref<16xi32, #tpu.memory_space<vmem>>) semaphore(%arg13 : memref<!tpu.dma_semaphore, #tpu.memory_space<semaphore_mem>>)
      } else {
      }
      scf.yield %add3A_510, %select_n3A_514 : i32, i32
    }
    %scan3A_20 = arith.constant 144 : i32
    %dma_wait3A = arith.constant 0 : i32
    %dma_wait3A_21 = arith.constant 0 : i32
    %dma_wait3A_22 = arith.constant 0 : i32
    %dma_wait3A_23 = tpu.memref_slice %arg8[%dma_wait3A_21, %dma_wait3A_22] : memref<16x768xf32, #tpu.memory_space<vmem>> -> memref<8x768xf32, #tpu.memory_space<vmem>>
    %dma_wait3A_24 = arith.constant 0 : i32
    %dma_wait3A_25 = arith.constant 0 : i32
    %dma_wait3A_26 = tpu.memref_slice %arg5[%dma_wait3A, %dma_wait3A_24, %dma_wait3A_25] : memref<4096x77x768xf32, #tpu.memory_space<hbm>> -> memref<1x8x768xf32, #tpu.memory_space<hbm>>
    %dma_wait3A_27 = tpu.memref_squeeze %dma_wait3A_26 : memref<1x8x768xf32, #tpu.memory_space<hbm>> -> memref<8x768xf32, #tpu.memory_space<hbm>>
    %dma_wait3A_28 = arith.constant 0 : i32
    %dma_wait3A_29 = arith.constant 0 : i32
    %dma_wait3A_30 = tpu.memref_slice %arg5[%dma_wait3A, %dma_wait3A_28, %dma_wait3A_29] : memref<4096x77x768xf32, #tpu.memory_space<hbm>> -> memref<1x8x768xf32, #tpu.memory_space<hbm>>
    %dma_wait3A_31 = tpu.memref_squeeze %dma_wait3A_30 : memref<1x8x768xf32, #tpu.memory_space<hbm>> -> memref<8x768xf32, #tpu.memory_space<hbm>>
    %dma_wait3A_32 = arith.constant 0 : i32
    %dma_wait3A_33 = arith.constant 0 : i32
    %dma_wait3A_34 = tpu.memref_slice %arg8[%dma_wait3A_32, %dma_wait3A_33] : memref<16x768xf32, #tpu.memory_space<vmem>> -> memref<8x768xf32, #tpu.memory_space<vmem>>
    tpu.wait_dma2 semaphore(%arg16 : memref<!tpu.dma_semaphore, #tpu.memory_space<semaphore_mem>>) src(%dma_wait3A_34 : memref<8x768xf32, #tpu.memory_space<vmem>>) dst(%dma_wait3A_31 : memref<8x768xf32, #tpu.memory_space<hbm>>)
    %dma_wait3A_35 = arith.constant 0 : i32
    %dma_wait3A_36 = arith.constant 8 : i32
    %dma_wait3A_37 = arith.constant 0 : i32
    %dma_wait3A_38 = tpu.memref_slice %arg8[%dma_wait3A_36, %dma_wait3A_37] : memref<16x768xf32, #tpu.memory_space<vmem>> -> memref<8x768xf32, #tpu.memory_space<vmem>>
    %dma_wait3A_39 = arith.constant 0 : i32
    %dma_wait3A_40 = arith.constant 0 : i32
    %dma_wait3A_41 = tpu.memref_slice %arg5[%dma_wait3A_35, %dma_wait3A_39, %dma_wait3A_40] : memref<4096x77x768xf32, #tpu.memory_space<hbm>> -> memref<1x8x768xf32, #tpu.memory_space<hbm>>
    %dma_wait3A_42 = tpu.memref_squeeze %dma_wait3A_41 : memref<1x8x768xf32, #tpu.memory_space<hbm>> -> memref<8x768xf32, #tpu.memory_space<hbm>>
    %dma_wait3A_43 = arith.constant 0 : i32
    %dma_wait3A_44 = arith.constant 0 : i32
    %dma_wait3A_45 = tpu.memref_slice %arg5[%dma_wait3A_35, %dma_wait3A_43, %dma_wait3A_44] : memref<4096x77x768xf32, #tpu.memory_space<hbm>> -> memref<1x8x768xf32, #tpu.memory_space<hbm>>
    %dma_wait3A_46 = tpu.memref_squeeze %dma_wait3A_45 : memref<1x8x768xf32, #tpu.memory_space<hbm>> -> memref<8x768xf32, #tpu.memory_space<hbm>>
    %dma_wait3A_47 = arith.constant 8 : i32
    %dma_wait3A_48 = arith.constant 0 : i32
    %dma_wait3A_49 = tpu.memref_slice %arg8[%dma_wait3A_47, %dma_wait3A_48] : memref<16x768xf32, #tpu.memory_space<vmem>> -> memref<8x768xf32, #tpu.memory_space<vmem>>
    tpu.wait_dma2 semaphore(%arg16 : memref<!tpu.dma_semaphore, #tpu.memory_space<semaphore_mem>>) src(%dma_wait3A_49 : memref<8x768xf32, #tpu.memory_space<vmem>>) dst(%dma_wait3A_46 : memref<8x768xf32, #tpu.memory_space<hbm>>)
    %dma_wait3A_50 = arith.constant 0 : i32
    %dma_wait3A_51 = arith.constant 0 : i32
    %dma_wait3A_52 = arith.constant 0 : i32
    %dma_wait3A_53 = tpu.memref_slice %arg9[%dma_wait3A_51, %dma_wait3A_52] : memref<16x768xf32, #tpu.memory_space<vmem>> -> memref<8x768xf32, #tpu.memory_space<vmem>>
    %dma_wait3A_54 = arith.constant 0 : i32
    %dma_wait3A_55 = arith.constant 0 : i32
    %dma_wait3A_56 = tpu.memref_slice %arg5[%dma_wait3A_50, %dma_wait3A_54, %dma_wait3A_55] : memref<4096x77x768xf32, #tpu.memory_space<hbm>> -> memref<1x8x768xf32, #tpu.memory_space<hbm>>
    %dma_wait3A_57 = tpu.memref_squeeze %dma_wait3A_56 : memref<1x8x768xf32, #tpu.memory_space<hbm>> -> memref<8x768xf32, #tpu.memory_space<hbm>>
    %dma_wait3A_58 = arith.constant 0 : i32
    %dma_wait3A_59 = arith.constant 0 : i32
    %dma_wait3A_60 = tpu.memref_slice %arg5[%dma_wait3A_50, %dma_wait3A_58, %dma_wait3A_59] : memref<4096x77x768xf32, #tpu.memory_space<hbm>> -> memref<1x8x768xf32, #tpu.memory_space<hbm>>
    %dma_wait3A_61 = tpu.memref_squeeze %dma_wait3A_60 : memref<1x8x768xf32, #tpu.memory_space<hbm>> -> memref<8x768xf32, #tpu.memory_space<hbm>>
    %dma_wait3A_62 = arith.constant 0 : i32
    %dma_wait3A_63 = arith.constant 0 : i32
    %dma_wait3A_64 = tpu.memref_slice %arg9[%dma_wait3A_62, %dma_wait3A_63] : memref<16x768xf32, #tpu.memory_space<vmem>> -> memref<8x768xf32, #tpu.memory_space<vmem>>
    tpu.wait_dma2 semaphore(%arg17 : memref<!tpu.dma_semaphore, #tpu.memory_space<semaphore_mem>>) src(%dma_wait3A_64 : memref<8x768xf32, #tpu.memory_space<vmem>>) dst(%dma_wait3A_61 : memref<8x768xf32, #tpu.memory_space<hbm>>)
    %dma_wait3A_65 = arith.constant 0 : i32
    %dma_wait3A_66 = arith.constant 8 : i32
    %dma_wait3A_67 = arith.constant 0 : i32
    %dma_wait3A_68 = tpu.memref_slice %arg9[%dma_wait3A_66, %dma_wait3A_67] : memref<16x768xf32, #tpu.memory_space<vmem>> -> memref<8x768xf32, #tpu.memory_space<vmem>>
    %dma_wait3A_69 = arith.constant 0 : i32
    %dma_wait3A_70 = arith.constant 0 : i32
    %dma_wait3A_71 = tpu.memref_slice %arg5[%dma_wait3A_65, %dma_wait3A_69, %dma_wait3A_70] : memref<4096x77x768xf32, #tpu.memory_space<hbm>> -> memref<1x8x768xf32, #tpu.memory_space<hbm>>
    %dma_wait3A_72 = tpu.memref_squeeze %dma_wait3A_71 : memref<1x8x768xf32, #tpu.memory_space<hbm>> -> memref<8x768xf32, #tpu.memory_space<hbm>>
    %dma_wait3A_73 = arith.constant 0 : i32
    %dma_wait3A_74 = arith.constant 0 : i32
    %dma_wait3A_75 = tpu.memref_slice %arg5[%dma_wait3A_65, %dma_wait3A_73, %dma_wait3A_74] : memref<4096x77x768xf32, #tpu.memory_space<hbm>> -> memref<1x8x768xf32, #tpu.memory_space<hbm>>
    %dma_wait3A_76 = tpu.memref_squeeze %dma_wait3A_75 : memref<1x8x768xf32, #tpu.memory_space<hbm>> -> memref<8x768xf32, #tpu.memory_space<hbm>>
    %dma_wait3A_77 = arith.constant 8 : i32
    %dma_wait3A_78 = arith.constant 0 : i32
    %dma_wait3A_79 = tpu.memref_slice %arg9[%dma_wait3A_77, %dma_wait3A_78] : memref<16x768xf32, #tpu.memory_space<vmem>> -> memref<8x768xf32, #tpu.memory_space<vmem>>
    tpu.wait_dma2 semaphore(%arg17 : memref<!tpu.dma_semaphore, #tpu.memory_space<semaphore_mem>>) src(%dma_wait3A_79 : memref<8x768xf32, #tpu.memory_space<vmem>>) dst(%dma_wait3A_76 : memref<8x768xf32, #tpu.memory_space<hbm>>)
    %dma_wait3A_80 = arith.constant 0 : i32
    %dma_wait3A_81 = arith.constant 0 : i32
    %dma_wait3A_82 = arith.constant 0 : i32
    %dma_wait3A_83 = tpu.memref_slice %arg10[%dma_wait3A_81, %dma_wait3A_82] : memref<16x768xf32, #tpu.memory_space<vmem>> -> memref<8x768xf32, #tpu.memory_space<vmem>>
    %dma_wait3A_84 = arith.constant 0 : i32
    %dma_wait3A_85 = arith.constant 0 : i32
    %dma_wait3A_86 = tpu.memref_slice %arg5[%dma_wait3A_80, %dma_wait3A_84, %dma_wait3A_85] : memref<4096x77x768xf32, #tpu.memory_space<hbm>> -> memref<1x8x768xf32, #tpu.memory_space<hbm>>
    %dma_wait3A_87 = tpu.memref_squeeze %dma_wait3A_86 : memref<1x8x768xf32, #tpu.memory_space<hbm>> -> memref<8x768xf32, #tpu.memory_space<hbm>>
    %dma_wait3A_88 = arith.constant 0 : i32
    %dma_wait3A_89 = arith.constant 0 : i32
    %dma_wait3A_90 = tpu.memref_slice %arg5[%dma_wait3A_80, %dma_wait3A_88, %dma_wait3A_89] : memref<4096x77x768xf32, #tpu.memory_space<hbm>> -> memref<1x8x768xf32, #tpu.memory_space<hbm>>
    %dma_wait3A_91 = tpu.memref_squeeze %dma_wait3A_90 : memref<1x8x768xf32, #tpu.memory_space<hbm>> -> memref<8x768xf32, #tpu.memory_space<hbm>>
    %dma_wait3A_92 = arith.constant 0 : i32
    %dma_wait3A_93 = arith.constant 0 : i32
    %dma_wait3A_94 = tpu.memref_slice %arg10[%dma_wait3A_92, %dma_wait3A_93] : memref<16x768xf32, #tpu.memory_space<vmem>> -> memref<8x768xf32, #tpu.memory_space<vmem>>
    tpu.wait_dma2 semaphore(%arg18 : memref<!tpu.dma_semaphore, #tpu.memory_space<semaphore_mem>>) src(%dma_wait3A_94 : memref<8x768xf32, #tpu.memory_space<vmem>>) dst(%dma_wait3A_91 : memref<8x768xf32, #tpu.memory_space<hbm>>)
    %dma_wait3A_95 = arith.constant 0 : i32
    %dma_wait3A_96 = arith.constant 8 : i32
    %dma_wait3A_97 = arith.constant 0 : i32
    %dma_wait3A_98 = tpu.memref_slice %arg10[%dma_wait3A_96, %dma_wait3A_97] : memref<16x768xf32, #tpu.memory_space<vmem>> -> memref<8x768xf32, #tpu.memory_space<vmem>>
    %dma_wait3A_99 = arith.constant 0 : i32
    %dma_wait3A_100 = arith.constant 0 : i32
    %dma_wait3A_101 = tpu.memref_slice %arg5[%dma_wait3A_95, %dma_wait3A_99, %dma_wait3A_100] : memref<4096x77x768xf32, #tpu.memory_space<hbm>> -> memref<1x8x768xf32, #tpu.memory_space<hbm>>
    %dma_wait3A_102 = tpu.memref_squeeze %dma_wait3A_101 : memref<1x8x768xf32, #tpu.memory_space<hbm>> -> memref<8x768xf32, #tpu.memory_space<hbm>>
    %dma_wait3A_103 = arith.constant 0 : i32
    %dma_wait3A_104 = arith.constant 0 : i32
    %dma_wait3A_105 = tpu.memref_slice %arg5[%dma_wait3A_95, %dma_wait3A_103, %dma_wait3A_104] : memref<4096x77x768xf32, #tpu.memory_space<hbm>> -> memref<1x8x768xf32, #tpu.memory_space<hbm>>
    %dma_wait3A_106 = tpu.memref_squeeze %dma_wait3A_105 : memref<1x8x768xf32, #tpu.memory_space<hbm>> -> memref<8x768xf32, #tpu.memory_space<hbm>>
    %dma_wait3A_107 = arith.constant 8 : i32
    %dma_wait3A_108 = arith.constant 0 : i32
    %dma_wait3A_109 = tpu.memref_slice %arg10[%dma_wait3A_107, %dma_wait3A_108] : memref<16x768xf32, #tpu.memory_space<vmem>> -> memref<8x768xf32, #tpu.memory_space<vmem>>
    tpu.wait_dma2 semaphore(%arg18 : memref<!tpu.dma_semaphore, #tpu.memory_space<semaphore_mem>>) src(%dma_wait3A_109 : memref<8x768xf32, #tpu.memory_space<vmem>>) dst(%dma_wait3A_106 : memref<8x768xf32, #tpu.memory_space<hbm>>)
    %dma_wait3A_110 = arith.constant 0 : i32
    %dma_wait3A_111 = arith.constant 0 : i32
    %dma_wait3A_112 = arith.constant 0 : i32
    %dma_wait3A_113 = tpu.memref_slice %arg11[%dma_wait3A_111, %dma_wait3A_112] : memref<16x768xf32, #tpu.memory_space<vmem>> -> memref<8x768xf32, #tpu.memory_space<vmem>>
    %dma_wait3A_114 = arith.constant 0 : i32
    %dma_wait3A_115 = arith.constant 0 : i32
    %dma_wait3A_116 = tpu.memref_slice %arg5[%dma_wait3A_110, %dma_wait3A_114, %dma_wait3A_115] : memref<4096x77x768xf32, #tpu.memory_space<hbm>> -> memref<1x8x768xf32, #tpu.memory_space<hbm>>
    %dma_wait3A_117 = tpu.memref_squeeze %dma_wait3A_116 : memref<1x8x768xf32, #tpu.memory_space<hbm>> -> memref<8x768xf32, #tpu.memory_space<hbm>>
    %dma_wait3A_118 = arith.constant 0 : i32
    %dma_wait3A_119 = arith.constant 0 : i32
    %dma_wait3A_120 = tpu.memref_slice %arg5[%dma_wait3A_110, %dma_wait3A_118, %dma_wait3A_119] : memref<4096x77x768xf32, #tpu.memory_space<hbm>> -> memref<1x8x768xf32, #tpu.memory_space<hbm>>
    %dma_wait3A_121 = tpu.memref_squeeze %dma_wait3A_120 : memref<1x8x768xf32, #tpu.memory_space<hbm>> -> memref<8x768xf32, #tpu.memory_space<hbm>>
    %dma_wait3A_122 = arith.constant 0 : i32
    %dma_wait3A_123 = arith.constant 0 : i32
    %dma_wait3A_124 = tpu.memref_slice %arg11[%dma_wait3A_122, %dma_wait3A_123] : memref<16x768xf32, #tpu.memory_space<vmem>> -> memref<8x768xf32, #tpu.memory_space<vmem>>
    tpu.wait_dma2 semaphore(%arg19 : memref<!tpu.dma_semaphore, #tpu.memory_space<semaphore_mem>>) src(%dma_wait3A_124 : memref<8x768xf32, #tpu.memory_space<vmem>>) dst(%dma_wait3A_121 : memref<8x768xf32, #tpu.memory_space<hbm>>)
    %dma_wait3A_125 = arith.constant 0 : i32
    %dma_wait3A_126 = arith.constant 8 : i32
    %dma_wait3A_127 = arith.constant 0 : i32
    %dma_wait3A_128 = tpu.memref_slice %arg11[%dma_wait3A_126, %dma_wait3A_127] : memref<16x768xf32, #tpu.memory_space<vmem>> -> memref<8x768xf32, #tpu.memory_space<vmem>>
    %dma_wait3A_129 = arith.constant 0 : i32
    %dma_wait3A_130 = arith.constant 0 : i32
    %dma_wait3A_131 = tpu.memref_slice %arg5[%dma_wait3A_125, %dma_wait3A_129, %dma_wait3A_130] : memref<4096x77x768xf32, #tpu.memory_space<hbm>> -> memref<1x8x768xf32, #tpu.memory_space<hbm>>
    %dma_wait3A_132 = tpu.memref_squeeze %dma_wait3A_131 : memref<1x8x768xf32, #tpu.memory_space<hbm>> -> memref<8x768xf32, #tpu.memory_space<hbm>>
    %dma_wait3A_133 = arith.constant 0 : i32
    %dma_wait3A_134 = arith.constant 0 : i32
    %dma_wait3A_135 = tpu.memref_slice %arg5[%dma_wait3A_125, %dma_wait3A_133, %dma_wait3A_134] : memref<4096x77x768xf32, #tpu.memory_space<hbm>> -> memref<1x8x768xf32, #tpu.memory_space<hbm>>
    %dma_wait3A_136 = tpu.memref_squeeze %dma_wait3A_135 : memref<1x8x768xf32, #tpu.memory_space<hbm>> -> memref<8x768xf32, #tpu.memory_space<hbm>>
    %dma_wait3A_137 = arith.constant 8 : i32
    %dma_wait3A_138 = arith.constant 0 : i32
    %dma_wait3A_139 = tpu.memref_slice %arg11[%dma_wait3A_137, %dma_wait3A_138] : memref<16x768xf32, #tpu.memory_space<vmem>> -> memref<8x768xf32, #tpu.memory_space<vmem>>
    tpu.wait_dma2 semaphore(%arg19 : memref<!tpu.dma_semaphore, #tpu.memory_space<semaphore_mem>>) src(%dma_wait3A_139 : memref<8x768xf32, #tpu.memory_space<vmem>>) dst(%dma_wait3A_136 : memref<8x768xf32, #tpu.memory_space<hbm>>)
    %dma_start3A_140 = arith.constant 9216 : i32
    %dma_start3A_141 = tpu.memref_slice %arg6[%dma_start3A_140] : memref<10240xi32, #tpu.memory_space<vmem>> -> memref<16xi32, #tpu.memory_space<vmem>>
    %dma_start3A_142 = arith.constant 0 : i32
    %dma_start3A_143 = arith.constant 0 : i32
    %dma_start3A_144 = tpu.memref_slice %arg3[%dma_start3A_142, %dma_start3A_143] : memref<49408x768xf32, #tpu.memory_space<hbm>> -> memref<49408x768xf32, #tpu.memory_space<hbm>>
    tpu.enqueue_indirect_dma source(%dma_start3A_144 : memref<49408x768xf32, #tpu.memory_space<hbm>>) target(%arg8 : memref<16x768xf32, #tpu.memory_space<vmem>>) offsets(%dma_start3A_141 : memref<16xi32, #tpu.memory_space<vmem>>) semaphore(%arg12 : memref<!tpu.dma_semaphore, #tpu.memory_space<semaphore_mem>>)
    %dma_start3A_145 = arith.constant 9232 : i32
    %dma_start3A_146 = tpu.memref_slice %arg6[%dma_start3A_145] : memref<10240xi32, #tpu.memory_space<vmem>> -> memref<16xi32, #tpu.memory_space<vmem>>
    %dma_start3A_147 = arith.constant 0 : i32
    %dma_start3A_148 = arith.constant 0 : i32
    %dma_start3A_149 = tpu.memref_slice %arg3[%dma_start3A_147, %dma_start3A_148] : memref<49408x768xf32, #tpu.memory_space<hbm>> -> memref<49408x768xf32, #tpu.memory_space<hbm>>
    tpu.enqueue_indirect_dma source(%dma_start3A_149 : memref<49408x768xf32, #tpu.memory_space<hbm>>) target(%arg9 : memref<16x768xf32, #tpu.memory_space<vmem>>) offsets(%dma_start3A_146 : memref<16xi32, #tpu.memory_space<vmem>>) semaphore(%arg13 : memref<!tpu.dma_semaphore, #tpu.memory_space<semaphore_mem>>)
    %scan3A_150 = arith.constant 0 : i32
    %scan3A_151 = arith.constant 0 : i32
    %scan3A_152 = arith.constant 16 : i32
    %scan3A_153 = arith.addi %scan3A_151, %scan3A_152 : i32
    %scan3A_154 = arith.constant 1 : i32
    scf.for %scan3A_276 = %scan3A_151 to %scan3A_153 step %scan3A_154  : i32 {
      %mul3A_277 = arith.constant 4 : i32
      %mul3A_278 = arith.muli %mul3A_277, %scan3A_276 : i32
      %add3A_279 = arith.constant 0 : i32
      %add3A_280 = arith.addi %mul3A_278, %add3A_279 : i32
      %add3A_281 = arith.constant 576 : i32
      %add3A_282 = arith.addi %add3A_281, %add3A_280 : i32
      %mul3A_283 = arith.constant 16 : i32
      %mul3A_284 = arith.muli %add3A_282, %mul3A_283 : i32
      %dma_wait3A_285 = tpu.memref_slice %arg6[%mul3A_284] : memref<10240xi32, #tpu.memory_space<vmem>> -> memref<16xi32, #tpu.memory_space<vmem>>
      %dma_wait3A_286 = arith.constant 0 : i32
      %dma_wait3A_287 = arith.constant 0 : i32
      %dma_wait3A_288 = tpu.memref_slice %arg3[%dma_wait3A_286, %dma_wait3A_287] : memref<49408x768xf32, #tpu.memory_space<hbm>> -> memref<49408x768xf32, #tpu.memory_space<hbm>>
      tpu.wait_indirect_dma semaphore(%arg12 : memref<!tpu.dma_semaphore, #tpu.memory_space<semaphore_mem>>) src(%dma_wait3A_288 : memref<49408x768xf32, #tpu.memory_space<hbm>>) dst(%arg8 : memref<16x768xf32, #tpu.memory_space<vmem>>)
      %scan3A_289 = arith.constant 0 : i32
      %scan3A_290 = arith.constant 0 : i32
      %scan3A_291 = arith.constant 5 : i32
      %scan3A_292 = arith.addi %scan3A_290, %scan3A_291 : i32
      %scan3A_293 = arith.constant 1 : i32
      scf.for %scan3A_506 = %scan3A_290 to %scan3A_292 step %scan3A_293  : i32 {
        %add3A_507 = arith.constant 72 : i32
        %add3A_508 = arith.addi %add3A_507, %scan3A_506 : i32
        %parallel_loop3A = arith.constant 0 : i32
        %parallel_loop3A_509 = arith.constant 48 : i32
        %parallel_loop3A_510 = arith.constant 1 : i32
        scf.for %parallel_loop3A_511 = %parallel_loop3A to %parallel_loop3A_509 step %parallel_loop3A_510  : i32 {
          %parallel_loop3A_512 = arith.constant 16 : i32
          %parallel_loop3A_513 = arith.muli %parallel_loop3A_511, %parallel_loop3A_512 : i32
          %parallel_loop3A_514 = arith.index_cast %add3A_508 : i32 to index
          %parallel_loop3A_515 = arith.index_cast %parallel_loop3A_513 : i32 to index
          %parallel_loop3A_516 = tpu.vector_load %arg7[%parallel_loop3A_514, %parallel_loop3A_515] {strides = array<i32>} : memref<77x768xf32, #tpu.memory_space<vmem>>, vector<1x16xf32>,
          %parallel_loop3A_517 = vector.shape_cast %parallel_loop3A_516 : vector<1x16xf32> to vector<16xf32>
          %parallel_loop3A_518 = arith.index_cast %scan3A_506 : i32 to index
          %parallel_loop3A_519 = arith.index_cast %parallel_loop3A_513 : i32 to index
          %parallel_loop3A_520 = tpu.vector_load %arg8[%parallel_loop3A_518, %parallel_loop3A_519] {strides = array<i32>} : memref<16x768xf32, #tpu.memory_space<vmem>>, vector<1x16xf32>,
          %parallel_loop3A_521 = vector.shape_cast %parallel_loop3A_520 : vector<1x16xf32> to vector<16xf32>
          %parallel_loop3A_522 = vector.shape_cast %parallel_loop3A_517 : vector<16xf32> to vector<1x16xf32>
          tpu.vector_store %arg8[%parallel_loop3A_518, %parallel_loop3A_519], %parallel_loop3A_522 {add = true, strides = array<i32>} : memref<16x768xf32, #tpu.memory_space<vmem>>, vector<1x16xf32>,
          %parallel_loop3A_523 = arith.constant 8 : i32
          %parallel_loop3A_524 = arith.addi %parallel_loop3A_523, %scan3A_506 : i32
          %parallel_loop3A_525 = arith.index_cast %parallel_loop3A_524 : i32 to index
          %parallel_loop3A_526 = arith.index_cast %parallel_loop3A_513 : i32 to index
          %parallel_loop3A_527 = tpu.vector_load %arg8[%parallel_loop3A_525, %parallel_loop3A_526] {strides = array<i32>} : memref<16x768xf32, #tpu.memory_space<vmem>>, vector<1x16xf32>,
          %parallel_loop3A_528 = vector.shape_cast %parallel_loop3A_527 : vector<1x16xf32> to vector<16xf32>
          %parallel_loop3A_529 = vector.shape_cast %parallel_loop3A_517 : vector<16xf32> to vector<1x16xf32>
          tpu.vector_store %arg8[%parallel_loop3A_525, %parallel_loop3A_526], %parallel_loop3A_529 {add = true, strides = array<i32>} : memref<16x768xf32, #tpu.memory_space<vmem>>, vector<1x16xf32>,
        } {sc.loop_unroll_factor = 8 : i64, sc.parallel_access}
      }
      %scan3A_294 = arith.constant 5 : i32
      %mul3A_295 = arith.constant 2 : i32
      %mul3A_296 = arith.muli %mul3A_295, %add3A_280 : i32
      %add3A_297 = arith.addi %mul3A_2, %mul3A_296 : i32
      %dma_start3A_298 = arith.constant 0 : i32
      %dma_start3A_299 = arith.constant 0 : i32
      %dma_start3A_300 = tpu.memref_slice %arg8[%dma_start3A_298, %dma_start3A_299] : memref<16x768xf32, #tpu.memory_space<vmem>> -> memref<5x768xf32, #tpu.memory_space<vmem>>
      %dma_start3A_301 = arith.constant 72 : i32
      %dma_start3A_302 = arith.constant 0 : i32
      %dma_start3A_303 = tpu.memref_slice %arg5[%add3A_297, %dma_start3A_301, %dma_start3A_302] : memref<4096x77x768xf32, #tpu.memory_space<hbm>> -> memref<1x5x768xf32, #tpu.memory_space<hbm>>
      %dma_start3A_304 = tpu.memref_squeeze %dma_start3A_303 : memref<1x5x768xf32, #tpu.memory_space<hbm>> -> memref<5x768xf32, #tpu.memory_space<hbm>>
      %dma_start3A_305 = arith.constant 72 : i32
      %dma_start3A_306 = arith.constant 0 : i32
      %dma_start3A_307 = tpu.memref_slice %arg5[%add3A_297, %dma_start3A_305, %dma_start3A_306] : memref<4096x77x768xf32, #tpu.memory_space<hbm>> -> memref<1x5x768xf32, #tpu.memory_space<hbm>>
      %dma_start3A_308 = tpu.memref_squeeze %dma_start3A_307 : memref<1x5x768xf32, #tpu.memory_space<hbm>> -> memref<5x768xf32, #tpu.memory_space<hbm>>
      %dma_start3A_309 = arith.constant 0 : i32
      %dma_start3A_310 = arith.constant 0 : i32
      %dma_start3A_311 = tpu.memref_slice %arg8[%dma_start3A_309, %dma_start3A_310] : memref<16x768xf32, #tpu.memory_space<vmem>> -> memref<5x768xf32, #tpu.memory_space<vmem>>
      tpu.enqueue_dma source(%dma_start3A_311 : memref<5x768xf32, #tpu.memory_space<vmem>>) target(%dma_start3A_308 : memref<5x768xf32, #tpu.memory_space<hbm>>) target_semaphore(%arg16 : memref<!tpu.dma_semaphore, #tpu.memory_space<semaphore_mem>>)
      %add3A_312 = arith.constant 1 : i32
      %add3A_313 = arith.addi %add3A_297, %add3A_312 : i32
      %dma_start3A_314 = arith.constant 8 : i32
      %dma_start3A_315 = arith.constant 0 : i32
      %dma_start3A_316 = tpu.memref_slice %arg8[%dma_start3A_314, %dma_start3A_315] : memref<16x768xf32, #tpu.memory_space<vmem>> -> memref<5x768xf32, #tpu.memory_space<vmem>>
      %dma_start3A_317 = arith.constant 72 : i32
      %dma_start3A_318 = arith.constant 0 : i32
      %dma_start3A_319 = tpu.memref_slice %arg5[%add3A_313, %dma_start3A_317, %dma_start3A_318] : memref<4096x77x768xf32, #tpu.memory_space<hbm>> -> memref<1x5x768xf32, #tpu.memory_space<hbm>>
      %dma_start3A_320 = tpu.memref_squeeze %dma_start3A_319 : memref<1x5x768xf32, #tpu.memory_space<hbm>> -> memref<5x768xf32, #tpu.memory_space<hbm>>
      %dma_start3A_321 = arith.constant 72 : i32
      %dma_start3A_322 = arith.constant 0 : i32
      %dma_start3A_323 = tpu.memref_slice %arg5[%add3A_313, %dma_start3A_321, %dma_start3A_322] : memref<4096x77x768xf32, #tpu.memory_space<hbm>> -> memref<1x5x768xf32, #tpu.memory_space<hbm>>
      %dma_start3A_324 = tpu.memref_squeeze %dma_start3A_323 : memref<1x5x768xf32, #tpu.memory_space<hbm>> -> memref<5x768xf32, #tpu.memory_space<hbm>>
      %dma_start3A_325 = arith.constant 8 : i32
      %dma_start3A_326 = arith.constant 0 : i32
      %dma_start3A_327 = tpu.memref_slice %arg8[%dma_start3A_325, %dma_start3A_326] : memref<16x768xf32, #tpu.memory_space<vmem>> -> memref<5x768xf32, #tpu.memory_space<vmem>>
      tpu.enqueue_dma source(%dma_start3A_327 : memref<5x768xf32, #tpu.memory_space<vmem>>) target(%dma_start3A_324 : memref<5x768xf32, #tpu.memory_space<hbm>>) target_semaphore(%arg16 : memref<!tpu.dma_semaphore, #tpu.memory_space<semaphore_mem>>)
      %add3A_328 = arith.constant 2 : i32
      %add3A_329 = arith.addi %add3A_280, %add3A_328 : i32
      %lt3A = arith.constant 64 : i32
      %lt3A_330 = arith.cmpi slt, %add3A_329, %lt3A : i32
      %convert_element_type3A = arith.extui %lt3A_330 : i1 to i32
      %cond3A = arith.constant 0 : i32
      %cond3A_331 = arith.cmpi ne, %convert_element_type3A, %cond3A : i32
      scf.if %cond3A_331 {
        %gt3A = arith.constant 0 : i32
        %gt3A_506 = arith.cmpi sgt, %scan3A_276, %gt3A : i32
        %convert_element_type3A_507 = arith.extui %gt3A_506 : i1 to i32
        %cond3A_508 = arith.constant 0 : i32
        %cond3A_509 = arith.cmpi ne, %convert_element_type3A_507, %cond3A_508 : i32
        scf.if %cond3A_509 {
          %dma_wait3A_514 = arith.constant 0 : i32
          %dma_wait3A_515 = arith.constant 0 : i32
          %dma_wait3A_516 = arith.constant 0 : i32
          %dma_wait3A_517 = tpu.memref_slice %arg10[%dma_wait3A_515, %dma_wait3A_516] : memref<16x768xf32, #tpu.memory_space<vmem>> -> memref<5x768xf32, #tpu.memory_space<vmem>>
          %dma_wait3A_518 = arith.constant 0 : i32
          %dma_wait3A_519 = arith.constant 0 : i32
          %dma_wait3A_520 = tpu.memref_slice %arg5[%dma_wait3A_514, %dma_wait3A_518, %dma_wait3A_519] : memref<4096x77x768xf32, #tpu.memory_space<hbm>> -> memref<1x5x768xf32, #tpu.memory_space<hbm>>
          %dma_wait3A_521 = tpu.memref_squeeze %dma_wait3A_520 : memref<1x5x768xf32, #tpu.memory_space<hbm>> -> memref<5x768xf32, #tpu.memory_space<hbm>>
          %dma_wait3A_522 = arith.constant 0 : i32
          %dma_wait3A_523 = arith.constant 0 : i32
          %dma_wait3A_524 = tpu.memref_slice %arg5[%dma_wait3A_514, %dma_wait3A_522, %dma_wait3A_523] : memref<4096x77x768xf32, #tpu.memory_space<hbm>> -> memref<1x5x768xf32, #tpu.memory_space<hbm>>
          %dma_wait3A_525 = tpu.memref_squeeze %dma_wait3A_524 : memref<1x5x768xf32, #tpu.memory_space<hbm>> -> memref<5x768xf32, #tpu.memory_space<hbm>>
          %dma_wait3A_526 = arith.constant 0 : i32
          %dma_wait3A_527 = arith.constant 0 : i32
          %dma_wait3A_528 = tpu.memref_slice %arg10[%dma_wait3A_526, %dma_wait3A_527] : memref<16x768xf32, #tpu.memory_space<vmem>> -> memref<5x768xf32, #tpu.memory_space<vmem>>
          tpu.wait_dma2 semaphore(%arg18 : memref<!tpu.dma_semaphore, #tpu.memory_space<semaphore_mem>>) src(%dma_wait3A_528 : memref<5x768xf32, #tpu.memory_space<vmem>>) dst(%dma_wait3A_525 : memref<5x768xf32, #tpu.memory_space<hbm>>)
          %dma_wait3A_529 = arith.constant 0 : i32
          %dma_wait3A_530 = arith.constant 8 : i32
          %dma_wait3A_531 = arith.constant 0 : i32
          %dma_wait3A_532 = tpu.memref_slice %arg10[%dma_wait3A_530, %dma_wait3A_531] : memref<16x768xf32, #tpu.memory_space<vmem>> -> memref<5x768xf32, #tpu.memory_space<vmem>>
          %dma_wait3A_533 = arith.constant 0 : i32
          %dma_wait3A_534 = arith.constant 0 : i32
          %dma_wait3A_535 = tpu.memref_slice %arg5[%dma_wait3A_529, %dma_wait3A_533, %dma_wait3A_534] : memref<4096x77x768xf32, #tpu.memory_space<hbm>> -> memref<1x5x768xf32, #tpu.memory_space<hbm>>
          %dma_wait3A_536 = tpu.memref_squeeze %dma_wait3A_535 : memref<1x5x768xf32, #tpu.memory_space<hbm>> -> memref<5x768xf32, #tpu.memory_space<hbm>>
          %dma_wait3A_537 = arith.constant 0 : i32
          %dma_wait3A_538 = arith.constant 0 : i32
          %dma_wait3A_539 = tpu.memref_slice %arg5[%dma_wait3A_529, %dma_wait3A_537, %dma_wait3A_538] : memref<4096x77x768xf32, #tpu.memory_space<hbm>> -> memref<1x5x768xf32, #tpu.memory_space<hbm>>
          %dma_wait3A_540 = tpu.memref_squeeze %dma_wait3A_539 : memref<1x5x768xf32, #tpu.memory_space<hbm>> -> memref<5x768xf32, #tpu.memory_space<hbm>>
          %dma_wait3A_541 = arith.constant 8 : i32
          %dma_wait3A_542 = arith.constant 0 : i32
          %dma_wait3A_543 = tpu.memref_slice %arg10[%dma_wait3A_541, %dma_wait3A_542] : memref<16x768xf32, #tpu.memory_space<vmem>> -> memref<5x768xf32, #tpu.memory_space<vmem>>
          tpu.wait_dma2 semaphore(%arg18 : memref<!tpu.dma_semaphore, #tpu.memory_space<semaphore_mem>>) src(%dma_wait3A_543 : memref<5x768xf32, #tpu.memory_space<vmem>>) dst(%dma_wait3A_540 : memref<5x768xf32, #tpu.memory_space<hbm>>)
          %add3A_544 = arith.constant 2 : i32
          %add3A_545 = arith.addi %add3A_282, %add3A_544 : i32
          %mul3A_546 = arith.constant 16 : i32
          %mul3A_547 = arith.muli %add3A_545, %mul3A_546 : i32
          %dma_start3A_548 = tpu.memref_slice %arg6[%mul3A_547] : memref<10240xi32, #tpu.memory_space<vmem>> -> memref<16xi32, #tpu.memory_space<vmem>>
          %dma_start3A_549 = arith.constant 0 : i32
          %dma_start3A_550 = arith.constant 0 : i32
          %dma_start3A_551 = tpu.memref_slice %arg3[%dma_start3A_549, %dma_start3A_550] : memref<49408x768xf32, #tpu.memory_space<hbm>> -> memref<49408x768xf32, #tpu.memory_space<hbm>>
          tpu.enqueue_indirect_dma source(%dma_start3A_551 : memref<49408x768xf32, #tpu.memory_space<hbm>>) target(%arg10 : memref<16x768xf32, #tpu.memory_space<vmem>>) offsets(%dma_start3A_548 : memref<16xi32, #tpu.memory_space<vmem>>) semaphore(%arg14 : memref<!tpu.dma_semaphore, #tpu.memory_space<semaphore_mem>>)
        } else {
        }
        %eq3A = arith.constant 0 : i32
        %eq3A_510 = arith.cmpi eq, %scan3A_276, %eq3A : i32
        %convert_element_type3A_511 = arith.extui %eq3A_510 : i1 to i32
        %cond3A_512 = arith.constant 0 : i32
        %cond3A_513 = arith.cmpi ne, %convert_element_type3A_511, %cond3A_512 : i32
        scf.if %cond3A_513 {
          %add3A_514 = arith.constant 2 : i32
          %add3A_515 = arith.addi %add3A_282, %add3A_514 : i32
          %mul3A_516 = arith.constant 16 : i32
          %mul3A_517 = arith.muli %add3A_515, %mul3A_516 : i32
          %dma_start3A_518 = tpu.memref_slice %arg6[%mul3A_517] : memref<10240xi32, #tpu.memory_space<vmem>> -> memref<16xi32, #tpu.memory_space<vmem>>
          %dma_start3A_519 = arith.constant 0 : i32
          %dma_start3A_520 = arith.constant 0 : i32
          %dma_start3A_521 = tpu.memref_slice %arg3[%dma_start3A_519, %dma_start3A_520] : memref<49408x768xf32, #tpu.memory_space<hbm>> -> memref<49408x768xf32, #tpu.memory_space<hbm>>
          tpu.enqueue_indirect_dma source(%dma_start3A_521 : memref<49408x768xf32, #tpu.memory_space<hbm>>) target(%arg10 : memref<16x768xf32, #tpu.memory_space<vmem>>) offsets(%dma_start3A_518 : memref<16xi32, #tpu.memory_space<vmem>>) semaphore(%arg14 : memref<!tpu.dma_semaphore, #tpu.memory_space<semaphore_mem>>)
        } else {
        }
      } else {
      }
      %mul3A_332 = arith.constant 4 : i32
      %mul3A_333 = arith.muli %mul3A_332, %scan3A_276 : i32
      %add3A_334 = arith.constant 1 : i32
      %add3A_335 = arith.addi %mul3A_333, %add3A_334 : i32
      %add3A_336 = arith.constant 576 : i32
      %add3A_337 = arith.addi %add3A_336, %add3A_335 : i32
      %mul3A_338 = arith.constant 16 : i32
      %mul3A_339 = arith.muli %add3A_337, %mul3A_338 : i32
      %dma_wait3A_340 = tpu.memref_slice %arg6[%mul3A_339] : memref<10240xi32, #tpu.memory_space<vmem>> -> memref<16xi32, #tpu.memory_space<vmem>>
      %dma_wait3A_341 = arith.constant 0 : i32
      %dma_wait3A_342 = arith.constant 0 : i32
      %dma_wait3A_343 = tpu.memref_slice %arg3[%dma_wait3A_341, %dma_wait3A_342] : memref<49408x768xf32, #tpu.memory_space<hbm>> -> memref<49408x768xf32, #tpu.memory_space<hbm>>
      tpu.wait_indirect_dma semaphore(%arg13 : memref<!tpu.dma_semaphore, #tpu.memory_space<semaphore_mem>>) src(%dma_wait3A_343 : memref<49408x768xf32, #tpu.memory_space<hbm>>) dst(%arg9 : memref<16x768xf32, #tpu.memory_space<vmem>>)
      %scan3A_344 = arith.constant 0 : i32
      %scan3A_345 = arith.constant 0 : i32
      %scan3A_346 = arith.constant 5 : i32
      %scan3A_347 = arith.addi %scan3A_345, %scan3A_346 : i32
      %scan3A_348 = arith.constant 1 : i32
      scf.for %scan3A_506 = %scan3A_345 to %scan3A_347 step %scan3A_348  : i32 {
        %add3A_507 = arith.constant 72 : i32
        %add3A_508 = arith.addi %add3A_507, %scan3A_506 : i32
        %parallel_loop3A = arith.constant 0 : i32
        %parallel_loop3A_509 = arith.constant 48 : i32
        %parallel_loop3A_510 = arith.constant 1 : i32
        scf.for %parallel_loop3A_511 = %parallel_loop3A to %parallel_loop3A_509 step %parallel_loop3A_510  : i32 {
          %parallel_loop3A_512 = arith.constant 16 : i32
          %parallel_loop3A_513 = arith.muli %parallel_loop3A_511, %parallel_loop3A_512 : i32
          %parallel_loop3A_514 = arith.index_cast %add3A_508 : i32 to index
          %parallel_loop3A_515 = arith.index_cast %parallel_loop3A_513 : i32 to index
          %parallel_loop3A_516 = tpu.vector_load %arg7[%parallel_loop3A_514, %parallel_loop3A_515] {strides = array<i32>} : memref<77x768xf32, #tpu.memory_space<vmem>>, vector<1x16xf32>,
          %parallel_loop3A_517 = vector.shape_cast %parallel_loop3A_516 : vector<1x16xf32> to vector<16xf32>
          %parallel_loop3A_518 = arith.index_cast %scan3A_506 : i32 to index
          %parallel_loop3A_519 = arith.index_cast %parallel_loop3A_513 : i32 to index
          %parallel_loop3A_520 = tpu.vector_load %arg9[%parallel_loop3A_518, %parallel_loop3A_519] {strides = array<i32>} : memref<16x768xf32, #tpu.memory_space<vmem>>, vector<1x16xf32>,
          %parallel_loop3A_521 = vector.shape_cast %parallel_loop3A_520 : vector<1x16xf32> to vector<16xf32>
          %parallel_loop3A_522 = vector.shape_cast %parallel_loop3A_517 : vector<16xf32> to vector<1x16xf32>
          tpu.vector_store %arg9[%parallel_loop3A_518, %parallel_loop3A_519], %parallel_loop3A_522 {add = true, strides = array<i32>} : memref<16x768xf32, #tpu.memory_space<vmem>>, vector<1x16xf32>,
          %parallel_loop3A_523 = arith.constant 8 : i32
          %parallel_loop3A_524 = arith.addi %parallel_loop3A_523, %scan3A_506 : i32
          %parallel_loop3A_525 = arith.index_cast %parallel_loop3A_524 : i32 to index
          %parallel_loop3A_526 = arith.index_cast %parallel_loop3A_513 : i32 to index
          %parallel_loop3A_527 = tpu.vector_load %arg9[%parallel_loop3A_525, %parallel_loop3A_526] {strides = array<i32>} : memref<16x768xf32, #tpu.memory_space<vmem>>, vector<1x16xf32>,
          %parallel_loop3A_528 = vector.shape_cast %parallel_loop3A_527 : vector<1x16xf32> to vector<16xf32>
          %parallel_loop3A_529 = vector.shape_cast %parallel_loop3A_517 : vector<16xf32> to vector<1x16xf32>
          tpu.vector_store %arg9[%parallel_loop3A_525, %parallel_loop3A_526], %parallel_loop3A_529 {add = true, strides = array<i32>} : memref<16x768xf32, #tpu.memory_space<vmem>>, vector<1x16xf32>,
        } {sc.loop_unroll_factor = 8 : i64, sc.parallel_access}
      }
      %scan3A_349 = arith.constant 5 : i32
      %mul3A_350 = arith.constant 2 : i32
      %mul3A_351 = arith.muli %mul3A_350, %add3A_335 : i32
      %add3A_352 = arith.addi %mul3A_2, %mul3A_351 : i32
      %dma_start3A_353 = arith.constant 0 : i32
      %dma_start3A_354 = arith.constant 0 : i32
      %dma_start3A_355 = tpu.memref_slice %arg9[%dma_start3A_353, %dma_start3A_354] : memref<16x768xf32, #tpu.memory_space<vmem>> -> memref<5x768xf32, #tpu.memory_space<vmem>>
      %dma_start3A_356 = arith.constant 72 : i32
      %dma_start3A_357 = arith.constant 0 : i32
      %dma_start3A_358 = tpu.memref_slice %arg5[%add3A_352, %dma_start3A_356, %dma_start3A_357] : memref<4096x77x768xf32, #tpu.memory_space<hbm>> -> memref<1x5x768xf32, #tpu.memory_space<hbm>>
      %dma_start3A_359 = tpu.memref_squeeze %dma_start3A_358 : memref<1x5x768xf32, #tpu.memory_space<hbm>> -> memref<5x768xf32, #tpu.memory_space<hbm>>
      %dma_start3A_360 = arith.constant 72 : i32
      %dma_start3A_361 = arith.constant 0 : i32
      %dma_start3A_362 = tpu.memref_slice %arg5[%add3A_352, %dma_start3A_360, %dma_start3A_361] : memref<4096x77x768xf32, #tpu.memory_space<hbm>> -> memref<1x5x768xf32, #tpu.memory_space<hbm>>
      %dma_start3A_363 = tpu.memref_squeeze %dma_start3A_362 : memref<1x5x768xf32, #tpu.memory_space<hbm>> -> memref<5x768xf32, #tpu.memory_space<hbm>>
      %dma_start3A_364 = arith.constant 0 : i32
      %dma_start3A_365 = arith.constant 0 : i32
      %dma_start3A_366 = tpu.memref_slice %arg9[%dma_start3A_364, %dma_start3A_365] : memref<16x768xf32, #tpu.memory_space<vmem>> -> memref<5x768xf32, #tpu.memory_space<vmem>>
      tpu.enqueue_dma source(%dma_start3A_366 : memref<5x768xf32, #tpu.memory_space<vmem>>) target(%dma_start3A_363 : memref<5x768xf32, #tpu.memory_space<hbm>>) target_semaphore(%arg17 : memref<!tpu.dma_semaphore, #tpu.memory_space<semaphore_mem>>)
      %add3A_367 = arith.constant 1 : i32
      %add3A_368 = arith.addi %add3A_352, %add3A_367 : i32
      %dma_start3A_369 = arith.constant 8 : i32
      %dma_start3A_370 = arith.constant 0 : i32
      %dma_start3A_371 = tpu.memref_slice %arg9[%dma_start3A_369, %dma_start3A_370] : memref<16x768xf32, #tpu.memory_space<vmem>> -> memref<5x768xf32, #tpu.memory_space<vmem>>
      %dma_start3A_372 = arith.constant 72 : i32
      %dma_start3A_373 = arith.constant 0 : i32
      %dma_start3A_374 = tpu.memref_slice %arg5[%add3A_368, %dma_start3A_372, %dma_start3A_373] : memref<4096x77x768xf32, #tpu.memory_space<hbm>> -> memref<1x5x768xf32, #tpu.memory_space<hbm>>
      %dma_start3A_375 = tpu.memref_squeeze %dma_start3A_374 : memref<1x5x768xf32, #tpu.memory_space<hbm>> -> memref<5x768xf32, #tpu.memory_space<hbm>>
      %dma_start3A_376 = arith.constant 72 : i32
      %dma_start3A_377 = arith.constant 0 : i32
      %dma_start3A_378 = tpu.memref_slice %arg5[%add3A_368, %dma_start3A_376, %dma_start3A_377] : memref<4096x77x768xf32, #tpu.memory_space<hbm>> -> memref<1x5x768xf32, #tpu.memory_space<hbm>>
      %dma_start3A_379 = tpu.memref_squeeze %dma_start3A_378 : memref<1x5x768xf32, #tpu.memory_space<hbm>> -> memref<5x768xf32, #tpu.memory_space<hbm>>
      %dma_start3A_380 = arith.constant 8 : i32
      %dma_start3A_381 = arith.constant 0 : i32
      %dma_start3A_382 = tpu.memref_slice %arg9[%dma_start3A_380, %dma_start3A_381] : memref<16x768xf32, #tpu.memory_space<vmem>> -> memref<5x768xf32, #tpu.memory_space<vmem>>
      tpu.enqueue_dma source(%dma_start3A_382 : memref<5x768xf32, #tpu.memory_space<vmem>>) target(%dma_start3A_379 : memref<5x768xf32, #tpu.memory_space<hbm>>) target_semaphore(%arg17 : memref<!tpu.dma_semaphore, #tpu.memory_space<semaphore_mem>>)
      %add3A_383 = arith.constant 2 : i32
      %add3A_384 = arith.addi %add3A_335, %add3A_383 : i32
      %lt3A_385 = arith.constant 64 : i32
      %lt3A_386 = arith.cmpi slt, %add3A_384, %lt3A_385 : i32
      %convert_element_type3A_387 = arith.extui %lt3A_386 : i1 to i32
      %cond3A_388 = arith.constant 0 : i32
      %cond3A_389 = arith.cmpi ne, %convert_element_type3A_387, %cond3A_388 : i32
      scf.if %cond3A_389 {
        %gt3A = arith.constant 0 : i32
        %gt3A_506 = arith.cmpi sgt, %scan3A_276, %gt3A : i32
        %convert_element_type3A_507 = arith.extui %gt3A_506 : i1 to i32
        %cond3A_508 = arith.constant 0 : i32
        %cond3A_509 = arith.cmpi ne, %convert_element_type3A_507, %cond3A_508 : i32
        scf.if %cond3A_509 {
          %dma_wait3A_514 = arith.constant 0 : i32
          %dma_wait3A_515 = arith.constant 0 : i32
          %dma_wait3A_516 = arith.constant 0 : i32
          %dma_wait3A_517 = tpu.memref_slice %arg11[%dma_wait3A_515, %dma_wait3A_516] : memref<16x768xf32, #tpu.memory_space<vmem>> -> memref<5x768xf32, #tpu.memory_space<vmem>>
          %dma_wait3A_518 = arith.constant 0 : i32
          %dma_wait3A_519 = arith.constant 0 : i32
          %dma_wait3A_520 = tpu.memref_slice %arg5[%dma_wait3A_514, %dma_wait3A_518, %dma_wait3A_519] : memref<4096x77x768xf32, #tpu.memory_space<hbm>> -> memref<1x5x768xf32, #tpu.memory_space<hbm>>
          %dma_wait3A_521 = tpu.memref_squeeze %dma_wait3A_520 : memref<1x5x768xf32, #tpu.memory_space<hbm>> -> memref<5x768xf32, #tpu.memory_space<hbm>>
          %dma_wait3A_522 = arith.constant 0 : i32
          %dma_wait3A_523 = arith.constant 0 : i32
          %dma_wait3A_524 = tpu.memref_slice %arg5[%dma_wait3A_514, %dma_wait3A_522, %dma_wait3A_523] : memref<4096x77x768xf32, #tpu.memory_space<hbm>> -> memref<1x5x768xf32, #tpu.memory_space<hbm>>
          %dma_wait3A_525 = tpu.memref_squeeze %dma_wait3A_524 : memref<1x5x768xf32, #tpu.memory_space<hbm>> -> memref<5x768xf32, #tpu.memory_space<hbm>>
          %dma_wait3A_526 = arith.constant 0 : i32
          %dma_wait3A_527 = arith.constant 0 : i32
          %dma_wait3A_528 = tpu.memref_slice %arg11[%dma_wait3A_526, %dma_wait3A_527] : memref<16x768xf32, #tpu.memory_space<vmem>> -> memref<5x768xf32, #tpu.memory_space<vmem>>
          tpu.wait_dma2 semaphore(%arg19 : memref<!tpu.dma_semaphore, #tpu.memory_space<semaphore_mem>>) src(%dma_wait3A_528 : memref<5x768xf32, #tpu.memory_space<vmem>>) dst(%dma_wait3A_525 : memref<5x768xf32, #tpu.memory_space<hbm>>)
          %dma_wait3A_529 = arith.constant 0 : i32
          %dma_wait3A_530 = arith.constant 8 : i32
          %dma_wait3A_531 = arith.constant 0 : i32
          %dma_wait3A_532 = tpu.memref_slice %arg11[%dma_wait3A_530, %dma_wait3A_531] : memref<16x768xf32, #tpu.memory_space<vmem>> -> memref<5x768xf32, #tpu.memory_space<vmem>>
          %dma_wait3A_533 = arith.constant 0 : i32
          %dma_wait3A_534 = arith.constant 0 : i32
          %dma_wait3A_535 = tpu.memref_slice %arg5[%dma_wait3A_529, %dma_wait3A_533, %dma_wait3A_534] : memref<4096x77x768xf32, #tpu.memory_space<hbm>> -> memref<1x5x768xf32, #tpu.memory_space<hbm>>
          %dma_wait3A_536 = tpu.memref_squeeze %dma_wait3A_535 : memref<1x5x768xf32, #tpu.memory_space<hbm>> -> memref<5x768xf32, #tpu.memory_space<hbm>>
          %dma_wait3A_537 = arith.constant 0 : i32
          %dma_wait3A_538 = arith.constant 0 : i32
          %dma_wait3A_539 = tpu.memref_slice %arg5[%dma_wait3A_529, %dma_wait3A_537, %dma_wait3A_538] : memref<4096x77x768xf32, #tpu.memory_space<hbm>> -> memref<1x5x768xf32, #tpu.memory_space<hbm>>
          %dma_wait3A_540 = tpu.memref_squeeze %dma_wait3A_539 : memref<1x5x768xf32, #tpu.memory_space<hbm>> -> memref<5x768xf32, #tpu.memory_space<hbm>>
          %dma_wait3A_541 = arith.constant 8 : i32
          %dma_wait3A_542 = arith.constant 0 : i32
          %dma_wait3A_543 = tpu.memref_slice %arg11[%dma_wait3A_541, %dma_wait3A_542] : memref<16x768xf32, #tpu.memory_space<vmem>> -> memref<5x768xf32, #tpu.memory_space<vmem>>
          tpu.wait_dma2 semaphore(%arg19 : memref<!tpu.dma_semaphore, #tpu.memory_space<semaphore_mem>>) src(%dma_wait3A_543 : memref<5x768xf32, #tpu.memory_space<vmem>>) dst(%dma_wait3A_540 : memref<5x768xf32, #tpu.memory_space<hbm>>)
          %add3A_544 = arith.constant 2 : i32
          %add3A_545 = arith.addi %add3A_337, %add3A_544 : i32
          %mul3A_546 = arith.constant 16 : i32
          %mul3A_547 = arith.muli %add3A_545, %mul3A_546 : i32
          %dma_start3A_548 = tpu.memref_slice %arg6[%mul3A_547] : memref<10240xi32, #tpu.memory_space<vmem>> -> memref<16xi32, #tpu.memory_space<vmem>>
          %dma_start3A_549 = arith.constant 0 : i32
          %dma_start3A_550 = arith.constant 0 : i32
          %dma_start3A_551 = tpu.memref_slice %arg3[%dma_start3A_549, %dma_start3A_550] : memref<49408x768xf32, #tpu.memory_space<hbm>> -> memref<49408x768xf32, #tpu.memory_space<hbm>>
          tpu.enqueue_indirect_dma source(%dma_start3A_551 : memref<49408x768xf32, #tpu.memory_space<hbm>>) target(%arg11 : memref<16x768xf32, #tpu.memory_space<vmem>>) offsets(%dma_start3A_548 : memref<16xi32, #tpu.memory_space<vmem>>) semaphore(%arg15 : memref<!tpu.dma_semaphore, #tpu.memory_space<semaphore_mem>>)
        } else {
        }
        %eq3A = arith.constant 0 : i32
        %eq3A_510 = arith.cmpi eq, %scan3A_276, %eq3A : i32
        %convert_element_type3A_511 = arith.extui %eq3A_510 : i1 to i32
        %cond3A_512 = arith.constant 0 : i32
        %cond3A_513 = arith.cmpi ne, %convert_element_type3A_511, %cond3A_512 : i32
        scf.if %cond3A_513 {
          %add3A_514 = arith.constant 2 : i32
          %add3A_515 = arith.addi %add3A_337, %add3A_514 : i32
          %mul3A_516 = arith.constant 16 : i32
          %mul3A_517 = arith.muli %add3A_515, %mul3A_516 : i32
          %dma_start3A_518 = tpu.memref_slice %arg6[%mul3A_517] : memref<10240xi32, #tpu.memory_space<vmem>> -> memref<16xi32, #tpu.memory_space<vmem>>
          %dma_start3A_519 = arith.constant 0 : i32
          %dma_start3A_520 = arith.constant 0 : i32
          %dma_start3A_521 = tpu.memref_slice %arg3[%dma_start3A_519, %dma_start3A_520] : memref<49408x768xf32, #tpu.memory_space<hbm>> -> memref<49408x768xf32, #tpu.memory_space<hbm>>
          tpu.enqueue_indirect_dma source(%dma_start3A_521 : memref<49408x768xf32, #tpu.memory_space<hbm>>) target(%arg11 : memref<16x768xf32, #tpu.memory_space<vmem>>) offsets(%dma_start3A_518 : memref<16xi32, #tpu.memory_space<vmem>>) semaphore(%arg15 : memref<!tpu.dma_semaphore, #tpu.memory_space<semaphore_mem>>)
        } else {
        }
      } else {
      }
      %mul3A_390 = arith.constant 4 : i32
      %mul3A_391 = arith.muli %mul3A_390, %scan3A_276 : i32
      %add3A_392 = arith.constant 2 : i32
      %add3A_393 = arith.addi %mul3A_391, %add3A_392 : i32
      %add3A_394 = arith.constant 576 : i32
      %add3A_395 = arith.addi %add3A_394, %add3A_393 : i32
      %mul3A_396 = arith.constant 16 : i32
      %mul3A_397 = arith.muli %add3A_395, %mul3A_396 : i32
      %dma_wait3A_398 = tpu.memref_slice %arg6[%mul3A_397] : memref<10240xi32, #tpu.memory_space<vmem>> -> memref<16xi32, #tpu.memory_space<vmem>>
      %dma_wait3A_399 = arith.constant 0 : i32
      %dma_wait3A_400 = arith.constant 0 : i32
      %dma_wait3A_401 = tpu.memref_slice %arg3[%dma_wait3A_399, %dma_wait3A_400] : memref<49408x768xf32, #tpu.memory_space<hbm>> -> memref<49408x768xf32, #tpu.memory_space<hbm>>
      tpu.wait_indirect_dma semaphore(%arg14 : memref<!tpu.dma_semaphore, #tpu.memory_space<semaphore_mem>>) src(%dma_wait3A_401 : memref<49408x768xf32, #tpu.memory_space<hbm>>) dst(%arg10 : memref<16x768xf32, #tpu.memory_space<vmem>>)
      %scan3A_402 = arith.constant 0 : i32
      %scan3A_403 = arith.constant 0 : i32
      %scan3A_404 = arith.constant 5 : i32
      %scan3A_405 = arith.addi %scan3A_403, %scan3A_404 : i32
      %scan3A_406 = arith.constant 1 : i32
      scf.for %scan3A_506 = %scan3A_403 to %scan3A_405 step %scan3A_406  : i32 {
        %add3A_507 = arith.constant 72 : i32
        %add3A_508 = arith.addi %add3A_507, %scan3A_506 : i32
        %parallel_loop3A = arith.constant 0 : i32
        %parallel_loop3A_509 = arith.constant 48 : i32
        %parallel_loop3A_510 = arith.constant 1 : i32
        scf.for %parallel_loop3A_511 = %parallel_loop3A to %parallel_loop3A_509 step %parallel_loop3A_510  : i32 {
          %parallel_loop3A_512 = arith.constant 16 : i32
          %parallel_loop3A_513 = arith.muli %parallel_loop3A_511, %parallel_loop3A_512 : i32
          %parallel_loop3A_514 = arith.index_cast %add3A_508 : i32 to index
          %parallel_loop3A_515 = arith.index_cast %parallel_loop3A_513 : i32 to index
          %parallel_loop3A_516 = tpu.vector_load %arg7[%parallel_loop3A_514, %parallel_loop3A_515] {strides = array<i32>} : memref<77x768xf32, #tpu.memory_space<vmem>>, vector<1x16xf32>,
          %parallel_loop3A_517 = vector.shape_cast %parallel_loop3A_516 : vector<1x16xf32> to vector<16xf32>
          %parallel_loop3A_518 = arith.index_cast %scan3A_506 : i32 to index
          %parallel_loop3A_519 = arith.index_cast %parallel_loop3A_513 : i32 to index
          %parallel_loop3A_520 = tpu.vector_load %arg10[%parallel_loop3A_518, %parallel_loop3A_519] {strides = array<i32>} : memref<16x768xf32, #tpu.memory_space<vmem>>, vector<1x16xf32>,
          %parallel_loop3A_521 = vector.shape_cast %parallel_loop3A_520 : vector<1x16xf32> to vector<16xf32>
          %parallel_loop3A_522 = vector.shape_cast %parallel_loop3A_517 : vector<16xf32> to vector<1x16xf32>
          tpu.vector_store %arg10[%parallel_loop3A_518, %parallel_loop3A_519], %parallel_loop3A_522 {add = true, strides = array<i32>} : memref<16x768xf32, #tpu.memory_space<vmem>>, vector<1x16xf32>,
          %parallel_loop3A_523 = arith.constant 8 : i32
          %parallel_loop3A_524 = arith.addi %parallel_loop3A_523, %scan3A_506 : i32
          %parallel_loop3A_525 = arith.index_cast %parallel_loop3A_524 : i32 to index
          %parallel_loop3A_526 = arith.index_cast %parallel_loop3A_513 : i32 to index
          %parallel_loop3A_527 = tpu.vector_load %arg10[%parallel_loop3A_525, %parallel_loop3A_526] {strides = array<i32>} : memref<16x768xf32, #tpu.memory_space<vmem>>, vector<1x16xf32>,
          %parallel_loop3A_528 = vector.shape_cast %parallel_loop3A_527 : vector<1x16xf32> to vector<16xf32>
          %parallel_loop3A_529 = vector.shape_cast %parallel_loop3A_517 : vector<16xf32> to vector<1x16xf32>
          tpu.vector_store %arg10[%parallel_loop3A_525, %parallel_loop3A_526], %parallel_loop3A_529 {add = true, strides = array<i32>} : memref<16x768xf32, #tpu.memory_space<vmem>>, vector<1x16xf32>,
        } {sc.loop_unroll_factor = 8 : i64, sc.parallel_access}
      }
      %scan3A_407 = arith.constant 5 : i32
      %mul3A_408 = arith.constant 2 : i32
      %mul3A_409 = arith.muli %mul3A_408, %add3A_393 : i32
      %add3A_410 = arith.addi %mul3A_2, %mul3A_409 : i32
      %dma_start3A_411 = arith.constant 0 : i32
      %dma_start3A_412 = arith.constant 0 : i32
      %dma_start3A_413 = tpu.memref_slice %arg10[%dma_start3A_411, %dma_start3A_412] : memref<16x768xf32, #tpu.memory_space<vmem>> -> memref<5x768xf32, #tpu.memory_space<vmem>>
      %dma_start3A_414 = arith.constant 72 : i32
      %dma_start3A_415 = arith.constant 0 : i32
      %dma_start3A_416 = tpu.memref_slice %arg5[%add3A_410, %dma_start3A_414, %dma_start3A_415] : memref<4096x77x768xf32, #tpu.memory_space<hbm>> -> memref<1x5x768xf32, #tpu.memory_space<hbm>>
      %dma_start3A_417 = tpu.memref_squeeze %dma_start3A_416 : memref<1x5x768xf32, #tpu.memory_space<hbm>> -> memref<5x768xf32, #tpu.memory_space<hbm>>
      %dma_start3A_418 = arith.constant 72 : i32
      %dma_start3A_419 = arith.constant 0 : i32
      %dma_start3A_420 = tpu.memref_slice %arg5[%add3A_410, %dma_start3A_418, %dma_start3A_419] : memref<4096x77x768xf32, #tpu.memory_space<hbm>> -> memref<1x5x768xf32, #tpu.memory_space<hbm>>
      %dma_start3A_421 = tpu.memref_squeeze %dma_start3A_420 : memref<1x5x768xf32, #tpu.memory_space<hbm>> -> memref<5x768xf32, #tpu.memory_space<hbm>>
      %dma_start3A_422 = arith.constant 0 : i32
      %dma_start3A_423 = arith.constant 0 : i32
      %dma_start3A_424 = tpu.memref_slice %arg10[%dma_start3A_422, %dma_start3A_423] : memref<16x768xf32, #tpu.memory_space<vmem>> -> memref<5x768xf32, #tpu.memory_space<vmem>>
      tpu.enqueue_dma source(%dma_start3A_424 : memref<5x768xf32, #tpu.memory_space<vmem>>) target(%dma_start3A_421 : memref<5x768xf32, #tpu.memory_space<hbm>>) target_semaphore(%arg18 : memref<!tpu.dma_semaphore, #tpu.memory_space<semaphore_mem>>)
      %add3A_425 = arith.constant 1 : i32
      %add3A_426 = arith.addi %add3A_410, %add3A_425 : i32
      %dma_start3A_427 = arith.constant 8 : i32
      %dma_start3A_428 = arith.constant 0 : i32
      %dma_start3A_429 = tpu.memref_slice %arg10[%dma_start3A_427, %dma_start3A_428] : memref<16x768xf32, #tpu.memory_space<vmem>> -> memref<5x768xf32, #tpu.memory_space<vmem>>
      %dma_start3A_430 = arith.constant 72 : i32
      %dma_start3A_431 = arith.constant 0 : i32
      %dma_start3A_432 = tpu.memref_slice %arg5[%add3A_426, %dma_start3A_430, %dma_start3A_431] : memref<4096x77x768xf32, #tpu.memory_space<hbm>> -> memref<1x5x768xf32, #tpu.memory_space<hbm>>
      %dma_start3A_433 = tpu.memref_squeeze %dma_start3A_432 : memref<1x5x768xf32, #tpu.memory_space<hbm>> -> memref<5x768xf32, #tpu.memory_space<hbm>>
      %dma_start3A_434 = arith.constant 72 : i32
      %dma_start3A_435 = arith.constant 0 : i32
      %dma_start3A_436 = tpu.memref_slice %arg5[%add3A_426, %dma_start3A_434, %dma_start3A_435] : memref<4096x77x768xf32, #tpu.memory_space<hbm>> -> memref<1x5x768xf32, #tpu.memory_space<hbm>>
      %dma_start3A_437 = tpu.memref_squeeze %dma_start3A_436 : memref<1x5x768xf32, #tpu.memory_space<hbm>> -> memref<5x768xf32, #tpu.memory_space<hbm>>
      %dma_start3A_438 = arith.constant 8 : i32
      %dma_start3A_439 = arith.constant 0 : i32
      %dma_start3A_440 = tpu.memref_slice %arg10[%dma_start3A_438, %dma_start3A_439] : memref<16x768xf32, #tpu.memory_space<vmem>> -> memref<5x768xf32, #tpu.memory_space<vmem>>
      tpu.enqueue_dma source(%dma_start3A_440 : memref<5x768xf32, #tpu.memory_space<vmem>>) target(%dma_start3A_437 : memref<5x768xf32, #tpu.memory_space<hbm>>) target_semaphore(%arg18 : memref<!tpu.dma_semaphore, #tpu.memory_space<semaphore_mem>>)
      %add3A_441 = arith.constant 2 : i32
      %add3A_442 = arith.addi %add3A_393, %add3A_441 : i32
      %lt3A_443 = arith.constant 64 : i32
      %lt3A_444 = arith.cmpi slt, %add3A_442, %lt3A_443 : i32
      %convert_element_type3A_445 = arith.extui %lt3A_444 : i1 to i32
      %cond3A_446 = arith.constant 0 : i32
      %cond3A_447 = arith.cmpi ne, %convert_element_type3A_445, %cond3A_446 : i32
      scf.if %cond3A_447 {
        %dma_wait3A_506 = arith.constant 0 : i32
        %dma_wait3A_507 = arith.constant 0 : i32
        %dma_wait3A_508 = arith.constant 0 : i32
        %dma_wait3A_509 = tpu.memref_slice %arg8[%dma_wait3A_507, %dma_wait3A_508] : memref<16x768xf32, #tpu.memory_space<vmem>> -> memref<5x768xf32, #tpu.memory_space<vmem>>
        %dma_wait3A_510 = arith.constant 0 : i32
        %dma_wait3A_511 = arith.constant 0 : i32
        %dma_wait3A_512 = tpu.memref_slice %arg5[%dma_wait3A_506, %dma_wait3A_510, %dma_wait3A_511] : memref<4096x77x768xf32, #tpu.memory_space<hbm>> -> memref<1x5x768xf32, #tpu.memory_space<hbm>>
        %dma_wait3A_513 = tpu.memref_squeeze %dma_wait3A_512 : memref<1x5x768xf32, #tpu.memory_space<hbm>> -> memref<5x768xf32, #tpu.memory_space<hbm>>
        %dma_wait3A_514 = arith.constant 0 : i32
        %dma_wait3A_515 = arith.constant 0 : i32
        %dma_wait3A_516 = tpu.memref_slice %arg5[%dma_wait3A_506, %dma_wait3A_514, %dma_wait3A_515] : memref<4096x77x768xf32, #tpu.memory_space<hbm>> -> memref<1x5x768xf32, #tpu.memory_space<hbm>>
        %dma_wait3A_517 = tpu.memref_squeeze %dma_wait3A_516 : memref<1x5x768xf32, #tpu.memory_space<hbm>> -> memref<5x768xf32, #tpu.memory_space<hbm>>
        %dma_wait3A_518 = arith.constant 0 : i32
        %dma_wait3A_519 = arith.constant 0 : i32
        %dma_wait3A_520 = tpu.memref_slice %arg8[%dma_wait3A_518, %dma_wait3A_519] : memref<16x768xf32, #tpu.memory_space<vmem>> -> memref<5x768xf32, #tpu.memory_space<vmem>>
        tpu.wait_dma2 semaphore(%arg16 : memref<!tpu.dma_semaphore, #tpu.memory_space<semaphore_mem>>) src(%dma_wait3A_520 : memref<5x768xf32, #tpu.memory_space<vmem>>) dst(%dma_wait3A_517 : memref<5x768xf32, #tpu.memory_space<hbm>>)
        %dma_wait3A_521 = arith.constant 0 : i32
        %dma_wait3A_522 = arith.constant 8 : i32
        %dma_wait3A_523 = arith.constant 0 : i32
        %dma_wait3A_524 = tpu.memref_slice %arg8[%dma_wait3A_522, %dma_wait3A_523] : memref<16x768xf32, #tpu.memory_space<vmem>> -> memref<5x768xf32, #tpu.memory_space<vmem>>
        %dma_wait3A_525 = arith.constant 0 : i32
        %dma_wait3A_526 = arith.constant 0 : i32
        %dma_wait3A_527 = tpu.memref_slice %arg5[%dma_wait3A_521, %dma_wait3A_525, %dma_wait3A_526] : memref<4096x77x768xf32, #tpu.memory_space<hbm>> -> memref<1x5x768xf32, #tpu.memory_space<hbm>>
        %dma_wait3A_528 = tpu.memref_squeeze %dma_wait3A_527 : memref<1x5x768xf32, #tpu.memory_space<hbm>> -> memref<5x768xf32, #tpu.memory_space<hbm>>
        %dma_wait3A_529 = arith.constant 0 : i32
        %dma_wait3A_530 = arith.constant 0 : i32
        %dma_wait3A_531 = tpu.memref_slice %arg5[%dma_wait3A_521, %dma_wait3A_529, %dma_wait3A_530] : memref<4096x77x768xf32, #tpu.memory_space<hbm>> -> memref<1x5x768xf32, #tpu.memory_space<hbm>>
        %dma_wait3A_532 = tpu.memref_squeeze %dma_wait3A_531 : memref<1x5x768xf32, #tpu.memory_space<hbm>> -> memref<5x768xf32, #tpu.memory_space<hbm>>
        %dma_wait3A_533 = arith.constant 8 : i32
        %dma_wait3A_534 = arith.constant 0 : i32
        %dma_wait3A_535 = tpu.memref_slice %arg8[%dma_wait3A_533, %dma_wait3A_534] : memref<16x768xf32, #tpu.memory_space<vmem>> -> memref<5x768xf32, #tpu.memory_space<vmem>>
        tpu.wait_dma2 semaphore(%arg16 : memref<!tpu.dma_semaphore, #tpu.memory_space<semaphore_mem>>) src(%dma_wait3A_535 : memref<5x768xf32, #tpu.memory_space<vmem>>) dst(%dma_wait3A_532 : memref<5x768xf32, #tpu.memory_space<hbm>>)
        %add3A_536 = arith.constant 2 : i32
        %add3A_537 = arith.addi %add3A_395, %add3A_536 : i32
        %mul3A_538 = arith.constant 16 : i32
        %mul3A_539 = arith.muli %add3A_537, %mul3A_538 : i32
        %dma_start3A_540 = tpu.memref_slice %arg6[%mul3A_539] : memref<10240xi32, #tpu.memory_space<vmem>> -> memref<16xi32, #tpu.memory_space<vmem>>
        %dma_start3A_541 = arith.constant 0 : i32
        %dma_start3A_542 = arith.constant 0 : i32
        %dma_start3A_543 = tpu.memref_slice %arg3[%dma_start3A_541, %dma_start3A_542] : memref<49408x768xf32, #tpu.memory_space<hbm>> -> memref<49408x768xf32, #tpu.memory_space<hbm>>
        tpu.enqueue_indirect_dma source(%dma_start3A_543 : memref<49408x768xf32, #tpu.memory_space<hbm>>) target(%arg8 : memref<16x768xf32, #tpu.memory_space<vmem>>) offsets(%dma_start3A_540 : memref<16xi32, #tpu.memory_space<vmem>>) semaphore(%arg12 : memref<!tpu.dma_semaphore, #tpu.memory_space<semaphore_mem>>)
      } else {
      }
      %mul3A_448 = arith.constant 4 : i32
      %mul3A_449 = arith.muli %mul3A_448, %scan3A_276 : i32
      %add3A_450 = arith.constant 3 : i32
      %add3A_451 = arith.addi %mul3A_449, %add3A_450 : i32
      %add3A_452 = arith.constant 576 : i32
      %add3A_453 = arith.addi %add3A_452, %add3A_451 : i32
      %mul3A_454 = arith.constant 16 : i32
      %mul3A_455 = arith.muli %add3A_453, %mul3A_454 : i32
      %dma_wait3A_456 = tpu.memref_slice %arg6[%mul3A_455] : memref<10240xi32, #tpu.memory_space<vmem>> -> memref<16xi32, #tpu.memory_space<vmem>>
      %dma_wait3A_457 = arith.constant 0 : i32
      %dma_wait3A_458 = arith.constant 0 : i32
      %dma_wait3A_459 = tpu.memref_slice %arg3[%dma_wait3A_457, %dma_wait3A_458] : memref<49408x768xf32, #tpu.memory_space<hbm>> -> memref<49408x768xf32, #tpu.memory_space<hbm>>
      tpu.wait_indirect_dma semaphore(%arg15 : memref<!tpu.dma_semaphore, #tpu.memory_space<semaphore_mem>>) src(%dma_wait3A_459 : memref<49408x768xf32, #tpu.memory_space<hbm>>) dst(%arg11 : memref<16x768xf32, #tpu.memory_space<vmem>>)
      %scan3A_460 = arith.constant 0 : i32
      %scan3A_461 = arith.constant 0 : i32
      %scan3A_462 = arith.constant 5 : i32
      %scan3A_463 = arith.addi %scan3A_461, %scan3A_462 : i32
      %scan3A_464 = arith.constant 1 : i32
      scf.for %scan3A_506 = %scan3A_461 to %scan3A_463 step %scan3A_464  : i32 {
        %add3A_507 = arith.constant 72 : i32
        %add3A_508 = arith.addi %add3A_507, %scan3A_506 : i32
        %parallel_loop3A = arith.constant 0 : i32
        %parallel_loop3A_509 = arith.constant 48 : i32
        %parallel_loop3A_510 = arith.constant 1 : i32
        scf.for %parallel_loop3A_511 = %parallel_loop3A to %parallel_loop3A_509 step %parallel_loop3A_510  : i32 {
          %parallel_loop3A_512 = arith.constant 16 : i32
          %parallel_loop3A_513 = arith.muli %parallel_loop3A_511, %parallel_loop3A_512 : i32
          %parallel_loop3A_514 = arith.index_cast %add3A_508 : i32 to index
          %parallel_loop3A_515 = arith.index_cast %parallel_loop3A_513 : i32 to index
          %parallel_loop3A_516 = tpu.vector_load %arg7[%parallel_loop3A_514, %parallel_loop3A_515] {strides = array<i32>} : memref<77x768xf32, #tpu.memory_space<vmem>>, vector<1x16xf32>,
          %parallel_loop3A_517 = vector.shape_cast %parallel_loop3A_516 : vector<1x16xf32> to vector<16xf32>
          %parallel_loop3A_518 = arith.index_cast %scan3A_506 : i32 to index
          %parallel_loop3A_519 = arith.index_cast %parallel_loop3A_513 : i32 to index
          %parallel_loop3A_520 = tpu.vector_load %arg11[%parallel_loop3A_518, %parallel_loop3A_519] {strides = array<i32>} : memref<16x768xf32, #tpu.memory_space<vmem>>, vector<1x16xf32>,
          %parallel_loop3A_521 = vector.shape_cast %parallel_loop3A_520 : vector<1x16xf32> to vector<16xf32>
          %parallel_loop3A_522 = vector.shape_cast %parallel_loop3A_517 : vector<16xf32> to vector<1x16xf32>
          tpu.vector_store %arg11[%parallel_loop3A_518, %parallel_loop3A_519], %parallel_loop3A_522 {add = true, strides = array<i32>} : memref<16x768xf32, #tpu.memory_space<vmem>>, vector<1x16xf32>,
          %parallel_loop3A_523 = arith.constant 8 : i32
          %parallel_loop3A_524 = arith.addi %parallel_loop3A_523, %scan3A_506 : i32
          %parallel_loop3A_525 = arith.index_cast %parallel_loop3A_524 : i32 to index
          %parallel_loop3A_526 = arith.index_cast %parallel_loop3A_513 : i32 to index
          %parallel_loop3A_527 = tpu.vector_load %arg11[%parallel_loop3A_525, %parallel_loop3A_526] {strides = array<i32>} : memref<16x768xf32, #tpu.memory_space<vmem>>, vector<1x16xf32>,
          %parallel_loop3A_528 = vector.shape_cast %parallel_loop3A_527 : vector<1x16xf32> to vector<16xf32>
          %parallel_loop3A_529 = vector.shape_cast %parallel_loop3A_517 : vector<16xf32> to vector<1x16xf32>
          tpu.vector_store %arg11[%parallel_loop3A_525, %parallel_loop3A_526], %parallel_loop3A_529 {add = true, strides = array<i32>} : memref<16x768xf32, #tpu.memory_space<vmem>>, vector<1x16xf32>,
        } {sc.loop_unroll_factor = 8 : i64, sc.parallel_access}
      }
      %scan3A_465 = arith.constant 5 : i32
      %mul3A_466 = arith.constant 2 : i32
      %mul3A_467 = arith.muli %mul3A_466, %add3A_451 : i32
      %add3A_468 = arith.addi %mul3A_2, %mul3A_467 : i32
      %dma_start3A_469 = arith.constant 0 : i32
      %dma_start3A_470 = arith.constant 0 : i32
      %dma_start3A_471 = tpu.memref_slice %arg11[%dma_start3A_469, %dma_start3A_470] : memref<16x768xf32, #tpu.memory_space<vmem>> -> memref<5x768xf32, #tpu.memory_space<vmem>>
      %dma_start3A_472 = arith.constant 72 : i32
      %dma_start3A_473 = arith.constant 0 : i32
      %dma_start3A_474 = tpu.memref_slice %arg5[%add3A_468, %dma_start3A_472, %dma_start3A_473] : memref<4096x77x768xf32, #tpu.memory_space<hbm>> -> memref<1x5x768xf32, #tpu.memory_space<hbm>>
      %dma_start3A_475 = tpu.memref_squeeze %dma_start3A_474 : memref<1x5x768xf32, #tpu.memory_space<hbm>> -> memref<5x768xf32, #tpu.memory_space<hbm>>
      %dma_start3A_476 = arith.constant 72 : i32
      %dma_start3A_477 = arith.constant 0 : i32
      %dma_start3A_478 = tpu.memref_slice %arg5[%add3A_468, %dma_start3A_476, %dma_start3A_477] : memref<4096x77x768xf32, #tpu.memory_space<hbm>> -> memref<1x5x768xf32, #tpu.memory_space<hbm>>
      %dma_start3A_479 = tpu.memref_squeeze %dma_start3A_478 : memref<1x5x768xf32, #tpu.memory_space<hbm>> -> memref<5x768xf32, #tpu.memory_space<hbm>>
      %dma_start3A_480 = arith.constant 0 : i32
      %dma_start3A_481 = arith.constant 0 : i32
      %dma_start3A_482 = tpu.memref_slice %arg11[%dma_start3A_480, %dma_start3A_481] : memref<16x768xf32, #tpu.memory_space<vmem>> -> memref<5x768xf32, #tpu.memory_space<vmem>>
      tpu.enqueue_dma source(%dma_start3A_482 : memref<5x768xf32, #tpu.memory_space<vmem>>) target(%dma_start3A_479 : memref<5x768xf32, #tpu.memory_space<hbm>>) target_semaphore(%arg19 : memref<!tpu.dma_semaphore, #tpu.memory_space<semaphore_mem>>)
      %add3A_483 = arith.constant 1 : i32
      %add3A_484 = arith.addi %add3A_468, %add3A_483 : i32
      %dma_start3A_485 = arith.constant 8 : i32
      %dma_start3A_486 = arith.constant 0 : i32
      %dma_start3A_487 = tpu.memref_slice %arg11[%dma_start3A_485, %dma_start3A_486] : memref<16x768xf32, #tpu.memory_space<vmem>> -> memref<5x768xf32, #tpu.memory_space<vmem>>
      %dma_start3A_488 = arith.constant 72 : i32
      %dma_start3A_489 = arith.constant 0 : i32
      %dma_start3A_490 = tpu.memref_slice %arg5[%add3A_484, %dma_start3A_488, %dma_start3A_489] : memref<4096x77x768xf32, #tpu.memory_space<hbm>> -> memref<1x5x768xf32, #tpu.memory_space<hbm>>
      %dma_start3A_491 = tpu.memref_squeeze %dma_start3A_490 : memref<1x5x768xf32, #tpu.memory_space<hbm>> -> memref<5x768xf32, #tpu.memory_space<hbm>>
      %dma_start3A_492 = arith.constant 72 : i32
      %dma_start3A_493 = arith.constant 0 : i32
      %dma_start3A_494 = tpu.memref_slice %arg5[%add3A_484, %dma_start3A_492, %dma_start3A_493] : memref<4096x77x768xf32, #tpu.memory_space<hbm>> -> memref<1x5x768xf32, #tpu.memory_space<hbm>>
      %dma_start3A_495 = tpu.memref_squeeze %dma_start3A_494 : memref<1x5x768xf32, #tpu.memory_space<hbm>> -> memref<5x768xf32, #tpu.memory_space<hbm>>
      %dma_start3A_496 = arith.constant 8 : i32
      %dma_start3A_497 = arith.constant 0 : i32
      %dma_start3A_498 = tpu.memref_slice %arg11[%dma_start3A_496, %dma_start3A_497] : memref<16x768xf32, #tpu.memory_space<vmem>> -> memref<5x768xf32, #tpu.memory_space<vmem>>
      tpu.enqueue_dma source(%dma_start3A_498 : memref<5x768xf32, #tpu.memory_space<vmem>>) target(%dma_start3A_495 : memref<5x768xf32, #tpu.memory_space<hbm>>) target_semaphore(%arg19 : memref<!tpu.dma_semaphore, #tpu.memory_space<semaphore_mem>>)
      %add3A_499 = arith.constant 2 : i32
      %add3A_500 = arith.addi %add3A_451, %add3A_499 : i32
      %lt3A_501 = arith.constant 64 : i32
      %lt3A_502 = arith.cmpi slt, %add3A_500, %lt3A_501 : i32
      %convert_element_type3A_503 = arith.extui %lt3A_502 : i1 to i32
      %cond3A_504 = arith.constant 0 : i32
      %cond3A_505 = arith.cmpi ne, %convert_element_type3A_503, %cond3A_504 : i32
      scf.if %cond3A_505 {
        %dma_wait3A_506 = arith.constant 0 : i32
        %dma_wait3A_507 = arith.constant 0 : i32
        %dma_wait3A_508 = arith.constant 0 : i32
        %dma_wait3A_509 = tpu.memref_slice %arg9[%dma_wait3A_507, %dma_wait3A_508] : memref<16x768xf32, #tpu.memory_space<vmem>> -> memref<5x768xf32, #tpu.memory_space<vmem>>
        %dma_wait3A_510 = arith.constant 0 : i32
        %dma_wait3A_511 = arith.constant 0 : i32
        %dma_wait3A_512 = tpu.memref_slice %arg5[%dma_wait3A_506, %dma_wait3A_510, %dma_wait3A_511] : memref<4096x77x768xf32, #tpu.memory_space<hbm>> -> memref<1x5x768xf32, #tpu.memory_space<hbm>>
        %dma_wait3A_513 = tpu.memref_squeeze %dma_wait3A_512 : memref<1x5x768xf32, #tpu.memory_space<hbm>> -> memref<5x768xf32, #tpu.memory_space<hbm>>
        %dma_wait3A_514 = arith.constant 0 : i32
        %dma_wait3A_515 = arith.constant 0 : i32
        %dma_wait3A_516 = tpu.memref_slice %arg5[%dma_wait3A_506, %dma_wait3A_514, %dma_wait3A_515] : memref<4096x77x768xf32, #tpu.memory_space<hbm>> -> memref<1x5x768xf32, #tpu.memory_space<hbm>>
        %dma_wait3A_517 = tpu.memref_squeeze %dma_wait3A_516 : memref<1x5x768xf32, #tpu.memory_space<hbm>> -> memref<5x768xf32, #tpu.memory_space<hbm>>
        %dma_wait3A_518 = arith.constant 0 : i32
        %dma_wait3A_519 = arith.constant 0 : i32
        %dma_wait3A_520 = tpu.memref_slice %arg9[%dma_wait3A_518, %dma_wait3A_519] : memref<16x768xf32, #tpu.memory_space<vmem>> -> memref<5x768xf32, #tpu.memory_space<vmem>>
        tpu.wait_dma2 semaphore(%arg17 : memref<!tpu.dma_semaphore, #tpu.memory_space<semaphore_mem>>) src(%dma_wait3A_520 : memref<5x768xf32, #tpu.memory_space<vmem>>) dst(%dma_wait3A_517 : memref<5x768xf32, #tpu.memory_space<hbm>>)
        %dma_wait3A_521 = arith.constant 0 : i32
        %dma_wait3A_522 = arith.constant 8 : i32
        %dma_wait3A_523 = arith.constant 0 : i32
        %dma_wait3A_524 = tpu.memref_slice %arg9[%dma_wait3A_522, %dma_wait3A_523] : memref<16x768xf32, #tpu.memory_space<vmem>> -> memref<5x768xf32, #tpu.memory_space<vmem>>
        %dma_wait3A_525 = arith.constant 0 : i32
        %dma_wait3A_526 = arith.constant 0 : i32
        %dma_wait3A_527 = tpu.memref_slice %arg5[%dma_wait3A_521, %dma_wait3A_525, %dma_wait3A_526] : memref<4096x77x768xf32, #tpu.memory_space<hbm>> -> memref<1x5x768xf32, #tpu.memory_space<hbm>>
        %dma_wait3A_528 = tpu.memref_squeeze %dma_wait3A_527 : memref<1x5x768xf32, #tpu.memory_space<hbm>> -> memref<5x768xf32, #tpu.memory_space<hbm>>
        %dma_wait3A_529 = arith.constant 0 : i32
        %dma_wait3A_530 = arith.constant 0 : i32
        %dma_wait3A_531 = tpu.memref_slice %arg5[%dma_wait3A_521, %dma_wait3A_529, %dma_wait3A_530] : memref<4096x77x768xf32, #tpu.memory_space<hbm>> -> memref<1x5x768xf32, #tpu.memory_space<hbm>>
        %dma_wait3A_532 = tpu.memref_squeeze %dma_wait3A_531 : memref<1x5x768xf32, #tpu.memory_space<hbm>> -> memref<5x768xf32, #tpu.memory_space<hbm>>
        %dma_wait3A_533 = arith.constant 8 : i32
        %dma_wait3A_534 = arith.constant 0 : i32
        %dma_wait3A_535 = tpu.memref_slice %arg9[%dma_wait3A_533, %dma_wait3A_534] : memref<16x768xf32, #tpu.memory_space<vmem>> -> memref<5x768xf32, #tpu.memory_space<vmem>>
        tpu.wait_dma2 semaphore(%arg17 : memref<!tpu.dma_semaphore, #tpu.memory_space<semaphore_mem>>) src(%dma_wait3A_535 : memref<5x768xf32, #tpu.memory_space<vmem>>) dst(%dma_wait3A_532 : memref<5x768xf32, #tpu.memory_space<hbm>>)
        %add3A_536 = arith.constant 2 : i32
        %add3A_537 = arith.addi %add3A_453, %add3A_536 : i32
        %mul3A_538 = arith.constant 16 : i32
        %mul3A_539 = arith.muli %add3A_537, %mul3A_538 : i32
        %dma_start3A_540 = tpu.memref_slice %arg6[%mul3A_539] : memref<10240xi32, #tpu.memory_space<vmem>> -> memref<16xi32, #tpu.memory_space<vmem>>
        %dma_start3A_541 = arith.constant 0 : i32
        %dma_start3A_542 = arith.constant 0 : i32
        %dma_start3A_543 = tpu.memref_slice %arg3[%dma_start3A_541, %dma_start3A_542] : memref<49408x768xf32, #tpu.memory_space<hbm>> -> memref<49408x768xf32, #tpu.memory_space<hbm>>
        tpu.enqueue_indirect_dma source(%dma_start3A_543 : memref<49408x768xf32, #tpu.memory_space<hbm>>) target(%arg9 : memref<16x768xf32, #tpu.memory_space<vmem>>) offsets(%dma_start3A_540 : memref<16xi32, #tpu.memory_space<vmem>>) semaphore(%arg13 : memref<!tpu.dma_semaphore, #tpu.memory_space<semaphore_mem>>)
      } else {
      }
    }
    %scan3A_155 = arith.constant 16 : i32
    %dma_wait3A_156 = arith.constant 0 : i32
    %dma_wait3A_157 = arith.constant 0 : i32
    %dma_wait3A_158 = arith.constant 0 : i32
    %dma_wait3A_159 = tpu.memref_slice %arg8[%dma_wait3A_157, %dma_wait3A_158] : memref<16x768xf32, #tpu.memory_space<vmem>> -> memref<5x768xf32, #tpu.memory_space<vmem>>
    %dma_wait3A_160 = arith.constant 0 : i32
    %dma_wait3A_161 = arith.constant 0 : i32
    %dma_wait3A_162 = tpu.memref_slice %arg5[%dma_wait3A_156, %dma_wait3A_160, %dma_wait3A_161] : memref<4096x77x768xf32, #tpu.memory_space<hbm>> -> memref<1x5x768xf32, #tpu.memory_space<hbm>>
    %dma_wait3A_163 = tpu.memref_squeeze %dma_wait3A_162 : memref<1x5x768xf32, #tpu.memory_space<hbm>> -> memref<5x768xf32, #tpu.memory_space<hbm>>
    %dma_wait3A_164 = arith.constant 0 : i32
    %dma_wait3A_165 = arith.constant 0 : i32
    %dma_wait3A_166 = tpu.memref_slice %arg5[%dma_wait3A_156, %dma_wait3A_164, %dma_wait3A_165] : memref<4096x77x768xf32, #tpu.memory_space<hbm>> -> memref<1x5x768xf32, #tpu.memory_space<hbm>>
    %dma_wait3A_167 = tpu.memref_squeeze %dma_wait3A_166 : memref<1x5x768xf32, #tpu.memory_space<hbm>> -> memref<5x768xf32, #tpu.memory_space<hbm>>
    %dma_wait3A_168 = arith.constant 0 : i32
    %dma_wait3A_169 = arith.constant 0 : i32
    %dma_wait3A_170 = tpu.memref_slice %arg8[%dma_wait3A_168, %dma_wait3A_169] : memref<16x768xf32, #tpu.memory_space<vmem>> -> memref<5x768xf32, #tpu.memory_space<vmem>>
    tpu.wait_dma2 semaphore(%arg16 : memref<!tpu.dma_semaphore, #tpu.memory_space<semaphore_mem>>) src(%dma_wait3A_170 : memref<5x768xf32, #tpu.memory_space<vmem>>) dst(%dma_wait3A_167 : memref<5x768xf32, #tpu.memory_space<hbm>>)
    %dma_wait3A_171 = arith.constant 0 : i32
    %dma_wait3A_172 = arith.constant 8 : i32
    %dma_wait3A_173 = arith.constant 0 : i32
    %dma_wait3A_174 = tpu.memref_slice %arg8[%dma_wait3A_172, %dma_wait3A_173] : memref<16x768xf32, #tpu.memory_space<vmem>> -> memref<5x768xf32, #tpu.memory_space<vmem>>
    %dma_wait3A_175 = arith.constant 0 : i32
    %dma_wait3A_176 = arith.constant 0 : i32
    %dma_wait3A_177 = tpu.memref_slice %arg5[%dma_wait3A_171, %dma_wait3A_175, %dma_wait3A_176] : memref<4096x77x768xf32, #tpu.memory_space<hbm>> -> memref<1x5x768xf32, #tpu.memory_space<hbm>>
    %dma_wait3A_178 = tpu.memref_squeeze %dma_wait3A_177 : memref<1x5x768xf32, #tpu.memory_space<hbm>> -> memref<5x768xf32, #tpu.memory_space<hbm>>
    %dma_wait3A_179 = arith.constant 0 : i32
    %dma_wait3A_180 = arith.constant 0 : i32
    %dma_wait3A_181 = tpu.memref_slice %arg5[%dma_wait3A_171, %dma_wait3A_179, %dma_wait3A_180] : memref<4096x77x768xf32, #tpu.memory_space<hbm>> -> memref<1x5x768xf32, #tpu.memory_space<hbm>>
    %dma_wait3A_182 = tpu.memref_squeeze %dma_wait3A_181 : memref<1x5x768xf32, #tpu.memory_space<hbm>> -> memref<5x768xf32, #tpu.memory_space<hbm>>
    %dma_wait3A_183 = arith.constant 8 : i32
    %dma_wait3A_184 = arith.constant 0 : i32
    %dma_wait3A_185 = tpu.memref_slice %arg8[%dma_wait3A_183, %dma_wait3A_184] : memref<16x768xf32, #tpu.memory_space<vmem>> -> memref<5x768xf32, #tpu.memory_space<vmem>>
    tpu.wait_dma2 semaphore(%arg16 : memref<!tpu.dma_semaphore, #tpu.memory_space<semaphore_mem>>) src(%dma_wait3A_185 : memref<5x768xf32, #tpu.memory_space<vmem>>) dst(%dma_wait3A_182 : memref<5x768xf32, #tpu.memory_space<hbm>>)
    %dma_wait3A_186 = arith.constant 0 : i32
    %dma_wait3A_187 = arith.constant 0 : i32
    %dma_wait3A_188 = arith.constant 0 : i32
    %dma_wait3A_189 = tpu.memref_slice %arg9[%dma_wait3A_187, %dma_wait3A_188] : memref<16x768xf32, #tpu.memory_space<vmem>> -> memref<5x768xf32, #tpu.memory_space<vmem>>
    %dma_wait3A_190 = arith.constant 0 : i32
    %dma_wait3A_191 = arith.constant 0 : i32
    %dma_wait3A_192 = tpu.memref_slice %arg5[%dma_wait3A_186, %dma_wait3A_190, %dma_wait3A_191] : memref<4096x77x768xf32, #tpu.memory_space<hbm>> -> memref<1x5x768xf32, #tpu.memory_space<hbm>>
    %dma_wait3A_193 = tpu.memref_squeeze %dma_wait3A_192 : memref<1x5x768xf32, #tpu.memory_space<hbm>> -> memref<5x768xf32, #tpu.memory_space<hbm>>
    %dma_wait3A_194 = arith.constant 0 : i32
    %dma_wait3A_195 = arith.constant 0 : i32
    %dma_wait3A_196 = tpu.memref_slice %arg5[%dma_wait3A_186, %dma_wait3A_194, %dma_wait3A_195] : memref<4096x77x768xf32, #tpu.memory_space<hbm>> -> memref<1x5x768xf32, #tpu.memory_space<hbm>>
    %dma_wait3A_197 = tpu.memref_squeeze %dma_wait3A_196 : memref<1x5x768xf32, #tpu.memory_space<hbm>> -> memref<5x768xf32, #tpu.memory_space<hbm>>
    %dma_wait3A_198 = arith.constant 0 : i32
    %dma_wait3A_199 = arith.constant 0 : i32
    %dma_wait3A_200 = tpu.memref_slice %arg9[%dma_wait3A_198, %dma_wait3A_199] : memref<16x768xf32, #tpu.memory_space<vmem>> -> memref<5x768xf32, #tpu.memory_space<vmem>>
    tpu.wait_dma2 semaphore(%arg17 : memref<!tpu.dma_semaphore, #tpu.memory_space<semaphore_mem>>) src(%dma_wait3A_200 : memref<5x768xf32, #tpu.memory_space<vmem>>) dst(%dma_wait3A_197 : memref<5x768xf32, #tpu.memory_space<hbm>>)
    %dma_wait3A_201 = arith.constant 0 : i32
    %dma_wait3A_202 = arith.constant 8 : i32
    %dma_wait3A_203 = arith.constant 0 : i32
    %dma_wait3A_204 = tpu.memref_slice %arg9[%dma_wait3A_202, %dma_wait3A_203] : memref<16x768xf32, #tpu.memory_space<vmem>> -> memref<5x768xf32, #tpu.memory_space<vmem>>
    %dma_wait3A_205 = arith.constant 0 : i32
    %dma_wait3A_206 = arith.constant 0 : i32
    %dma_wait3A_207 = tpu.memref_slice %arg5[%dma_wait3A_201, %dma_wait3A_205, %dma_wait3A_206] : memref<4096x77x768xf32, #tpu.memory_space<hbm>> -> memref<1x5x768xf32, #tpu.memory_space<hbm>>
    %dma_wait3A_208 = tpu.memref_squeeze %dma_wait3A_207 : memref<1x5x768xf32, #tpu.memory_space<hbm>> -> memref<5x768xf32, #tpu.memory_space<hbm>>
    %dma_wait3A_209 = arith.constant 0 : i32
    %dma_wait3A_210 = arith.constant 0 : i32
    %dma_wait3A_211 = tpu.memref_slice %arg5[%dma_wait3A_201, %dma_wait3A_209, %dma_wait3A_210] : memref<4096x77x768xf32, #tpu.memory_space<hbm>> -> memref<1x5x768xf32, #tpu.memory_space<hbm>>
    %dma_wait3A_212 = tpu.memref_squeeze %dma_wait3A_211 : memref<1x5x768xf32, #tpu.memory_space<hbm>> -> memref<5x768xf32, #tpu.memory_space<hbm>>
    %dma_wait3A_213 = arith.constant 8 : i32
    %dma_wait3A_214 = arith.constant 0 : i32
    %dma_wait3A_215 = tpu.memref_slice %arg9[%dma_wait3A_213, %dma_wait3A_214] : memref<16x768xf32, #tpu.memory_space<vmem>> -> memref<5x768xf32, #tpu.memory_space<vmem>>
    tpu.wait_dma2 semaphore(%arg17 : memref<!tpu.dma_semaphore, #tpu.memory_space<semaphore_mem>>) src(%dma_wait3A_215 : memref<5x768xf32, #tpu.memory_space<vmem>>) dst(%dma_wait3A_212 : memref<5x768xf32, #tpu.memory_space<hbm>>)
    %dma_wait3A_216 = arith.constant 0 : i32
    %dma_wait3A_217 = arith.constant 0 : i32
    %dma_wait3A_218 = arith.constant 0 : i32
    %dma_wait3A_219 = tpu.memref_slice %arg10[%dma_wait3A_217, %dma_wait3A_218] : memref<16x768xf32, #tpu.memory_space<vmem>> -> memref<5x768xf32, #tpu.memory_space<vmem>>
    %dma_wait3A_220 = arith.constant 0 : i32
    %dma_wait3A_221 = arith.constant 0 : i32
    %dma_wait3A_222 = tpu.memref_slice %arg5[%dma_wait3A_216, %dma_wait3A_220, %dma_wait3A_221] : memref<4096x77x768xf32, #tpu.memory_space<hbm>> -> memref<1x5x768xf32, #tpu.memory_space<hbm>>
    %dma_wait3A_223 = tpu.memref_squeeze %dma_wait3A_222 : memref<1x5x768xf32, #tpu.memory_space<hbm>> -> memref<5x768xf32, #tpu.memory_space<hbm>>
    %dma_wait3A_224 = arith.constant 0 : i32
    %dma_wait3A_225 = arith.constant 0 : i32
    %dma_wait3A_226 = tpu.memref_slice %arg5[%dma_wait3A_216, %dma_wait3A_224, %dma_wait3A_225] : memref<4096x77x768xf32, #tpu.memory_space<hbm>> -> memref<1x5x768xf32, #tpu.memory_space<hbm>>
    %dma_wait3A_227 = tpu.memref_squeeze %dma_wait3A_226 : memref<1x5x768xf32, #tpu.memory_space<hbm>> -> memref<5x768xf32, #tpu.memory_space<hbm>>
    %dma_wait3A_228 = arith.constant 0 : i32
    %dma_wait3A_229 = arith.constant 0 : i32
    %dma_wait3A_230 = tpu.memref_slice %arg10[%dma_wait3A_228, %dma_wait3A_229] : memref<16x768xf32, #tpu.memory_space<vmem>> -> memref<5x768xf32, #tpu.memory_space<vmem>>
    tpu.wait_dma2 semaphore(%arg18 : memref<!tpu.dma_semaphore, #tpu.memory_space<semaphore_mem>>) src(%dma_wait3A_230 : memref<5x768xf32, #tpu.memory_space<vmem>>) dst(%dma_wait3A_227 : memref<5x768xf32, #tpu.memory_space<hbm>>)
    %dma_wait3A_231 = arith.constant 0 : i32
    %dma_wait3A_232 = arith.constant 8 : i32
    %dma_wait3A_233 = arith.constant 0 : i32
    %dma_wait3A_234 = tpu.memref_slice %arg10[%dma_wait3A_232, %dma_wait3A_233] : memref<16x768xf32, #tpu.memory_space<vmem>> -> memref<5x768xf32, #tpu.memory_space<vmem>>
    %dma_wait3A_235 = arith.constant 0 : i32
    %dma_wait3A_236 = arith.constant 0 : i32
    %dma_wait3A_237 = tpu.memref_slice %arg5[%dma_wait3A_231, %dma_wait3A_235, %dma_wait3A_236] : memref<4096x77x768xf32, #tpu.memory_space<hbm>> -> memref<1x5x768xf32, #tpu.memory_space<hbm>>
    %dma_wait3A_238 = tpu.memref_squeeze %dma_wait3A_237 : memref<1x5x768xf32, #tpu.memory_space<hbm>> -> memref<5x768xf32, #tpu.memory_space<hbm>>
    %dma_wait3A_239 = arith.constant 0 : i32
    %dma_wait3A_240 = arith.constant 0 : i32
    %dma_wait3A_241 = tpu.memref_slice %arg5[%dma_wait3A_231, %dma_wait3A_239, %dma_wait3A_240] : memref<4096x77x768xf32, #tpu.memory_space<hbm>> -> memref<1x5x768xf32, #tpu.memory_space<hbm>>
    %dma_wait3A_242 = tpu.memref_squeeze %dma_wait3A_241 : memref<1x5x768xf32, #tpu.memory_space<hbm>> -> memref<5x768xf32, #tpu.memory_space<hbm>>
    %dma_wait3A_243 = arith.constant 8 : i32
    %dma_wait3A_244 = arith.constant 0 : i32
    %dma_wait3A_245 = tpu.memref_slice %arg10[%dma_wait3A_243, %dma_wait3A_244] : memref<16x768xf32, #tpu.memory_space<vmem>> -> memref<5x768xf32, #tpu.memory_space<vmem>>
    tpu.wait_dma2 semaphore(%arg18 : memref<!tpu.dma_semaphore, #tpu.memory_space<semaphore_mem>>) src(%dma_wait3A_245 : memref<5x768xf32, #tpu.memory_space<vmem>>) dst(%dma_wait3A_242 : memref<5x768xf32, #tpu.memory_space<hbm>>)
    %dma_wait3A_246 = arith.constant 0 : i32
    %dma_wait3A_247 = arith.constant 0 : i32
    %dma_wait3A_248 = arith.constant 0 : i32
    %dma_wait3A_249 = tpu.memref_slice %arg11[%dma_wait3A_247, %dma_wait3A_248] : memref<16x768xf32, #tpu.memory_space<vmem>> -> memref<5x768xf32, #tpu.memory_space<vmem>>
    %dma_wait3A_250 = arith.constant 0 : i32
    %dma_wait3A_251 = arith.constant 0 : i32
    %dma_wait3A_252 = tpu.memref_slice %arg5[%dma_wait3A_246, %dma_wait3A_250, %dma_wait3A_251] : memref<4096x77x768xf32, #tpu.memory_space<hbm>> -> memref<1x5x768xf32, #tpu.memory_space<hbm>>
    %dma_wait3A_253 = tpu.memref_squeeze %dma_wait3A_252 : memref<1x5x768xf32, #tpu.memory_space<hbm>> -> memref<5x768xf32, #tpu.memory_space<hbm>>
    %dma_wait3A_254 = arith.constant 0 : i32
    %dma_wait3A_255 = arith.constant 0 : i32
    %dma_wait3A_256 = tpu.memref_slice %arg5[%dma_wait3A_246, %dma_wait3A_254, %dma_wait3A_255] : memref<4096x77x768xf32, #tpu.memory_space<hbm>> -> memref<1x5x768xf32, #tpu.memory_space<hbm>>
    %dma_wait3A_257 = tpu.memref_squeeze %dma_wait3A_256 : memref<1x5x768xf32, #tpu.memory_space<hbm>> -> memref<5x768xf32, #tpu.memory_space<hbm>>
    %dma_wait3A_258 = arith.constant 0 : i32
    %dma_wait3A_259 = arith.constant 0 : i32
    %dma_wait3A_260 = tpu.memref_slice %arg11[%dma_wait3A_258, %dma_wait3A_259] : memref<16x768xf32, #tpu.memory_space<vmem>> -> memref<5x768xf32, #tpu.memory_space<vmem>>
    tpu.wait_dma2 semaphore(%arg19 : memref<!tpu.dma_semaphore, #tpu.memory_space<semaphore_mem>>) src(%dma_wait3A_260 : memref<5x768xf32, #tpu.memory_space<vmem>>) dst(%dma_wait3A_257 : memref<5x768xf32, #tpu.memory_space<hbm>>)
    %dma_wait3A_261 = arith.constant 0 : i32
    %dma_wait3A_262 = arith.constant 8 : i32
    %dma_wait3A_263 = arith.constant 0 : i32
    %dma_wait3A_264 = tpu.memref_slice %arg11[%dma_wait3A_262, %dma_wait3A_263] : memref<16x768xf32, #tpu.memory_space<vmem>> -> memref<5x768xf32, #tpu.memory_space<vmem>>
    %dma_wait3A_265 = arith.constant 0 : i32
    %dma_wait3A_266 = arith.constant 0 : i32
    %dma_wait3A_267 = tpu.memref_slice %arg5[%dma_wait3A_261, %dma_wait3A_265, %dma_wait3A_266] : memref<4096x77x768xf32, #tpu.memory_space<hbm>> -> memref<1x5x768xf32, #tpu.memory_space<hbm>>
    %dma_wait3A_268 = tpu.memref_squeeze %dma_wait3A_267 : memref<1x5x768xf32, #tpu.memory_space<hbm>> -> memref<5x768xf32, #tpu.memory_space<hbm>>
    %dma_wait3A_269 = arith.constant 0 : i32
    %dma_wait3A_270 = arith.constant 0 : i32
    %dma_wait3A_271 = tpu.memref_slice %arg5[%dma_wait3A_261, %dma_wait3A_269, %dma_wait3A_270] : memref<4096x77x768xf32, #tpu.memory_space<hbm>> -> memref<1x5x768xf32, #tpu.memory_space<hbm>>
    %dma_wait3A_272 = tpu.memref_squeeze %dma_wait3A_271 : memref<1x5x768xf32, #tpu.memory_space<hbm>> -> memref<5x768xf32, #tpu.memory_space<hbm>>
    %dma_wait3A_273 = arith.constant 8 : i32
    %dma_wait3A_274 = arith.constant 0 : i32
    %dma_wait3A_275 = tpu.memref_slice %arg11[%dma_wait3A_273, %dma_wait3A_274] : memref<16x768xf32, #tpu.memory_space<vmem>> -> memref<5x768xf32, #tpu.memory_space<vmem>>
    tpu.wait_dma2 semaphore(%arg19 : memref<!tpu.dma_semaphore, #tpu.memory_space<semaphore_mem>>) src(%dma_wait3A_275 : memref<5x768xf32, #tpu.memory_space<vmem>>) dst(%dma_wait3A_272 : memref<5x768xf32, #tpu.memory_space<hbm>>)
    return
  }
}

</mosaic_0001>

<sc_bundles>
// kernel: _run.3.cloned.1.call-start
scs
__scs_entry_jumppad:
0x0: {  	(pc) =	sbr.rel $0x88, $3  }
0x1: {  	(tag) =	ssettag $0x0;
	lr =	simm.s32 $0x1  }
0x2: {  	[smem:$0x3F9E] =	sst lr;
	_ =	strace $0xD0000000  }
0x3: {  	_ = 	snop  }
0x4: {  	_ = 	snop  }
0x5: {  	_ = 	snop  }
0x6: {  	_ = 	snop  }
0x7: {  	_ = 	snop  }
__scs_overlays_trampoline_lowered:
0x8: {  	[smem:$0x3FAD] =	sst s0  }
0x9: {  	[smem:$0x3FAE] =	sst s1  }
0xa: {  	[smem:$0x3FAF] =	sst s2  }
0xb: {  	[smem:$0x3FB0] =	sst s3  }
0xc: {  	[smem:$0x3FB1] =	sst s4  }
0xd: {  	[smem:$0x3FB2] =	sst s5  }
0xe: {  	[smem:$0x3FB3] =	sst s6  }
0xf: {  	[smem:$0x3FB4] =	sst s7  }
0x10: {  	[smem:$0x3FB5] =	sst s8  }
0x11: {  	[smem:$0x3FB6] =	sst s9;
	s0 =	simm.s32 @!p0 $0x0  }
0x12: {  	s1 =	sld [smem:$0x3F9C];
	s0 =	simm.s32 @p0 $0x1  }
0x13: {  	[smem:$0x3FB7] =	sst s0;
	s0 =	simm.s32 @!p1 $0x0  }
0x14: {  	s2 =	sld [smem:$0x3F9B];
	s0 =	simm.s32 @p1 $0x1  }
0x15: {  	[smem:$0x3FB8] =	sst s0;
	s0 =	simm.s32 @!p2 $0x0  }
0x16: {  	s3 =	sld [smem:$0x3FDB];
	s0 =	simm.s32 @p2 $0x1  }
0x17: {  	s4 =	simm.s32 $0x1BF5;
	[smem:$0x3FBA] =	sst s0  }
0x18: {  	s0 =	sld [smem:$0x3F9D];
	_ =	swait.ge [sflag:s4], $0x0  }
0x19: {  	s7 =	sld [smem:$0x3F9E]  }
0x1a: {  	s8 =	sadd.s32 $0xFFFFE003, lr  }
0x1b: {  	s9 =	sadd.s32 $0xFFFFFEF7, lr;
	s5 =	simm.s32 $0xFFFFFFFF;
	p2 =	slt.u32 s8, $0xFFFFF086  }
0x1c: {  	p1 =	slt.u32 s9, $0xF7A;
	s5 =	simm.s32 @!p2 $0x0  }
0x1d: {  	s5 =	simm.s32 @p1 $0x1;
	p0 =	seq.s32 s7, s2  }
0x1e: {  	s7 =	smul.u32 @!p0 $0xF7A, s2;
	p2 =	seq.s32 @!p0 s5, $0x0  }
0x1f: {  	s9 =	smul.u32 $0xF7A, s1;
	s8 =	simm.s32 @!p0 $0x1BF5;
	p2 =	por !p2, p0  }
0x20: {  	[sflag:s8] =	ssyncset.s32 @!p0 $0xFFFFF086;
	s6 =	sadd.s32 @!p0 s3, s7;
	s7 =	simm.s32 @!p0 $0x108  }
0x21: {  	s3 =	sadd.s32 s3, s9;
	s6 =	sadd.s32 @!p0 $0x88, s6;
	s7 =	simm.s32 @p2 $0x1082  }
0x22: {  	[simem:s7], [sflag:s8] =	dma.local @!p0 [hbm:s6], $0xF7A  }
0x23: {  	s9 =	sor.u32 $0xD0000000, s2;
	s6 =	simm.s32 $0x108;
	_ =	swait.ge @!p0 [sflag:s8], $0x0  }
0x24: {  	s3 =	sadd.s32 $0x88, s3;
	s6 =	simm.s32 @!p1 $0x1082;
	[sflag:s4] =	ssyncset.s32 $0xFFFFF086  }
0x25: {  	[simem:s6], [sflag:s4] =	dma.local [hbm:s3], $0xF7A  }
0x26: {  	[smem:$0x3F9E] =	sst s1;
	(tag) =	ssettag s2;
	_ =	strace s9  }
0x27: {  	s1 =	sld [smem:$0x3FAE]  }
0x28: {  	s2 =	sld [smem:$0x3FAF]  }
0x29: {  	s4 =	sld [smem:$0x3FB1]  }
0x2a: {  	p0 =	seq.s32 s5, $0x0;
	s5 =	sld [smem:$0x3FB2]  }
0x2b: {  	s6 =	sld [smem:$0x3FB3]  }
0x2c: {  	s7 =	sld [smem:$0x3FB4]  }
0x2d: {  	s3 =	simm.s32 $0x108;
	s8 =	sld [smem:$0x3FB5]  }
0x2e: {  	s3 =	simm.s32 @!p0 $0x1082;
	s9 =	sld [smem:$0x3FB6]  }
0x2f: {  	lr =	sadd.s32 s0, s3;
	s0 =	sld [smem:$0x3FAD]  }
0x30: {  	s3 =	sld [smem:$0x3FB0]  }
0x31: {  	[smem:$0x3FB9] =	sst s10  }
0x32: {  	s10 =	sld [smem:$0x3FB7];
	_ =	sdelay $0x3  }
0x33: {  	p0 =	seq.s32 s10, $0x1;
	s10 =	sld [smem:$0x3FB9];
	_ =	sdelay $0x3  }
0x34: {  	[smem:$0x3FB9] =	sst s10  }
0x35: {  	s10 =	sld [smem:$0x3FB8];
	_ =	sdelay $0x3  }
0x36: {  	p1 =	seq.s32 s10, $0x1;
	s10 =	sld [smem:$0x3FB9];
	_ =	sdelay $0x3  }
0x37: {  	[smem:$0x3FB9] =	sst s10  }
0x38: {  	s10 =	sld [smem:$0x3FBA]  }
0x39: {  	_ = 	snop;
	(pc) =	sbr.ind lr, $3  }
0x3a: {  	_ = 	snop  }
0x3b: {  	_ = 	snop  }
0x3c: {  	p2 =	seq.s32 s10, $0x1;
	s10 =	sld [smem:$0x3FB9]  }
0x3d: {  	_ =	shalt  }
0x3e: {  	_ =	shalt  }
0x3f: {  	_ =	shalt  }
0x40: {  	_ =	shalt  }
0x41: {  	_ =	shalt  }
0x42: {  	_ =	shalt  }
0x43: {  	_ =	shalt  }
0x44: {  	_ =	shalt  }
0x45: {  	_ =	shalt  }
0x46: {  	_ =	shalt  }
0x47: {  	_ =	shalt  }
0x48: {  	_ =	shalt  }
0x49: {  	_ =	shalt  }
0x4a: {  	_ =	shalt  }
0x4b: {  	_ =	shalt  }
0x4c: {  	_ =	shalt  }
0x4d: {  	_ =	shalt  }
0x4e: {  	_ =	shalt  }
0x4f: {  	_ =	shalt  }
0x50: {  	_ =	shalt  }
0x51: {  	_ =	shalt  }
0x52: {  	_ =	shalt  }
0x53: {  	_ =	shalt  }
0x54: {  	_ =	shalt  }
0x55: {  	_ =	shalt  }
0x56: {  	_ =	shalt  }
0x57: {  	_ =	shalt  }
0x58: {  	_ =	shalt  }
0x59: {  	_ =	shalt  }
0x5a: {  	_ =	shalt  }
0x5b: {  	_ =	shalt  }
0x5c: {  	_ =	shalt  }
0x5d: {  	_ =	shalt  }
0x5e: {  	_ =	shalt  }
0x5f: {  	_ =	shalt  }
0x60: {  	_ =	shalt  }
0x61: {  	_ =	shalt  }
0x62: {  	_ =	shalt  }
0x63: {  	_ =	shalt  }
0x64: {  	_ =	shalt  }
0x65: {  	_ =	shalt  }
0x66: {  	_ =	shalt  }
0x67: {  	_ =	shalt  }
0x68: {  	_ =	shalt  }
0x69: {  	_ =	shalt  }
0x6a: {  	_ =	shalt  }
0x6b: {  	_ =	shalt  }
0x6c: {  	_ =	shalt  }
0x6d: {  	_ =	shalt  }
0x6e: {  	_ =	shalt  }
0x6f: {  	_ =	shalt  }
0x70: {  	_ =	shalt  }
0x71: {  	_ =	shalt  }
0x72: {  	_ =	shalt  }
0x73: {  	_ =	shalt  }
0x74: {  	_ =	shalt  }
0x75: {  	_ =	shalt  }
0x76: {  	_ =	shalt  }
0x77: {  	_ =	shalt  }
0x78: {  	_ =	shalt  }
0x79: {  	_ =	shalt  }
0x7a: {  	_ =	shalt  }
0x7b: {  	_ =	shalt  }
0x7c: {  	_ =	shalt  }
0x7d: {  	_ =	shalt  }
0x7e: {  	_ =	shalt  }
0x7f: {  	_ =	shalt  }
0x80: {  	_ =	shalt  }
0x81: {  	_ =	shalt  }
0x82: {  	_ =	shalt  }
0x83: {  	_ =	shalt  }
0x84: {  	_ =	shalt  }
0x85: {  	_ =	shalt  }
0x86: {  	_ =	shalt  }
0x87: {  	_ =	shalt  }
.Lfunc_end0:
.L_simem_size_0:
called_computation_lowered:
.L_overlay_start_0:
0x88: {  	s2 =	sld [smem:$0x3FD9]  }
0x89: {  	s3 =	sld [smem:$0x3FFE];
	_ =	sdelay $0x1  }
0x8a: {  	s1 =	srdreg.scid  }
0x8b: {  	s0 =	sand.u32 $0x1, s1  }
0x8c: {  	s17 =	sshll.u32 s0, $0xA;
	s2 =	sadd.s32 s3, s2  }
0x8d: {  	s2 =	sadd.s32 s2, s17  }
0x8e: {  	[smem:$0x3FC5] =	sst s2  }
0x8f: {  	_ = 	snop  }
0x90: {  	s2 =	sld [smem:$0x3FC9]  }
0x91: {  	s18 =	sld [smem:$0x3FC8]  }
0x92: {  	s4 =	sld [smem:$0x3FC7];
	(tm) =	ssettm $0x1  }
0x93: {  	s5 =	sld [smem:$0x3FFB];
	_ =	sdelay $0x3  }
0x94: {  	_ =	strace s5  }
0x95: {  	s5 =	sld [smem:$0x3FFC];
	_ =	sdelay $0x3  }
0x96: {  	_ =	strace s5  }
0x97: {  	s5 =	sld [smem:$0x3FFD];
	_ =	sdelay $0x3  }
0x98: {  	_ =	strace s5  }
0x99: {  	_ =	strace $0x8FFFFFFF  }
0x9a: {  	s19 =	sld [smem:$0x3FDB];
	_ =	sdelay $0x1  }
0x9b: {  	s6 =	simm.s32 $_scs_section_size  }
0x9c: {  	s7 =	simm.s32 $_size__tile_overlayer_lowered;
	s8 =	simm.s32 $_tile_overlayer_lowered  }
0x9d: {  	s22 =	simm.s32 $0x1BFF;
	s21 =	sshll.u32 s8, $0x1;
	s5 =	sadd.s32 s6, s19  }
0x9e: {  	s9 =	simm.s32 $0x0;
	s20 =	sshll.u32 s7, $0x1;
	s7 =	sadd.s32 s21, s5  }
0x9f: {  	[timem:s9], [sflag:s22] =	dma.local [hbm:s7], s20  }
0xa0: {  	_ =	swait.ge [sflag:s22], s20  }
0xa1: {  	s6 =	ssub.s32 $0x0, s20;
	[sflag:s22] =	ssyncset.done $0x0  }
0xa2: {  	[sflag:s22] =	ssyncadd.s32 s6;
	_ =	sdelay $0x1  }
0xa3: {  	s23 =	simm.s32 $0x1B8B  }
0xa4: {  	_ =	swait.ge [sflag:s23], $0x1  }
0xa5: {  	[sflag:s23] =	ssyncset.done $0x0  }
0xa6: {  	s25 =	simm.s32 $0x1B8E;
	s24 =	sld [smem:$0x3FFE];
	[sflag:s23] =	ssyncadd.s32 $0xFFFFFFFF  }
0xa7: {  	s26 =	simm.s32 $execute0_lowered;
	[smem:$0x3FD2] =	sst s25  }
0xa8: {  	s7 =	sshll.u32 s26, $0x1;
	_ =	strace $0x80000046;
	[dreg:$0x1] =	wrdreg $0xFFFFFFFF  }
0xa9: {  	s28 =	simm.s32 $_size_execute0_lowered;
	s5 =	sadd.s32 s5, s7;
	[dreg:$0x0] =	wrdreg $0x0  }
0xaa: {  	s7 =	sshll.u32 s28, $0x1;
	[dreg:$0x2] =	wrdreg s5  }
0xab: {  	[dreg:$0x3] =	wrdreg s7  }
0xac: {  	[dreg:$0x4] =	wrdreg $0xC0  }
0xad: {  	_ =	task [dreg:s9], $0x5FFFF  }
0xae: {  	[dreg:$0x1] =	wrdreg $0xFFFFFFFF  }
0xaf: {  	[dreg:$0x0] =	wrdreg $0x60  }
0xb0: {  	[dreg:$0x2] =	wrdreg s2  }
0xb1: {  	[dreg:$0x3] =	wrdreg s18  }
0xb2: {  	[dreg:$0x4] =	wrdreg s4  }
0xb3: {  	[dreg:$0x5] =	wrdreg s24  }
0xb4: {  	[dreg:$0x6] =	wrdreg $0x9  }
0xb5: {  	_ =	task.clear_ibuf [dreg:s9], $0x7FFFF;
	_ =	strace $0x90000046  }
0xb6: {  	s29 =	simm.s32 $0x9;
	_ =	strace $0x80000048  }
0xb7: {  	_ =	swait.ge [sflag:s29], $0x1  }
0xb8: {  	[sflag:s29] =	ssyncadd.s32 $0xFFFFFFFF  }
0xb9: {  	_ =	strace $0x90000048  }
0xba: {  	_ =	sfence  }
0xbb: {  	s30 =	sld [smem:$0x0];
	_ =	sdelay $0x2  }
0xbc: {  	s31 =	sshll.u32 s1, $0xD;
	s1 =	sshrl.u32 s1, $0x2  }
0xbd: {  	s3 =	sand.u32 $0x4000, s31;
	s1 =	sadd.s32 s1, s30  }
0xbe: {  	s0 =	sor.u32 s3, s0;
	s1 =	sshll.u32 s1, $0x11  }
0xbf: {  	s0 =	sor.u32 s1, s0  }
0xc0: {  	s0 =	sadd.s32 $0x8F2B, s0  }
0xc1: {  	[sflag:s0] =	ssyncadd.remote.s32 $0x1  }
0xc2: {  	_ =	sfence.sel $0xFFFF  }
0xc3: {  	[dreg:$0x0] =	wrdreg $0xFFFFFFFF;
	(pc) =	sbr.abs _section_cstart, $3  }
0xc4: {  	[dreg:$0x1] =	wrdreg $0xFFFFFFFF  }
0xc5: {  	_ =	task.clear_ibuf [dreg:s9], $0x2FFFF;
	_ =	strace $0x9FFFFFFF  }
0xc6: {  	(tm) =	ssettm $0x7FFFFFFF  }
0xc7: {  	_ =	shalt  }
tec
execute0_lowered:
.L_overlay_start_1:
0x0: {  	(tag) =	ssettag $0x1  }
0x1: {  	s0 =	rddreg [dreg:$0x0]  }
0x2: {  	s1 =	rddreg [dreg:$0x1]  }
0x3: {  	s2 =	rddreg [dreg:$0x3]  }
0x4: {  	s3 =	srdreg.scid;
	s5 =	stileid.u32;
	s4 =	simm.s32 $0x0  }
0x5: {  	s31 =	simm.s32 $0x11800;
	s28 =	simm.s32 $0x12000;
	s29 =	simm.s32 $0x12800  }
0x6: {  	s19 =	simm.s32 $0x14800;
	s22 =	simm.s32 $0x16000;
	s30 =	simm.s32 $0x19000  }
0x7: {  	s10 =	simm.s32 $0x1C000;
	s11 =	simm.s32 $0x1C800;
	s14 =	simm.s32 $0x1D000  }
0x8: {  	s15 =	simm.s32 $0x3;
	s17 =	simm.s32 $0x4;
	s18 =	simm.s32 $0x6  }
0x9: {  	s13 =	simm.s32 $0x0;
	s3 =	sand.u32 $0x1, s3;
	s5 =	sshll.u32 s5, $0x1  }
0xa: {  	[smem:$0x7FF] =	sst s4;
	s6 =	ssub.s32 $0x2, s3;
	s3 =	sor.u32 s3, s5  }
0xb: {  	s9 =	sadd.s32 $0x200, s1;
	_ =	strace $0x80000047;
	s8 =	smul.u32 $0x500, s3  }
.Ltmp0:
0xc: {  	s5 =	sadd.s32 $0x400, s2;
	s7 =	sshrl.u32 s6, $0x1;
	(pc) =	sbr.rel .LBB2_1-.Ltmp0, $4  }
0xd: {  	s2 =	simm.s32 $0x2;
	s25 =	ssub.s32 s6, s7;
	s6 =	sshll.u32 s3, $0x7  }
0xe: {  	v2 =	vlaneseq.u32;
	s3 =	simm.s32 $0x1A800;
	s7 =	simm.s32 $0x1B800;
	s0 =	sadd.s32 s0, s8  }
0xf: {  	vm0 =	vmmov $0xffff;
	v1 =	vshrl.u32 v2, $0x3;
	s8 =	sadd.s32 $0x100, s1;
	s26 =	smax.u32 s25, $0x1;
	[dreg:$0x5] =	wrdreg s0  }
0x10: {  	v0 =	vand.u32 $0x7, v2;
	v2 =	vor.u32 $0x8, v2;
	v1 =	vmul.u32 $0x8, v1;
	s25 =	simm.s32 $0x1;
	[dreg:$0x6] =	wrdreg s26;
	s26 =	simm.s32 $0x17800  }
.LBB2_39:
0x11: {  	s0 =	simm.s32 $0x5  }
0x12: {  	_ =	swait.ge [sflag:s0], $0xF00  }
0x13: {  	[sflag:s0] =	ssyncset.done $0x0  }
0x14: {  	[sflag:s0] =	ssyncadd.s32 $0xFFFFF100  }
0x15: {  	_ =	swait.ge [sflag:s0], $0xF00  }
0x16: {  	[sflag:s0] =	ssyncset.done $0x0  }
0x17: {  	[sflag:s0] =	ssyncadd.s32 $0xFFFFF100  }
0x18: {  	_ =	swait.ge [sflag:s18], $0xF00  }
0x19: {  	[sflag:s18] =	ssyncset.done $0x0  }
0x1a: {  	[sflag:s18] =	ssyncadd.s32 $0xFFFFF100  }
0x1b: {  	_ =	swait.ge [sflag:s18], $0xF00  }
0x1c: {  	[sflag:s18] =	ssyncset.done $0x0  }
0x1d: {  	s23 =	simm.s32 $0x7;
	[sflag:s18] =	ssyncadd.s32 $0xFFFFF100  }
0x1e: {  	_ =	swait.ge [sflag:s23], $0xF00  }
0x1f: {  	[sflag:s23] =	ssyncset.done $0x0  }
0x20: {  	[sflag:s23] =	ssyncadd.s32 $0xFFFFF100  }
0x21: {  	_ =	swait.ge [sflag:s23], $0xF00  }
0x22: {  	[sflag:s23] =	ssyncset.done $0x0  }
0x23: {  	s12 =	simm.s32 $0x8;
	[sflag:s23] =	ssyncadd.s32 $0xFFFFF100  }
0x24: {  	_ =	swait.ge [sflag:s12], $0xF00  }
0x25: {  	[sflag:s12] =	ssyncset.done $0x0  }
0x26: {  	[sflag:s12] =	ssyncadd.s32 $0xFFFFF100  }
0x27: {  	_ =	swait.ge [sflag:s12], $0xF00  }
0x28: {  	s13 =	rddreg [dreg:$0x7]  }
0x29: {  	s24 =	rddreg [dreg:$0x6];
	s13 =	sadd.s32 $0x1, s13  }
0x2a: {  	p0 =	sne.s32 s13, s24  }
.Ltmp1:
0x2b: {  	_ = 	snop;
	(pc) =	sbr.rel @!p0 .LBB2_40-.Ltmp1, $3  }
0x2c: {  	_ =	sdelay $0x1  }
0x2d: {  	[sflag:s12] =	ssyncset.done $0x0  }
0x2e: {  	[sflag:s12] =	ssyncadd.s32 $0xFFFFF100  }
.LBB2_1:
0x2f: {  	[dreg:$0x7] =	wrdreg s13  }
0x30: {  	s0 =	rddreg [dreg:$0x5];
	s12 =	simm.s32 $0x9  }
0x31: {  	[tilespmem:s4], [sflag:$0x9] =	stream.linear.gather [hbm4b:s0+s4], $0x2800, $0x38;
	[tilespmem:$0x1D800] =	vst v63  }
0x32: {  	_ =	swait.ge [sflag:s12], $0x2800  }
0x33: {  	[sflag:s12] =	ssyncset.done $0x0  }
0x34: {  	[sflag:s12] =	ssyncadd.s32 $0xFFFFD800  }
0x35: {  	s24 =	simm.s32 $0x2800;
	s23 =	rddreg [dreg:$0x2]  }
0x36: {  	[tilespmem:s24], [sflag:$0x9] =	stream.linear.gather [hbm4b:s23+s4], $0xF000, $0x38;
	[tilespmem:$0x1D800] =	vst v63  }
0x37: {  	_ =	swait.ge [sflag:s12], $0xF000  }
0x38: {  	[sflag:s12] =	ssyncset.done $0x0  }
0x39: {  	[sflag:s12] =	ssyncadd.s32 $0xFFFF1000  }
0x3a: {  	v3 =	vld [tilespmem:$0x0];
	_ =	sdelay $0x4  }
0x3b: {  	v4 =	vshrl.u32 v3, $0x3  }
0x3c: {  	v4 =	vmul.u32 $0x30, v4  }
0x3d: {  	v3 =	vand.u32 $0x7, v3  }
0x3e: {  	v3 =	vor.u32 v3, v4  }
0x3f: {  	v4 =	vperm.xlane v3, v0;
	_ =	sdelay $0x1  }
0x40: {  	v4 =	vadd.s32 v1, v4;
	_ =	sdelay $0x3  }
0x41: {  	v3 =	vperm.xlane v3, v2  }
0x42: {  	[tilespmem:s31], [sflag:$0x1] =	stream.indirect_vreg.gather [hbm4b:s1+s4], $0x80, v4, vm0, $0xb8;
	[tilespmem:$0x1D800] =	vst v63  }
0x43: {  	v3 =	vadd.s32 v1, v3  }
0x44: {  	[tilespmem:s28], [sflag:$0x1] =	stream.indirect_vreg.gather [hbm4b:s8+s4], $0x80, v4, vm0, $0xb8;
	[tilespmem:$0x1D800] =	vst v63  }
0x45: {  	_ = 	snop  }
0x46: {  	[tilespmem:s29], [sflag:$0x1] =	stream.indirect_vreg.gather [hbm4b:s9+s4], $0x80, v4, vm0, $0xb8;
	[tilespmem:$0x1D800] =	vst v63  }
0x47: {  	s16 =	simm.s32 $0x13000  }
0x48: {  	[tilespmem:s16], [sflag:$0x1] =	stream.indirect_vreg.gather [hbm4b:s1+s4], $0x80, v3, vm0, $0xb8;
	[tilespmem:$0x1D800] =	vst v63  }
0x49: {  	s20 =	simm.s32 $0x13800  }
0x4a: {  	[tilespmem:s20], [sflag:$0x1] =	stream.indirect_vreg.gather [hbm4b:s8+s4], $0x80, v3, vm0, $0xb8;
	[tilespmem:$0x1D800] =	vst v63  }
0x4b: {  	s21 =	simm.s32 $0x14000  }
0x4c: {  	[tilespmem:s21], [sflag:$0x1] =	stream.indirect_vreg.gather [hbm4b:s9+s4], $0x80, v3, vm0, $0xb8;
	[tilespmem:$0x1D800] =	vst v63  }
0x4d: {  	v3 =	vld [tilespmem:$0x10];
	_ =	sdelay $0x4  }
0x4e: {  	v63 =	vshrl.u32 v3, $0x3  }
0x4f: {  	v4 =	vmul.u32 $0x30, v63  }
0x50: {  	v3 =	vand.u32 $0x7, v3  }
0x51: {  	v3 =	vor.u32 v3, v4  }
0x52: {  	v4 =	vperm.xlane v3, v0;
	_ =	sdelay $0x1  }
0x53: {  	v4 =	vadd.s32 v1, v4;
	_ =	sdelay $0x3  }
0x54: {  	v3 =	vperm.xlane v3, v2  }
0x55: {  	[tilespmem:s19], [sflag:$0x2] =	stream.indirect_vreg.gather [hbm4b:s1+s4], $0x80, v4, vm0, $0xb8;
	[tilespmem:$0x1D800] =	vst v63  }
0x56: {  	s23 =	simm.s32 $0x15000;
	v3 =	vadd.s32 v1, v3  }
0x57: {  	[tilespmem:s23], [sflag:$0x2] =	stream.indirect_vreg.gather [hbm4b:s8+s4], $0x80, v4, vm0, $0xb8;
	[tilespmem:$0x1D800] =	vst v63  }
0x58: {  	s24 =	simm.s32 $0x15800  }
0x59: {  	[tilespmem:s24], [sflag:$0x2] =	stream.indirect_vreg.gather [hbm4b:s9+s4], $0x80, v4, vm0, $0xb8;
	[tilespmem:$0x1D800] =	vst v63  }
0x5a: {  	_ = 	snop  }
0x5b: {  	[tilespmem:s22], [sflag:$0x2] =	stream.indirect_vreg.gather [hbm4b:s1+s4], $0x80, v3, vm0, $0xb8;
	[tilespmem:$0x1D800] =	vst v63  }
0x5c: {  	s13 =	simm.s32 $0x0;
	s28 =	simm.s32 $0x16800  }
0x5d: {  	[tilespmem:s28], [sflag:$0x2] =	stream.indirect_vreg.gather [hbm4b:s8+s4], $0x80, v3, vm0, $0xb8;
	[tilespmem:$0x1D800] =	vst v63  }
0x5e: {  	s29 =	simm.s32 $0x17000;
	s20 =	simm.s32 $0x0;
	s21 =	simm.s32 $0x0  }
0x5f: {  	[tilespmem:s29], [sflag:$0x2] =	stream.indirect_vreg.gather [hbm4b:s9+s4], $0x80, v3, vm0, $0xb8;
	[tilespmem:$0x1D800] =	vst v63  }
.LBB2_2:
0x60: {  	s16 =	sand.u32 $0x1FFFFFFF, s21  }
0x61: {  	s0 =	smul.u32 $0x6000, s16;
	_ =	sdelay $0x1  }
0x62: {  	s0 =	sshra.s32 s0, $0x2  }
0x63: {  	s0 =	sadd.s32 $0x2840, s0  }
0x64: {  	v3 =	vmov s0  }
0x65: {  	_ =	swait.ge [sflag:s25], $0x3000  }
0x66: {  	[sflag:s25] =	ssyncset.done $0x0  }
0x67: {  	s23 =	simm.s32 $0x0;
	s24 =	simm.s32 $0x0;
	[sflag:s25] =	ssyncadd.s32 $0xFFFFD000  }
.LBB2_3:
0x68: {  	_ =	sdelay $0x2  }
0x69: {  	s28 =	sshra.s32 s23, $0x2  }
0x6a: {  	v4 =	vld.idx.msk [tilespmem:v3+s28+$0x30 ss:$0x1], $0xffff  }
0x6b: {  	v5 =	vld.idx.msk [tilespmem:v3+s28+$0xFFFFFFC0 ss:$0x1], $0xffff  }
0x6c: {  	v6 =	vld.idx.msk [tilespmem:v3+s28+$0xFFFFFFD0 ss:$0x1], $0xffff  }
0x6d: {  	v7 =	vld.idx.msk [tilespmem:v3+s28+$0xFFFFFFE0 ss:$0x1], $0xffff  }
0x6e: {  	v8 =	vld.idx.msk [tilespmem:v3+s28+$0xFFFFFFF0 ss:$0x1], $0xffff  }
0x6f: {  	v9 =	vld.idx.msk [tilespmem:v3+s28+$0x0 ss:$0x1], $0xffff  }
0x70: {  	v10 =	vld.idx.msk [tilespmem:v3+s28+$0x10 ss:$0x1], $0xffff  }
0x71: {  	v11 =	vld.idx.msk [tilespmem:v3+s28+$0x20 ss:$0x1], $0xffff  }
0x72: {  	[tilespmem:s28+$0x13070] =	vst.add.f32.msk $0xffff, v4  }
0x73: {  	[tilespmem:s28+$0x11800] =	vst.add.f32.msk $0xffff, v5  }
0x74: {  	[tilespmem:s28+$0x13000] =	vst.add.f32.msk $0xffff, v5  }
0x75: {  	[tilespmem:s28+$0x11810] =	vst.add.f32.msk $0xffff, v6  }
0x76: {  	[tilespmem:s28+$0x13010] =	vst.add.f32.msk $0xffff, v6  }
0x77: {  	[tilespmem:s28+$0x11820] =	vst.add.f32.msk $0xffff, v7  }
0x78: {  	[tilespmem:s28+$0x13020] =	vst.add.f32.msk $0xffff, v7  }
0x79: {  	[tilespmem:s28+$0x11830] =	vst.add.f32.msk $0xffff, v8  }
0x7a: {  	[tilespmem:s28+$0x13030] =	vst.add.f32.msk $0xffff, v8  }
0x7b: {  	[tilespmem:s28+$0x11840] =	vst.add.f32.msk $0xffff, v9  }
0x7c: {  	[tilespmem:s28+$0x13040] =	vst.add.f32.msk $0xffff, v9  }
0x7d: {  	[tilespmem:s28+$0x11850] =	vst.add.f32.msk $0xffff, v10  }
0x7e: {  	[tilespmem:s28+$0x13050] =	vst.add.f32.msk $0xffff, v10  }
0x7f: {  	[tilespmem:s28+$0x11860] =	vst.add.f32.msk $0xffff, v11  }
0x80: {  	s29 =	simm.s32 $0x0;
	s0 =	sadd.s32 $0x1000, s23;
	[tilespmem:s28+$0x13060] =	vst.add.f32.msk $0xffff, v11  }
.LBB2_4:
0x81: {  	s29 =	sadd.s32 $0x8, s29;
	[tilespmem:s28+$0x11870] =	vst.add.f32.msk $0xffff, v4;
	s28 =	sshra.s32 s0, $0x2  }
0x82: {  	v4 =	vld.idx.msk [tilespmem:v3+s28+$0x30 ss:$0x1], $0xffff;
	p0 =	slt.u32 s29, $0x28  }
0x83: {  	v5 =	vld.idx.msk [tilespmem:v3+s28+$0xFFFFFFC0 ss:$0x1], $0xffff  }
0x84: {  	v6 =	vld.idx.msk [tilespmem:v3+s28+$0xFFFFFFD0 ss:$0x1], $0xffff  }
0x85: {  	v7 =	vld.idx.msk [tilespmem:v3+s28+$0xFFFFFFE0 ss:$0x1], $0xffff  }
0x86: {  	v8 =	vld.idx.msk [tilespmem:v3+s28+$0xFFFFFFF0 ss:$0x1], $0xffff  }
0x87: {  	v9 =	vld.idx.msk [tilespmem:v3+s28+$0x0 ss:$0x1], $0xffff  }
0x88: {  	[tilespmem:s28+$0x13070] =	vst.add.f32.msk $0xffff, v4  }
0x89: {  	v10 =	vld.idx.msk [tilespmem:v3+s28+$0x10 ss:$0x1], $0xffff  }
0x8a: {  	v11 =	vld.idx.msk [tilespmem:v3+s28+$0x20 ss:$0x1], $0xffff  }
0x8b: {  	[tilespmem:s28+$0x11800] =	vst.add.f32.msk $0xffff, v5  }
0x8c: {  	[tilespmem:s28+$0x13000] =	vst.add.f32.msk $0xffff, v5  }
0x8d: {  	[tilespmem:s28+$0x11810] =	vst.add.f32.msk $0xffff, v6  }
0x8e: {  	[tilespmem:s28+$0x13010] =	vst.add.f32.msk $0xffff, v6  }
0x8f: {  	[tilespmem:s28+$0x11820] =	vst.add.f32.msk $0xffff, v7  }
0x90: {  	[tilespmem:s28+$0x13020] =	vst.add.f32.msk $0xffff, v7  }
0x91: {  	[tilespmem:s28+$0x11830] =	vst.add.f32.msk $0xffff, v8  }
0x92: {  	[tilespmem:s28+$0x13030] =	vst.add.f32.msk $0xffff, v8  }
0x93: {  	[tilespmem:s28+$0x11840] =	vst.add.f32.msk $0xffff, v9  }
.Ltmp2:
0x94: {  	[tilespmem:s28+$0x13040] =	vst.add.f32.msk $0xffff, v9;
	(pc) =	sbr.rel @p0 .LBB2_4-.Ltmp2, $4  }
0x95: {  	[tilespmem:s28+$0x11850] =	vst.add.f32.msk $0xffff, v10  }
0x96: {  	[tilespmem:s28+$0x13050] =	vst.add.f32.msk $0xffff, v10  }
0x97: {  	[tilespmem:s28+$0x11860] =	vst.add.f32.msk $0xffff, v11  }
0x98: {  	s0 =	sadd.s32 $0x1000, s0;
	[tilespmem:s28+$0x13060] =	vst.add.f32.msk $0xffff, v11  }
0x99: {  	s24 =	sadd.s32 $0x1, s24  }
0x9a: {  	p0 =	sne.s32 s24, $0x8  }
.Ltmp3:
0x9b: {  	_ = 	snop;
	(pc) =	sbr.rel @p0 .LBB2_3-.Ltmp3, $2  }
0x9c: {  	_ =	sdelay $0x2  }
0x9d: {  	[tilespmem:s28+$0x11870] =	vst.add.f32.msk $0xffff, v4;
	s23 =	sadd.s32 $0x200, s23  }
0x9e: {  	s0 =	sshll.u32 s20, $0x1  }
0x9f: {  	s12 =	smul.u32 $0x1800, s16;
	s0 =	sadd.s32 s6, s0  }
0xa0: {  	s0 =	smul.u32 $0xF000, s0;
	_ =	sdelay $0x1  }
0xa1: {  	s0 =	sadd.s32 s12, s0  }
0xa2: {  	s12 =	sshrl.u32 s0, $0x3;
	s0 =	sadd.s32 $0xF000, s0  }
0xa3: {  	s12 =	sadd.s32 s5, s12;
	s0 =	sshrl.u32 s0, $0x3  }
0xa4: {  	[hbm4b:s12+s4] =	stream.linear.scatter [tilespmem:s31], [sflag:$0x5], $0x1800, $0x38;
	[tilespmem:$0x1D800] =	vst v63  }
0xa5: {  	s23 =	simm.s32 $0x13000;
	p0 =	seq.s32 s13, $0x0;
	s0 =	sadd.s32 s5, s0  }
0xa6: {  	[hbm4b:s0+s4] =	stream.linear.scatter [tilespmem:s23], [sflag:$0x5], $0x1800, $0x38;
	[tilespmem:$0x1D800] =	vst v63  }
0xa7: {  	s0 =	simm.s32 @!p0 $0x7  }
0xa8: {  	_ =	swait.ge @!p0 [sflag:s0], $0x1800  }
0xa9: {  	[sflag:s0] =	ssyncset.done @!p0 $0x0  }
0xaa: {  	[sflag:s0] =	ssyncadd.s32 @!p0 $0xFFFFE800  }
0xab: {  	s16 =	sshll.u32 s13, $0x8;
	_ =	swait.ge @!p0 [sflag:s0], $0x1800  }
0xac: {  	s23 =	sshrl.u32 @!p0 s16, $0x2;
	[sflag:s0] =	ssyncset.done @!p0 $0x0  }
0xad: {  	s23 =	simm.s32 @p0 $0x0;
	[sflag:s0] =	ssyncadd.s32 @!p0 $0xFFFFE800  }
0xae: {  	v3 =	vld [tilespmem:s23+$0x20];
	_ =	sdelay $0x4  }
0xaf: {  	v4 =	vshrl.u32 v3, $0x3  }
0xb0: {  	v4 =	vmul.u32 $0x30, v4  }
0xb1: {  	v3 =	vand.u32 $0x7, v3  }
0xb2: {  	v3 =	vor.u32 v3, v4  }
0xb3: {  	v4 =	vperm.xlane v3, v0;
	_ =	sdelay $0x1  }
0xb4: {  	v4 =	vadd.s32 v1, v4;
	_ =	sdelay $0x3  }
0xb5: {  	s28 =	simm.s32 $0x0  }
0xb6: {  	[tilespmem:s26], [sflag:$0x3] =	stream.indirect_vreg.gather [hbm4b:s1+s28], $0x80, v4, vm0, $0xb8;
	[tilespmem:$0x1D800] =	vst v63  }
0xb7: {  	s24 =	simm.s32 $0x18000;
	v3 =	vperm.xlane v3, v2  }
0xb8: {  	[tilespmem:s24], [sflag:$0x3] =	stream.indirect_vreg.gather [hbm4b:s8+s28], $0x80, v4, vm0, $0xb8;
	[tilespmem:$0x1D800] =	vst v63  }
0xb9: {  	p1 =	seq.s32 s21, $0x8;
	v3 =	vadd.s32 v1, v3;
	s24 =	sadd.s32 $0x1, s21  }
0xba: {  	s31 =	simm.s32 $0x18800;
	s24 =	simm.s32 @p1 $0x0  }
0xbb: {  	[tilespmem:s31], [sflag:$0x3] =	stream.indirect_vreg.gather [hbm4b:s9+s28], $0x80, v4, vm0, $0xb8;
	[tilespmem:$0x1D800] =	vst v63  }
0xbc: {  	s29 =	sand.u32 $0x1FFFFFFF, s24  }
0xbd: {  	s21 =	smul.u32 $0x6000, s29  }
0xbe: {  	[tilespmem:s30], [sflag:$0x3] =	stream.indirect_vreg.gather [hbm4b:s1+s28], $0x80, v3, vm0, $0xb8;
	[tilespmem:$0x1D800] =	vst v63  }
0xbf: {  	s12 =	simm.s32 $0x19800;
	s0 =	sshra.s32 s21, $0x2  }
0xc0: {  	[tilespmem:s12], [sflag:$0x3] =	stream.indirect_vreg.gather [hbm4b:s8+s28], $0x80, v3, vm0, $0xb8;
	[tilespmem:$0x1D800] =	vst v63  }
0xc1: {  	s31 =	simm.s32 $0x1A000;
	s0 =	sadd.s32 $0x2840, s0  }
0xc2: {  	[tilespmem:s31], [sflag:$0x3] =	stream.indirect_vreg.gather [hbm4b:s9+s28], $0x80, v3, vm0, $0xb8;
	v3 =	vmov s0;
	[tilespmem:$0x1D800] =	vst v63  }
0xc3: {  	s12 =	simm.s32 $0x1;
	_ =	swait.ge [sflag:s2], $0x3000  }
0xc4: {  	s12 =	simm.s32 @!p1 $0x0;
	[sflag:s2] =	ssyncset.done $0x0  }
0xc5: {  	s21 =	sadd.s32 s12, s20;
	s20 =	simm.s32 $0x0;
	[sflag:s2] =	ssyncadd.s32 $0xFFFFD000  }
.LBB2_7:
0xc6: {  	_ =	sdelay $0x2  }
0xc7: {  	s31 =	sshra.s32 s28, $0x2  }
0xc8: {  	v4 =	vld.idx.msk [tilespmem:v3+s31+$0x30 ss:$0x1], $0xffff  }
0xc9: {  	v5 =	vld.idx.msk [tilespmem:v3+s31+$0xFFFFFFC0 ss:$0x1], $0xffff  }
0xca: {  	v6 =	vld.idx.msk [tilespmem:v3+s31+$0xFFFFFFD0 ss:$0x1], $0xffff  }
0xcb: {  	v7 =	vld.idx.msk [tilespmem:v3+s31+$0xFFFFFFE0 ss:$0x1], $0xffff  }
0xcc: {  	v8 =	vld.idx.msk [tilespmem:v3+s31+$0xFFFFFFF0 ss:$0x1], $0xffff  }
0xcd: {  	v9 =	vld.idx.msk [tilespmem:v3+s31+$0x0 ss:$0x1], $0xffff  }
0xce: {  	v10 =	vld.idx.msk [tilespmem:v3+s31+$0x10 ss:$0x1], $0xffff  }
0xcf: {  	v11 =	vld.idx.msk [tilespmem:v3+s31+$0x20 ss:$0x1], $0xffff  }
0xd0: {  	[tilespmem:s31+$0x16070] =	vst.add.f32.msk $0xffff, v4  }
0xd1: {  	[tilespmem:s31+$0x14800] =	vst.add.f32.msk $0xffff, v5  }
0xd2: {  	[tilespmem:s31+$0x16000] =	vst.add.f32.msk $0xffff, v5  }
0xd3: {  	[tilespmem:s31+$0x14810] =	vst.add.f32.msk $0xffff, v6  }
0xd4: {  	[tilespmem:s31+$0x16010] =	vst.add.f32.msk $0xffff, v6  }
0xd5: {  	[tilespmem:s31+$0x14820] =	vst.add.f32.msk $0xffff, v7  }
0xd6: {  	[tilespmem:s31+$0x16020] =	vst.add.f32.msk $0xffff, v7  }
0xd7: {  	[tilespmem:s31+$0x14830] =	vst.add.f32.msk $0xffff, v8  }
0xd8: {  	[tilespmem:s31+$0x16030] =	vst.add.f32.msk $0xffff, v8  }
0xd9: {  	[tilespmem:s31+$0x14840] =	vst.add.f32.msk $0xffff, v9  }
0xda: {  	[tilespmem:s31+$0x16040] =	vst.add.f32.msk $0xffff, v9  }
0xdb: {  	[tilespmem:s31+$0x14850] =	vst.add.f32.msk $0xffff, v10  }
0xdc: {  	[tilespmem:s31+$0x16050] =	vst.add.f32.msk $0xffff, v10  }
0xdd: {  	[tilespmem:s31+$0x14860] =	vst.add.f32.msk $0xffff, v11  }
0xde: {  	s0 =	simm.s32 $0x0;
	s12 =	sadd.s32 $0x1000, s28;
	[tilespmem:s31+$0x16060] =	vst.add.f32.msk $0xffff, v11  }
.LBB2_8:
0xdf: {  	s0 =	sadd.s32 $0x8, s0;
	[tilespmem:s31+$0x14870] =	vst.add.f32.msk $0xffff, v4;
	s31 =	sshra.s32 s12, $0x2  }
0xe0: {  	v4 =	vld.idx.msk [tilespmem:v3+s31+$0x30 ss:$0x1], $0xffff;
	p1 =	slt.u32 s0, $0x28  }
0xe1: {  	v5 =	vld.idx.msk [tilespmem:v3+s31+$0xFFFFFFC0 ss:$0x1], $0xffff  }
0xe2: {  	v6 =	vld.idx.msk [tilespmem:v3+s31+$0xFFFFFFD0 ss:$0x1], $0xffff  }
0xe3: {  	v7 =	vld.idx.msk [tilespmem:v3+s31+$0xFFFFFFE0 ss:$0x1], $0xffff  }
0xe4: {  	v8 =	vld.idx.msk [tilespmem:v3+s31+$0xFFFFFFF0 ss:$0x1], $0xffff  }
0xe5: {  	v9 =	vld.idx.msk [tilespmem:v3+s31+$0x0 ss:$0x1], $0xffff  }
0xe6: {  	[tilespmem:s31+$0x16070] =	vst.add.f32.msk $0xffff, v4  }
0xe7: {  	v10 =	vld.idx.msk [tilespmem:v3+s31+$0x10 ss:$0x1], $0xffff  }
0xe8: {  	v11 =	vld.idx.msk [tilespmem:v3+s31+$0x20 ss:$0x1], $0xffff  }
0xe9: {  	[tilespmem:s31+$0x14800] =	vst.add.f32.msk $0xffff, v5  }
0xea: {  	[tilespmem:s31+$0x16000] =	vst.add.f32.msk $0xffff, v5  }
0xeb: {  	[tilespmem:s31+$0x14810] =	vst.add.f32.msk $0xffff, v6  }
0xec: {  	[tilespmem:s31+$0x16010] =	vst.add.f32.msk $0xffff, v6  }
0xed: {  	[tilespmem:s31+$0x14820] =	vst.add.f32.msk $0xffff, v7  }
0xee: {  	[tilespmem:s31+$0x16020] =	vst.add.f32.msk $0xffff, v7  }
0xef: {  	[tilespmem:s31+$0x14830] =	vst.add.f32.msk $0xffff, v8  }
0xf0: {  	[tilespmem:s31+$0x16030] =	vst.add.f32.msk $0xffff, v8  }
0xf1: {  	[tilespmem:s31+$0x14840] =	vst.add.f32.msk $0xffff, v9  }
.Ltmp4:
0xf2: {  	[tilespmem:s31+$0x16040] =	vst.add.f32.msk $0xffff, v9;
	(pc) =	sbr.rel @p1 .LBB2_8-.Ltmp4, $4  }
0xf3: {  	[tilespmem:s31+$0x14850] =	vst.add.f32.msk $0xffff, v10  }
0xf4: {  	[tilespmem:s31+$0x16050] =	vst.add.f32.msk $0xffff, v10  }
0xf5: {  	[tilespmem:s31+$0x14860] =	vst.add.f32.msk $0xffff, v11  }
0xf6: {  	s12 =	sadd.s32 $0x1000, s12;
	[tilespmem:s31+$0x16060] =	vst.add.f32.msk $0xffff, v11  }
0xf7: {  	s20 =	sadd.s32 $0x1, s20  }
0xf8: {  	p1 =	sne.s32 s20, $0x8  }
.Ltmp5:
0xf9: {  	_ = 	snop;
	(pc) =	sbr.rel @p1 .LBB2_7-.Ltmp5, $2  }
0xfa: {  	_ =	sdelay $0x2  }
0xfb: {  	[tilespmem:s31+$0x14870] =	vst.add.f32.msk $0xffff, v4;
	s28 =	sadd.s32 $0x200, s28  }
0xfc: {  	s0 =	sshll.u32 s21, $0x1  }
0xfd: {  	s12 =	smul.u32 $0x1800, s29;
	s0 =	sadd.s32 s6, s0  }
0xfe: {  	s0 =	smul.u32 $0xF000, s0;
	_ =	sdelay $0x1  }
0xff: {  	s0 =	sadd.s32 s12, s0  }
0x100: {  	s12 =	sshrl.u32 s0, $0x3;
	s0 =	sadd.s32 $0xF000, s0  }
0x101: {  	s12 =	sadd.s32 s5, s12;
	s0 =	sshrl.u32 s0, $0x3  }
0x102: {  	[hbm4b:s12+s4] =	stream.linear.scatter [tilespmem:s19], [sflag:$0x6], $0x1800, $0x38;
	[tilespmem:$0x1D800] =	vst v63  }
0x103: {  	s0 =	sadd.s32 s5, s0  }
0x104: {  	[hbm4b:s0+s4] =	stream.linear.scatter [tilespmem:s22], [sflag:$0x6], $0x1800, $0x38;
	[tilespmem:$0x1D800] =	vst v63  }
0x105: {  	s0 =	simm.s32 @!p0 $0x8  }
0x106: {  	_ =	swait.ge @!p0 [sflag:s0], $0x1800  }
0x107: {  	[sflag:s0] =	ssyncset.done @!p0 $0x0  }
0x108: {  	[sflag:s0] =	ssyncadd.s32 @!p0 $0xFFFFE800  }
0x109: {  	_ =	swait.ge @!p0 [sflag:s0], $0x1800  }
0x10a: {  	[sflag:s0] =	ssyncset.done @!p0 $0x0  }
0x10b: {  	[sflag:s0] =	ssyncadd.s32 @!p0 $0xFFFFE800  }
0x10c: {  	v3 =	vld [tilespmem:s23+$0x30];
	_ =	sdelay $0x4  }
0x10d: {  	v4 =	vshrl.u32 v3, $0x3  }
0x10e: {  	v4 =	vmul.u32 $0x30, v4  }
0x10f: {  	v3 =	vand.u32 $0x7, v3  }
0x110: {  	v3 =	vor.u32 v3, v4  }
0x111: {  	v4 =	vperm.xlane v3, v0;
	_ =	sdelay $0x1  }
0x112: {  	v4 =	vadd.s32 v1, v4;
	_ =	sdelay $0x3  }
0x113: {  	s20 =	sadd.s32 $0x1, s24;
	p0 =	seq.s32 s24, $0x8;
	s23 =	simm.s32 $0x0;
	v3 =	vperm.xlane v3, v2  }
0x114: {  	[tilespmem:s3], [sflag:$0x4] =	stream.indirect_vreg.gather [hbm4b:s1+s23], $0x80, v4, vm0, $0xb8;
	[tilespmem:$0x1D800] =	vst v63  }
0x115: {  	s29 =	simm.s32 $0x1B000;
	s20 =	simm.s32 @p0 $0x0;
	v3 =	vadd.s32 v1, v3  }
0x116: {  	[tilespmem:s29], [sflag:$0x4] =	stream.indirect_vreg.gather [hbm4b:s8+s23], $0x80, v4, vm0, $0xb8;
	[tilespmem:$0x1D800] =	vst v63  }
0x117: {  	s24 =	sand.u32 $0x1FFFFFFF, s20  }
0x118: {  	[tilespmem:s7], [sflag:$0x4] =	stream.indirect_vreg.gather [hbm4b:s9+s23], $0x80, v4, vm0, $0xb8;
	[tilespmem:$0x1D800] =	vst v63  }
0x119: {  	s31 =	smul.u32 $0x6000, s24  }
0x11a: {  	[tilespmem:s10], [sflag:$0x4] =	stream.indirect_vreg.gather [hbm4b:s1+s23], $0x80, v3, vm0, $0xb8;
	[tilespmem:$0x1D800] =	vst v63  }
0x11b: {  	s0 =	sshra.s32 s31, $0x2  }
0x11c: {  	[tilespmem:s11], [sflag:$0x4] =	stream.indirect_vreg.gather [hbm4b:s8+s23], $0x80, v3, vm0, $0xb8;
	[tilespmem:$0x1D800] =	vst v63  }
0x11d: {  	s0 =	sadd.s32 $0x2840, s0  }
0x11e: {  	[tilespmem:s14], [sflag:$0x4] =	stream.indirect_vreg.gather [hbm4b:s9+s23], $0x80, v3, vm0, $0xb8;
	v3 =	vmov s0;
	[tilespmem:$0x1D800] =	vst v63  }
0x11f: {  	s12 =	simm.s32 $0x1;
	_ =	swait.ge [sflag:s15], $0x3000  }
0x120: {  	s12 =	simm.s32 @!p0 $0x0;
	[sflag:s15] =	ssyncset.done $0x0  }
0x121: {  	s28 =	simm.s32 $0x0;
	s21 =	sadd.s32 s12, s21;
	[sflag:s15] =	ssyncadd.s32 $0xFFFFD000  }
.LBB2_11:
0x122: {  	_ =	sdelay $0x2  }
0x123: {  	s29 =	sshra.s32 s23, $0x2  }
0x124: {  	v4 =	vld.idx.msk [tilespmem:v3+s29+$0x30 ss:$0x1], $0xffff  }
0x125: {  	v5 =	vld.idx.msk [tilespmem:v3+s29+$0xFFFFFFC0 ss:$0x1], $0xffff  }
0x126: {  	v6 =	vld.idx.msk [tilespmem:v3+s29+$0xFFFFFFD0 ss:$0x1], $0xffff  }
0x127: {  	v7 =	vld.idx.msk [tilespmem:v3+s29+$0xFFFFFFE0 ss:$0x1], $0xffff  }
0x128: {  	v8 =	vld.idx.msk [tilespmem:v3+s29+$0xFFFFFFF0 ss:$0x1], $0xffff  }
0x129: {  	v9 =	vld.idx.msk [tilespmem:v3+s29+$0x0 ss:$0x1], $0xffff  }
0x12a: {  	v10 =	vld.idx.msk [tilespmem:v3+s29+$0x10 ss:$0x1], $0xffff  }
0x12b: {  	v11 =	vld.idx.msk [tilespmem:v3+s29+$0x20 ss:$0x1], $0xffff  }
0x12c: {  	[tilespmem:s29+$0x19070] =	vst.add.f32.msk $0xffff, v4  }
0x12d: {  	[tilespmem:s29+$0x17800] =	vst.add.f32.msk $0xffff, v5  }
0x12e: {  	[tilespmem:s29+$0x19000] =	vst.add.f32.msk $0xffff, v5  }
0x12f: {  	[tilespmem:s29+$0x17810] =	vst.add.f32.msk $0xffff, v6  }
0x130: {  	[tilespmem:s29+$0x19010] =	vst.add.f32.msk $0xffff, v6  }
0x131: {  	[tilespmem:s29+$0x17820] =	vst.add.f32.msk $0xffff, v7  }
0x132: {  	[tilespmem:s29+$0x19020] =	vst.add.f32.msk $0xffff, v7  }
0x133: {  	[tilespmem:s29+$0x17830] =	vst.add.f32.msk $0xffff, v8  }
0x134: {  	[tilespmem:s29+$0x19030] =	vst.add.f32.msk $0xffff, v8  }
0x135: {  	[tilespmem:s29+$0x17840] =	vst.add.f32.msk $0xffff, v9  }
0x136: {  	[tilespmem:s29+$0x19040] =	vst.add.f32.msk $0xffff, v9  }
0x137: {  	[tilespmem:s29+$0x17850] =	vst.add.f32.msk $0xffff, v10  }
0x138: {  	[tilespmem:s29+$0x19050] =	vst.add.f32.msk $0xffff, v10  }
0x139: {  	[tilespmem:s29+$0x17860] =	vst.add.f32.msk $0xffff, v11  }
0x13a: {  	s0 =	simm.s32 $0x0;
	s12 =	sadd.s32 $0x1000, s23;
	[tilespmem:s29+$0x19060] =	vst.add.f32.msk $0xffff, v11  }
.LBB2_12:
0x13b: {  	s0 =	sadd.s32 $0x8, s0;
	[tilespmem:s29+$0x17870] =	vst.add.f32.msk $0xffff, v4;
	s29 =	sshra.s32 s12, $0x2  }
0x13c: {  	v4 =	vld.idx.msk [tilespmem:v3+s29+$0x30 ss:$0x1], $0xffff;
	p0 =	slt.u32 s0, $0x28  }
0x13d: {  	v5 =	vld.idx.msk [tilespmem:v3+s29+$0xFFFFFFC0 ss:$0x1], $0xffff  }
0x13e: {  	v6 =	vld.idx.msk [tilespmem:v3+s29+$0xFFFFFFD0 ss:$0x1], $0xffff  }
0x13f: {  	v7 =	vld.idx.msk [tilespmem:v3+s29+$0xFFFFFFE0 ss:$0x1], $0xffff  }
0x140: {  	v8 =	vld.idx.msk [tilespmem:v3+s29+$0xFFFFFFF0 ss:$0x1], $0xffff  }
0x141: {  	v9 =	vld.idx.msk [tilespmem:v3+s29+$0x0 ss:$0x1], $0xffff  }
0x142: {  	[tilespmem:s29+$0x19070] =	vst.add.f32.msk $0xffff, v4  }
0x143: {  	v10 =	vld.idx.msk [tilespmem:v3+s29+$0x10 ss:$0x1], $0xffff  }
0x144: {  	v11 =	vld.idx.msk [tilespmem:v3+s29+$0x20 ss:$0x1], $0xffff  }
0x145: {  	[tilespmem:s29+$0x17800] =	vst.add.f32.msk $0xffff, v5  }
0x146: {  	[tilespmem:s29+$0x19000] =	vst.add.f32.msk $0xffff, v5  }
0x147: {  	[tilespmem:s29+$0x17810] =	vst.add.f32.msk $0xffff, v6  }
0x148: {  	[tilespmem:s29+$0x19010] =	vst.add.f32.msk $0xffff, v6  }
0x149: {  	[tilespmem:s29+$0x17820] =	vst.add.f32.msk $0xffff, v7  }
0x14a: {  	[tilespmem:s29+$0x19020] =	vst.add.f32.msk $0xffff, v7  }
0x14b: {  	[tilespmem:s29+$0x17830] =	vst.add.f32.msk $0xffff, v8  }
0x14c: {  	[tilespmem:s29+$0x19030] =	vst.add.f32.msk $0xffff, v8  }
0x14d: {  	[tilespmem:s29+$0x17840] =	vst.add.f32.msk $0xffff, v9  }
.Ltmp6:
0x14e: {  	[tilespmem:s29+$0x19040] =	vst.add.f32.msk $0xffff, v9;
	(pc) =	sbr.rel @p0 .LBB2_12-.Ltmp6, $4  }
0x14f: {  	[tilespmem:s29+$0x17850] =	vst.add.f32.msk $0xffff, v10  }
0x150: {  	[tilespmem:s29+$0x19050] =	vst.add.f32.msk $0xffff, v10  }
0x151: {  	[tilespmem:s29+$0x17860] =	vst.add.f32.msk $0xffff, v11  }
0x152: {  	s12 =	sadd.s32 $0x1000, s12;
	[tilespmem:s29+$0x19060] =	vst.add.f32.msk $0xffff, v11  }
0x153: {  	s28 =	sadd.s32 $0x1, s28  }
0x154: {  	p0 =	sne.s32 s28, $0x8  }
.Ltmp7:
0x155: {  	_ = 	snop;
	(pc) =	sbr.rel @p0 .LBB2_11-.Ltmp7, $2  }
0x156: {  	_ =	sdelay $0x2  }
0x157: {  	[tilespmem:s29+$0x17870] =	vst.add.f32.msk $0xffff, v4;
	s23 =	sadd.s32 $0x200, s23  }
0x158: {  	s0 =	sshll.u32 s21, $0x1  }
0x159: {  	s12 =	smul.u32 $0x1800, s24;
	s0 =	sadd.s32 s6, s0  }
0x15a: {  	s0 =	smul.u32 $0xF000, s0;
	_ =	sdelay $0x1  }
0x15b: {  	s0 =	sadd.s32 s12, s0  }
0x15c: {  	s12 =	sshrl.u32 s0, $0x3;
	s0 =	sadd.s32 $0xF000, s0  }
0x15d: {  	s12 =	sadd.s32 s5, s12;
	s0 =	sshrl.u32 s0, $0x3  }
0x15e: {  	[hbm4b:s12+s4] =	stream.linear.scatter [tilespmem:s26], [sflag:$0x7], $0x1800, $0x38;
	[tilespmem:$0x1D800] =	vst v63  }
0x15f: {  	p0 =	seq.s32 s13, $0x8F;
	s0 =	sadd.s32 s5, s0  }
0x160: {  	[hbm4b:s0+s4] =	stream.linear.scatter [tilespmem:s30], [sflag:$0x7], $0x1800, $0x38;
	[tilespmem:$0x1D800] =	vst v63  }
0x161: {  	s0 =	simm.s32 @!p0 $0x5  }
0x162: {  	_ =	swait.ge @!p0 [sflag:s0], $0x1800  }
0x163: {  	[sflag:s0] =	ssyncset.done @!p0 $0x0  }
0x164: {  	[sflag:s0] =	ssyncadd.s32 @!p0 $0xFFFFE800  }
0x165: {  	_ =	swait.ge @!p0 [sflag:s0], $0x1800  }
0x166: {  	[sflag:s0] =	ssyncset.done @!p0 $0x0  }
0x167: {  	[sflag:s0] =	ssyncadd.s32 @!p0 $0xFFFFE800;
	s0 =	sshrl.u32 @!p0 s16, $0x2  }
0x168: {  	v3 =	vld @!p0 [tilespmem:s0+$0x40];
	_ =	sdelay $0x4  }
0x169: {  	v4 =	vshrl.u32 @!p0 v3, $0x3  }
0x16a: {  	v4 =	vmul.u32 @!p0 $0x30, v4  }
0x16b: {  	v5 =	vlaneseq.u32 @!p0;
	v3 =	vand.u32 @!p0 $0x7, v3  }
0x16c: {  	v6 =	vshrl.u32 @!p0 v5, $0x3;
	v3 =	vor.u32 @!p0 v3, v4;
	v4 =	vand.u32 @!p0 $0x7, v5  }
0x16d: {  	v6 =	vmul.u32 @!p0 $0x8, v6;
	v4 =	vperm.xlane @!p0 v3, v4;
	_ =	sdelay $0x1  }
0x16e: {  	v4 =	vadd.s32 @!p0 v6, v4;
	_ =	sdelay $0x2  }
0x16f: {  	v5 =	vor.u32 @!p0 $0x8, v5  }
0x170: {  	vm1 =	vmmov @!p0 $0xffff;
	s12 =	simm.s32 @!p0 $0x11800;
	s0 =	simm.s32 @!p0 $0x0;
	v3 =	vperm.xlane @!p0 v3, v5  }
0x171: {  	[tilespmem:s12], [sflag:$0x1] =	stream.indirect_vreg.gather @!p0 [hbm4b:s1+s0], $0x80, v4, vm1, $0xb8;
	[tilespmem:$0x1D800] =	vst v63  }
0x172: {  	v3 =	vadd.s32 @!p0 v6, v3;
	s12 =	simm.s32 @!p0 $0x12000  }
0x173: {  	[tilespmem:s12], [sflag:$0x1] =	stream.indirect_vreg.gather @!p0 [hbm4b:s8+s0], $0x80, v4, vm1, $0xb8;
	[tilespmem:$0x1D800] =	vst v63  }
0x174: {  	p1 =	seq.s32 s20, $0x8;
	s20 =	sadd.s32 $0x1, s20;
	s12 =	simm.s32 @!p0 $0x12800  }
0x175: {  	[tilespmem:s12], [sflag:$0x1] =	stream.indirect_vreg.gather @!p0 [hbm4b:s9+s0], $0x80, v4, vm1, $0xb8;
	[tilespmem:$0x1D800] =	vst v63  }
0x176: {  	s20 =	simm.s32 @p1 $0x0;
	s12 =	simm.s32 @!p0 $0x13000  }
0x177: {  	[tilespmem:s12], [sflag:$0x1] =	stream.indirect_vreg.gather @!p0 [hbm4b:s1+s0], $0x80, v3, vm1, $0xb8;
	[tilespmem:$0x1D800] =	vst v63  }
0x178: {  	s24 =	sand.u32 $0x1FFFFFFF, s20;
	s12 =	simm.s32 @!p0 $0x13800  }
0x179: {  	[tilespmem:s12], [sflag:$0x1] =	stream.indirect_vreg.gather @!p0 [hbm4b:s8+s0], $0x80, v3, vm1, $0xb8;
	[tilespmem:$0x1D800] =	vst v63  }
0x17a: {  	s29 =	smul.u32 $0x6000, s24;
	s12 =	simm.s32 @!p0 $0x14000  }
0x17b: {  	[tilespmem:s12], [sflag:$0x1] =	stream.indirect_vreg.gather @!p0 [hbm4b:s9+s0], $0x80, v3, vm1, $0xb8;
	[tilespmem:$0x1D800] =	vst v63  }
0x17c: {  	s0 =	sshra.s32 s29, $0x2  }
0x17d: {  	s0 =	sadd.s32 $0x2840, s0  }
0x17e: {  	v3 =	vmov s0  }
0x17f: {  	s28 =	simm.s32 $0x0;
	s12 =	simm.s32 $0x1;
	_ =	swait.ge [sflag:s17], $0x3000  }
0x180: {  	s31 =	simm.s32 $0x11800;
	s12 =	simm.s32 @!p1 $0x0;
	[sflag:s17] =	ssyncset.done $0x0  }
0x181: {  	s23 =	sadd.s32 s12, s21;
	s21 =	simm.s32 $0x0;
	[sflag:s17] =	ssyncadd.s32 $0xFFFFD000  }
.LBB2_15:
0x182: {  	_ =	sdelay $0x2  }
0x183: {  	s29 =	sshra.s32 s21, $0x2  }
0x184: {  	v4 =	vld.idx.msk [tilespmem:v3+s29+$0x30 ss:$0x1], $0xffff  }
0x185: {  	v5 =	vld.idx.msk [tilespmem:v3+s29+$0xFFFFFFC0 ss:$0x1], $0xffff  }
0x186: {  	v6 =	vld.idx.msk [tilespmem:v3+s29+$0xFFFFFFD0 ss:$0x1], $0xffff  }
0x187: {  	v7 =	vld.idx.msk [tilespmem:v3+s29+$0xFFFFFFE0 ss:$0x1], $0xffff  }
0x188: {  	v8 =	vld.idx.msk [tilespmem:v3+s29+$0xFFFFFFF0 ss:$0x1], $0xffff  }
0x189: {  	v9 =	vld.idx.msk [tilespmem:v3+s29+$0x0 ss:$0x1], $0xffff  }
0x18a: {  	v10 =	vld.idx.msk [tilespmem:v3+s29+$0x10 ss:$0x1], $0xffff  }
0x18b: {  	v11 =	vld.idx.msk [tilespmem:v3+s29+$0x20 ss:$0x1], $0xffff  }
0x18c: {  	[tilespmem:s29+$0x1C070] =	vst.add.f32.msk $0xffff, v4  }
0x18d: {  	[tilespmem:s29+$0x1A800] =	vst.add.f32.msk $0xffff, v5  }
0x18e: {  	[tilespmem:s29+$0x1C000] =	vst.add.f32.msk $0xffff, v5  }
0x18f: {  	[tilespmem:s29+$0x1A810] =	vst.add.f32.msk $0xffff, v6  }
0x190: {  	[tilespmem:s29+$0x1C010] =	vst.add.f32.msk $0xffff, v6  }
0x191: {  	[tilespmem:s29+$0x1A820] =	vst.add.f32.msk $0xffff, v7  }
0x192: {  	[tilespmem:s29+$0x1C020] =	vst.add.f32.msk $0xffff, v7  }
0x193: {  	[tilespmem:s29+$0x1A830] =	vst.add.f32.msk $0xffff, v8  }
0x194: {  	[tilespmem:s29+$0x1C030] =	vst.add.f32.msk $0xffff, v8  }
0x195: {  	[tilespmem:s29+$0x1A840] =	vst.add.f32.msk $0xffff, v9  }
0x196: {  	[tilespmem:s29+$0x1C040] =	vst.add.f32.msk $0xffff, v9  }
0x197: {  	[tilespmem:s29+$0x1A850] =	vst.add.f32.msk $0xffff, v10  }
0x198: {  	[tilespmem:s29+$0x1C050] =	vst.add.f32.msk $0xffff, v10  }
0x199: {  	[tilespmem:s29+$0x1A860] =	vst.add.f32.msk $0xffff, v11  }
0x19a: {  	s0 =	simm.s32 $0x0;
	s12 =	sadd.s32 $0x1000, s21;
	[tilespmem:s29+$0x1C060] =	vst.add.f32.msk $0xffff, v11  }
.LBB2_16:
0x19b: {  	s0 =	sadd.s32 $0x8, s0;
	[tilespmem:s29+$0x1A870] =	vst.add.f32.msk $0xffff, v4;
	s29 =	sshra.s32 s12, $0x2  }
0x19c: {  	v4 =	vld.idx.msk [tilespmem:v3+s29+$0x30 ss:$0x1], $0xffff;
	p1 =	slt.u32 s0, $0x28  }
0x19d: {  	v5 =	vld.idx.msk [tilespmem:v3+s29+$0xFFFFFFC0 ss:$0x1], $0xffff  }
0x19e: {  	v6 =	vld.idx.msk [tilespmem:v3+s29+$0xFFFFFFD0 ss:$0x1], $0xffff  }
0x19f: {  	v7 =	vld.idx.msk [tilespmem:v3+s29+$0xFFFFFFE0 ss:$0x1], $0xffff  }
0x1a0: {  	v8 =	vld.idx.msk [tilespmem:v3+s29+$0xFFFFFFF0 ss:$0x1], $0xffff  }
0x1a1: {  	v9 =	vld.idx.msk [tilespmem:v3+s29+$0x0 ss:$0x1], $0xffff  }
0x1a2: {  	[tilespmem:s29+$0x1C070] =	vst.add.f32.msk $0xffff, v4  }
0x1a3: {  	v10 =	vld.idx.msk [tilespmem:v3+s29+$0x10 ss:$0x1], $0xffff  }
0x1a4: {  	v11 =	vld.idx.msk [tilespmem:v3+s29+$0x20 ss:$0x1], $0xffff  }
0x1a5: {  	[tilespmem:s29+$0x1A800] =	vst.add.f32.msk $0xffff, v5  }
0x1a6: {  	[tilespmem:s29+$0x1C000] =	vst.add.f32.msk $0xffff, v5  }
0x1a7: {  	[tilespmem:s29+$0x1A810] =	vst.add.f32.msk $0xffff, v6  }
0x1a8: {  	[tilespmem:s29+$0x1C010] =	vst.add.f32.msk $0xffff, v6  }
0x1a9: {  	[tilespmem:s29+$0x1A820] =	vst.add.f32.msk $0xffff, v7  }
0x1aa: {  	[tilespmem:s29+$0x1C020] =	vst.add.f32.msk $0xffff, v7  }
0x1ab: {  	[tilespmem:s29+$0x1A830] =	vst.add.f32.msk $0xffff, v8  }
0x1ac: {  	[tilespmem:s29+$0x1C030] =	vst.add.f32.msk $0xffff, v8  }
0x1ad: {  	[tilespmem:s29+$0x1A840] =	vst.add.f32.msk $0xffff, v9  }
.Ltmp8:
0x1ae: {  	[tilespmem:s29+$0x1C040] =	vst.add.f32.msk $0xffff, v9;
	(pc) =	sbr.rel @p1 .LBB2_16-.Ltmp8, $4  }
0x1af: {  	[tilespmem:s29+$0x1A850] =	vst.add.f32.msk $0xffff, v10  }
0x1b0: {  	[tilespmem:s29+$0x1C050] =	vst.add.f32.msk $0xffff, v10  }
0x1b1: {  	[tilespmem:s29+$0x1A860] =	vst.add.f32.msk $0xffff, v11  }
0x1b2: {  	s12 =	sadd.s32 $0x1000, s12;
	[tilespmem:s29+$0x1C060] =	vst.add.f32.msk $0xffff, v11  }
0x1b3: {  	s28 =	sadd.s32 $0x1, s28  }
0x1b4: {  	p1 =	sne.s32 s28, $0x8  }
.Ltmp9:
0x1b5: {  	_ = 	snop;
	(pc) =	sbr.rel @p1 .LBB2_15-.Ltmp9, $2  }
0x1b6: {  	_ =	sdelay $0x2  }
0x1b7: {  	[tilespmem:s29+$0x1A870] =	vst.add.f32.msk $0xffff, v4;
	s21 =	sadd.s32 $0x200, s21  }
0x1b8: {  	s0 =	sshll.u32 s23, $0x1  }
0x1b9: {  	s12 =	smul.u32 $0x1800, s24;
	s0 =	sadd.s32 s6, s0  }
0x1ba: {  	s0 =	smul.u32 $0xF000, s0;
	_ =	sdelay $0x1  }
0x1bb: {  	s0 =	sadd.s32 s12, s0  }
.Ltmp10:
0x1bc: {  	s12 =	sshrl.u32 s0, $0x3;
	s0 =	sadd.s32 $0xF000, s0;
	(pc) =	sbr.rel @p0 .LBB2_20-.Ltmp10, $4  }
0x1bd: {  	s12 =	sadd.s32 s5, s12;
	s0 =	sshrl.u32 s0, $0x3  }
0x1be: {  	[hbm4b:s12+s4] =	stream.linear.scatter [tilespmem:s3], [sflag:$0x8], $0x1800, $0x38;
	[tilespmem:$0x1D800] =	vst v63  }
0x1bf: {  	s0 =	sadd.s32 s5, s0  }
0x1c0: {  	[hbm4b:s0+s4] =	stream.linear.scatter [tilespmem:s10], [sflag:$0x8], $0x1800, $0x38;
	[tilespmem:$0x1D800] =	vst v63  }
0x1c1: {  	_ =	swait.ge [sflag:s18], $0x1800  }
0x1c2: {  	[sflag:s18] =	ssyncset.done $0x0  }
0x1c3: {  	[sflag:s18] =	ssyncadd.s32 $0xFFFFE800  }
0x1c4: {  	_ =	swait.ge [sflag:s18], $0x1800  }
0x1c5: {  	[sflag:s18] =	ssyncset.done $0x0  }
0x1c6: {  	s0 =	sshrl.u32 s16, $0x2;
	[sflag:s18] =	ssyncadd.s32 $0xFFFFE800  }
0x1c7: {  	v3 =	vld [tilespmem:s0+$0x50];
	_ =	sdelay $0x4  }
0x1c8: {  	v4 =	vshrl.u32 v3, $0x3  }
0x1c9: {  	v4 =	vmul.u32 $0x30, v4  }
0x1ca: {  	v3 =	vand.u32 $0x7, v3  }
0x1cb: {  	v3 =	vor.u32 v3, v4  }
0x1cc: {  	v4 =	vperm.xlane v3, v0;
	_ =	sdelay $0x1  }
0x1cd: {  	v4 =	vadd.s32 v1, v4;
	_ =	sdelay $0x3  }
0x1ce: {  	v3 =	vperm.xlane v3, v2  }
0x1cf: {  	[tilespmem:s19], [sflag:$0x2] =	stream.indirect_vreg.gather [hbm4b:s1+s4], $0x80, v4, vm0, $0xb8;
	[tilespmem:$0x1D800] =	vst v63  }
0x1d0: {  	s24 =	simm.s32 $0x15000;
	v3 =	vadd.s32 v1, v3  }
0x1d1: {  	[tilespmem:s24], [sflag:$0x2] =	stream.indirect_vreg.gather [hbm4b:s8+s4], $0x80, v4, vm0, $0xb8;
	[tilespmem:$0x1D800] =	vst v63  }
0x1d2: {  	s28 =	simm.s32 $0x15800  }
0x1d3: {  	[tilespmem:s28], [sflag:$0x2] =	stream.indirect_vreg.gather [hbm4b:s9+s4], $0x80, v4, vm0, $0xb8;
	[tilespmem:$0x1D800] =	vst v63  }
0x1d4: {  	s29 =	simm.s32 $0x16800  }
0x1d5: {  	[tilespmem:s22], [sflag:$0x2] =	stream.indirect_vreg.gather [hbm4b:s1+s4], $0x80, v3, vm0, $0xb8;
	[tilespmem:$0x1D800] =	vst v63  }
.Ltmp11:
0x1d6: {  	p0 =	seq.s32 s20, $0x8;
	s0 =	simm.s32 $0x1;
	(pc) =	sbr.rel .LBB2_2-.Ltmp11, $4  }
0x1d7: {  	s12 =	simm.s32 $0x17000;
	s21 =	sadd.s32 $0x1, s20;
	s0 =	simm.s32 @!p0 $0x0  }
0x1d8: {  	[tilespmem:s29], [sflag:$0x2] =	stream.indirect_vreg.gather [hbm4b:s8+s4], $0x80, v3, vm0, $0xb8;
	[tilespmem:$0x1D800] =	vst v63  }
0x1d9: {  	s13 =	sadd.s32 $0x1, s13;
	s21 =	simm.s32 @p0 $0x0;
	s20 =	sadd.s32 s0, s23  }
0x1da: {  	[tilespmem:s12], [sflag:$0x2] =	stream.indirect_vreg.gather [hbm4b:s9+s4], $0x80, v3, vm0, $0xb8;
	[tilespmem:$0x1D800] =	vst v63  }
.LBB2_20:
0x1db: {  	s0 =	simm.s32 $0x5  }
0x1dc: {  	_ =	swait.ge [sflag:s0], $0x1800  }
0x1dd: {  	[sflag:s0] =	ssyncset.done $0x0  }
0x1de: {  	[sflag:s0] =	ssyncadd.s32 $0xFFFFE800  }
0x1df: {  	_ =	swait.ge [sflag:s0], $0x1800  }
0x1e0: {  	[sflag:s0] =	ssyncset.done $0x0  }
0x1e1: {  	[sflag:s0] =	ssyncadd.s32 $0xFFFFE800  }
0x1e2: {  	_ =	swait.ge [sflag:s18], $0x1800  }
0x1e3: {  	[sflag:s18] =	ssyncset.done $0x0  }
0x1e4: {  	[sflag:s18] =	ssyncadd.s32 $0xFFFFE800  }
0x1e5: {  	_ =	swait.ge [sflag:s18], $0x1800  }
0x1e6: {  	[sflag:s18] =	ssyncset.done $0x0  }
0x1e7: {  	s21 =	simm.s32 $0x7;
	[sflag:s18] =	ssyncadd.s32 $0xFFFFE800  }
0x1e8: {  	_ =	swait.ge [sflag:s21], $0x1800  }
0x1e9: {  	[sflag:s21] =	ssyncset.done $0x0  }
0x1ea: {  	[sflag:s21] =	ssyncadd.s32 $0xFFFFE800  }
0x1eb: {  	_ =	swait.ge [sflag:s21], $0x1800  }
0x1ec: {  	[sflag:s21] =	ssyncset.done $0x0  }
0x1ed: {  	s23 =	simm.s32 $0x8;
	[sflag:s21] =	ssyncadd.s32 $0xFFFFE800  }
0x1ee: {  	_ =	swait.ge [sflag:s23], $0x1800  }
0x1ef: {  	[sflag:s23] =	ssyncset.done $0x0  }
0x1f0: {  	[sflag:s23] =	ssyncadd.s32 $0xFFFFE800  }
0x1f1: {  	_ =	swait.ge [sflag:s23], $0x1800  }
0x1f2: {  	[sflag:s23] =	ssyncset.done $0x0  }
0x1f3: {  	[sflag:s23] =	ssyncadd.s32 $0xFFFFE800  }
0x1f4: {  	v3 =	vld [tilespmem:$0x2400];
	_ =	sdelay $0x4  }
0x1f5: {  	v4 =	vshrl.u32 v3, $0x3  }
0x1f6: {  	v4 =	vmul.u32 $0x30, v4  }
0x1f7: {  	v3 =	vand.u32 $0x7, v3  }
0x1f8: {  	v3 =	vor.u32 v3, v4  }
0x1f9: {  	v4 =	vperm.xlane v3, v0;
	_ =	sdelay $0x1  }
0x1fa: {  	v4 =	vadd.s32 v1, v4;
	_ =	sdelay $0x3  }
0x1fb: {  	s13 =	simm.s32 $0x0;
	v3 =	vperm.xlane v3, v2  }
0x1fc: {  	[tilespmem:s31], [sflag:$0x1] =	stream.indirect_vreg.gather [hbm4b:s1+s13], $0x80, v4, vm0, $0xb8;
	[tilespmem:$0x1D800] =	vst v63  }
0x1fd: {  	s28 =	simm.s32 $0x12000;
	v3 =	vadd.s32 v1, v3  }
0x1fe: {  	[tilespmem:s28], [sflag:$0x1] =	stream.indirect_vreg.gather [hbm4b:s8+s13], $0x80, v4, vm0, $0xb8;
	[tilespmem:$0x1D800] =	vst v63  }
0x1ff: {  	s29 =	simm.s32 $0x12800  }
0x200: {  	[tilespmem:s29], [sflag:$0x1] =	stream.indirect_vreg.gather [hbm4b:s9+s13], $0x80, v4, vm0, $0xb8;
	[tilespmem:$0x1D800] =	vst v63  }
0x201: {  	s24 =	simm.s32 $0x13000  }
0x202: {  	[tilespmem:s24], [sflag:$0x1] =	stream.indirect_vreg.gather [hbm4b:s1+s13], $0x80, v3, vm0, $0xb8;
	[tilespmem:$0x1D800] =	vst v63  }
0x203: {  	s12 =	simm.s32 $0x13800  }
0x204: {  	[tilespmem:s12], [sflag:$0x1] =	stream.indirect_vreg.gather [hbm4b:s8+s13], $0x80, v3, vm0, $0xb8;
	[tilespmem:$0x1D800] =	vst v63  }
0x205: {  	s16 =	simm.s32 $0x14000  }
0x206: {  	[tilespmem:s16], [sflag:$0x1] =	stream.indirect_vreg.gather [hbm4b:s9+s13], $0x80, v3, vm0, $0xb8;
	[tilespmem:$0x1D800] =	vst v63  }
0x207: {  	v3 =	vld [tilespmem:$0x2410];
	_ =	sdelay $0x4  }
0x208: {  	v63 =	vshrl.u32 v3, $0x3  }
0x209: {  	v4 =	vmul.u32 $0x30, v63  }
0x20a: {  	v3 =	vand.u32 $0x7, v3  }
0x20b: {  	v3 =	vor.u32 v3, v4  }
0x20c: {  	v4 =	vperm.xlane v3, v0;
	_ =	sdelay $0x1  }
0x20d: {  	v4 =	vadd.s32 v1, v4;
	_ =	sdelay $0x3  }
0x20e: {  	v3 =	vperm.xlane v3, v2  }
0x20f: {  	[tilespmem:s19], [sflag:$0x2] =	stream.indirect_vreg.gather [hbm4b:s1+s13], $0x80, v4, vm0, $0xb8;
	[tilespmem:$0x1D800] =	vst v63  }
0x210: {  	s20 =	simm.s32 $0x15000;
	v3 =	vadd.s32 v1, v3  }
0x211: {  	[tilespmem:s20], [sflag:$0x2] =	stream.indirect_vreg.gather [hbm4b:s8+s13], $0x80, v4, vm0, $0xb8;
	[tilespmem:$0x1D800] =	vst v63  }
0x212: {  	s21 =	simm.s32 $0x15800  }
0x213: {  	[tilespmem:s21], [sflag:$0x2] =	stream.indirect_vreg.gather [hbm4b:s9+s13], $0x80, v4, vm0, $0xb8;
	[tilespmem:$0x1D800] =	vst v63  }
0x214: {  	_ = 	snop  }
0x215: {  	[tilespmem:s22], [sflag:$0x2] =	stream.indirect_vreg.gather [hbm4b:s1+s13], $0x80, v3, vm0, $0xb8;
	[tilespmem:$0x1D800] =	vst v63  }
0x216: {  	s23 =	simm.s32 $0x16800  }
0x217: {  	[tilespmem:s23], [sflag:$0x2] =	stream.indirect_vreg.gather [hbm4b:s8+s13], $0x80, v3, vm0, $0xb8;
	[tilespmem:$0x1D800] =	vst v63  }
0x218: {  	s24 =	simm.s32 $0x17000  }
0x219: {  	[tilespmem:s24], [sflag:$0x2] =	stream.indirect_vreg.gather [hbm4b:s9+s13], $0x80, v3, vm0, $0xb8;
	[tilespmem:$0x1D800] =	vst v63  }
.LBB2_21:
0x21a: {  	_ =	swait.ge [sflag:s25], $0x3000  }
0x21b: {  	[sflag:s25] =	ssyncset.done $0x0  }
0x21c: {  	s16 =	simm.s32 $0x0;
	s20 =	simm.s32 $0x0;
	[sflag:s25] =	ssyncadd.s32 $0xFFFFD000  }
.LBB2_22:
0x21d: {  	s21 =	sshra.s32 s16, $0x2  }
0x21e: {  	v3 =	vld [tilespmem:s21+$0x10070]  }
0x21f: {  	v4 =	vld [tilespmem:s21+$0x10000]  }
0x220: {  	v5 =	vld [tilespmem:s21+$0x10010]  }
0x221: {  	v6 =	vld [tilespmem:s21+$0x10020]  }
0x222: {  	v7 =	vld [tilespmem:s21+$0x10030]  }
0x223: {  	v8 =	vld [tilespmem:s21+$0x10040]  }
0x224: {  	v9 =	vld [tilespmem:s21+$0x10050]  }
0x225: {  	v10 =	vld [tilespmem:s21+$0x10060]  }
0x226: {  	[tilespmem:s21+$0x13070] =	vst.add.f32.msk $0xffff, v3  }
0x227: {  	[tilespmem:s21+$0x11800] =	vst.add.f32.msk $0xffff, v4  }
0x228: {  	[tilespmem:s21+$0x13000] =	vst.add.f32.msk $0xffff, v4  }
0x229: {  	[tilespmem:s21+$0x11810] =	vst.add.f32.msk $0xffff, v5  }
0x22a: {  	[tilespmem:s21+$0x13010] =	vst.add.f32.msk $0xffff, v5  }
0x22b: {  	[tilespmem:s21+$0x11820] =	vst.add.f32.msk $0xffff, v6  }
0x22c: {  	[tilespmem:s21+$0x13020] =	vst.add.f32.msk $0xffff, v6  }
0x22d: {  	[tilespmem:s21+$0x11830] =	vst.add.f32.msk $0xffff, v7  }
0x22e: {  	[tilespmem:s21+$0x13030] =	vst.add.f32.msk $0xffff, v7  }
0x22f: {  	[tilespmem:s21+$0x11840] =	vst.add.f32.msk $0xffff, v8  }
0x230: {  	[tilespmem:s21+$0x13040] =	vst.add.f32.msk $0xffff, v8  }
0x231: {  	[tilespmem:s21+$0x11850] =	vst.add.f32.msk $0xffff, v9  }
0x232: {  	[tilespmem:s21+$0x13050] =	vst.add.f32.msk $0xffff, v9  }
0x233: {  	[tilespmem:s21+$0x11860] =	vst.add.f32.msk $0xffff, v10  }
0x234: {  	s0 =	simm.s32 $0x0;
	s12 =	sadd.s32 $0x1000, s16;
	[tilespmem:s21+$0x13060] =	vst.add.f32.msk $0xffff, v10  }
.LBB2_23:
0x235: {  	s0 =	sadd.s32 $0x8, s0;
	[tilespmem:s21+$0x11870] =	vst.add.f32.msk $0xffff, v3;
	s21 =	sshra.s32 s12, $0x2  }
0x236: {  	v3 =	vld [tilespmem:s21+$0x10070];
	p0 =	slt.u32 s0, $0x28  }
0x237: {  	v4 =	vld [tilespmem:s21+$0x10000]  }
0x238: {  	v5 =	vld [tilespmem:s21+$0x10010]  }
0x239: {  	v6 =	vld [tilespmem:s21+$0x10020]  }
0x23a: {  	v7 =	vld [tilespmem:s21+$0x10030]  }
0x23b: {  	[tilespmem:s21+$0x13070] =	vst.add.f32.msk $0xffff, v3  }
0x23c: {  	v8 =	vld [tilespmem:s21+$0x10040]  }
0x23d: {  	v9 =	vld [tilespmem:s21+$0x10050]  }
0x23e: {  	v10 =	vld [tilespmem:s21+$0x10060]  }
0x23f: {  	[tilespmem:s21+$0x11800] =	vst.add.f32.msk $0xffff, v4  }
0x240: {  	[tilespmem:s21+$0x13000] =	vst.add.f32.msk $0xffff, v4  }
0x241: {  	[tilespmem:s21+$0x11810] =	vst.add.f32.msk $0xffff, v5  }
0x242: {  	[tilespmem:s21+$0x13010] =	vst.add.f32.msk $0xffff, v5  }
0x243: {  	[tilespmem:s21+$0x11820] =	vst.add.f32.msk $0xffff, v6  }
0x244: {  	[tilespmem:s21+$0x13020] =	vst.add.f32.msk $0xffff, v6  }
0x245: {  	[tilespmem:s21+$0x11830] =	vst.add.f32.msk $0xffff, v7  }
0x246: {  	[tilespmem:s21+$0x13030] =	vst.add.f32.msk $0xffff, v7  }
0x247: {  	[tilespmem:s21+$0x11840] =	vst.add.f32.msk $0xffff, v8  }
.Ltmp12:
0x248: {  	[tilespmem:s21+$0x13040] =	vst.add.f32.msk $0xffff, v8;
	(pc) =	sbr.rel @p0 .LBB2_23-.Ltmp12, $4  }
0x249: {  	[tilespmem:s21+$0x11850] =	vst.add.f32.msk $0xffff, v9  }
0x24a: {  	[tilespmem:s21+$0x13050] =	vst.add.f32.msk $0xffff, v9  }
0x24b: {  	[tilespmem:s21+$0x11860] =	vst.add.f32.msk $0xffff, v10  }
0x24c: {  	s12 =	sadd.s32 $0x1000, s12;
	[tilespmem:s21+$0x13060] =	vst.add.f32.msk $0xffff, v10  }
0x24d: {  	s20 =	sadd.s32 $0x1, s20  }
0x24e: {  	p0 =	sne.s32 s20, $0x5  }
.Ltmp13:
0x24f: {  	_ = 	snop;
	(pc) =	sbr.rel @p0 .LBB2_22-.Ltmp13, $2  }
0x250: {  	_ =	sdelay $0x2  }
0x251: {  	[tilespmem:s21+$0x11870] =	vst.add.f32.msk $0xffff, v3;
	s16 =	sadd.s32 $0x200, s16  }
0x252: {  	s0 =	sshll.u32 s13, $0x3  }
0x253: {  	s0 =	sor.u32 s6, s0  }
0x254: {  	s0 =	smul.u32 $0xF000, s0;
	_ =	sdelay $0x1  }
0x255: {  	s0 =	sshrl.u32 s0, $0x3  }
0x256: {  	s16 =	sadd.s32 s5, s0  }
0x257: {  	s0 =	sadd.s32 $0x1B00, s16  }
0x258: {  	[hbm4b:s0+s4] =	stream.linear.scatter [tilespmem:s31], [sflag:$0x5], $0x280, $0x38;
	[tilespmem:$0x1D800] =	vst v63  }
0x259: {  	s12 =	simm.s32 $0x11C00;
	s23 =	sadd.s32 $0x1B80, s16  }
0x25a: {  	[hbm4b:s23+s4] =	stream.linear.scatter [tilespmem:s12], [sflag:$0x5], $0x280, $0x38;
	[tilespmem:$0x1D800] =	vst v63  }
0x25b: {  	s24 =	sadd.s32 $0x1C00, s16  }
0x25c: {  	[hbm4b:s24+s4] =	stream.linear.scatter [tilespmem:s28], [sflag:$0x5], $0x280, $0x38;
	[tilespmem:$0x1D800] =	vst v63  }
0x25d: {  	s20 =	simm.s32 $0x12400;
	s12 =	sadd.s32 $0x1C80, s16  }
0x25e: {  	[hbm4b:s12+s4] =	stream.linear.scatter [tilespmem:s20], [sflag:$0x5], $0x280, $0x38;
	[tilespmem:$0x1D800] =	vst v63  }
0x25f: {  	s21 =	sadd.s32 $0x1D00, s16  }
0x260: {  	[hbm4b:s21+s4] =	stream.linear.scatter [tilespmem:s29], [sflag:$0x5], $0x280, $0x38;
	[tilespmem:$0x1D800] =	vst v63  }
0x261: {  	s23 =	sadd.s32 $0x1D80, s16;
	s24 =	simm.s32 $0x12C00  }
0x262: {  	[hbm4b:s23+s4] =	stream.linear.scatter [tilespmem:s24], [sflag:$0x5], $0x280, $0x38;
	[tilespmem:$0x1D800] =	vst v63  }
0x263: {  	s20 =	sadd.s32 $0x3900, s16;
	s21 =	simm.s32 $0x13000  }
0x264: {  	[hbm4b:s20+s4] =	stream.linear.scatter [tilespmem:s21], [sflag:$0x5], $0x280, $0x38;
	[tilespmem:$0x1D800] =	vst v63  }
0x265: {  	s23 =	sadd.s32 $0x3980, s16;
	s24 =	simm.s32 $0x13400  }
0x266: {  	[hbm4b:s23+s4] =	stream.linear.scatter [tilespmem:s24], [sflag:$0x5], $0x280, $0x38;
	[tilespmem:$0x1D800] =	vst v63  }
0x267: {  	s20 =	sadd.s32 $0x3A00, s16;
	s21 =	simm.s32 $0x13800  }
0x268: {  	[hbm4b:s20+s4] =	stream.linear.scatter [tilespmem:s21], [sflag:$0x5], $0x280, $0x38;
	[tilespmem:$0x1D800] =	vst v63  }
0x269: {  	s23 =	sadd.s32 $0x3A80, s16;
	s24 =	simm.s32 $0x13C00  }
0x26a: {  	[hbm4b:s23+s4] =	stream.linear.scatter [tilespmem:s24], [sflag:$0x5], $0x280, $0x38;
	[tilespmem:$0x1D800] =	vst v63  }
0x26b: {  	p0 =	seq.s32 s13, $0x0;
	s12 =	sadd.s32 $0x3B00, s16;
	s20 =	simm.s32 $0x14000  }
0x26c: {  	[hbm4b:s12+s4] =	stream.linear.scatter [tilespmem:s20], [sflag:$0x5], $0x280, $0x38;
	[tilespmem:$0x1D800] =	vst v63  }
0x26d: {  	s0 =	simm.s32 @!p0 $0x7;
	s21 =	sadd.s32 $0x3B80, s16;
	s23 =	simm.s32 $0x14400  }
0x26e: {  	[hbm4b:s21+s4] =	stream.linear.scatter [tilespmem:s23], [sflag:$0x5], $0x280, $0x38;
	[tilespmem:$0x1D800] =	vst v63  }
0x26f: {  	_ =	swait.ge @!p0 [sflag:s0], $0xF00  }
0x270: {  	[sflag:s0] =	ssyncset.done @!p0 $0x0  }
0x271: {  	[sflag:s0] =	ssyncadd.s32 @!p0 $0xFFFFF100  }
0x272: {  	s12 =	sshll.u32 @!p0 s13, $0x6;
	_ =	swait.ge @!p0 [sflag:s0], $0xF00  }
0x273: {  	s20 =	sand.u32 @!p0 $0x3FFFFFC0, s12;
	[sflag:s0] =	ssyncset.done @!p0 $0x0  }
0x274: {  	s20 =	simm.s32 @p0 $0x0;
	[sflag:s0] =	ssyncadd.s32 @!p0 $0xFFFFF100  }
0x275: {  	v3 =	vld [tilespmem:s20+$0x2420];
	_ =	sdelay $0x4  }
0x276: {  	v4 =	vshrl.u32 v3, $0x3  }
0x277: {  	v4 =	vmul.u32 $0x30, v4  }
0x278: {  	v3 =	vand.u32 $0x7, v3  }
0x279: {  	v3 =	vor.u32 v3, v4  }
0x27a: {  	v4 =	vperm.xlane v3, v0;
	_ =	sdelay $0x1  }
0x27b: {  	v4 =	vadd.s32 v1, v4;
	_ =	sdelay $0x3  }
0x27c: {  	s21 =	simm.s32 $0x0;
	v3 =	vperm.xlane v3, v2  }
0x27d: {  	[tilespmem:s26], [sflag:$0x3] =	stream.indirect_vreg.gather [hbm4b:s1+s21], $0x80, v4, vm0, $0xb8;
	[tilespmem:$0x1D800] =	vst v63  }
0x27e: {  	s24 =	simm.s32 $0x18000;
	v3 =	vadd.s32 v1, v3  }
0x27f: {  	[tilespmem:s24], [sflag:$0x3] =	stream.indirect_vreg.gather [hbm4b:s8+s21], $0x80, v4, vm0, $0xb8;
	[tilespmem:$0x1D800] =	vst v63  }
0x280: {  	s12 =	simm.s32 $0x18800  }
0x281: {  	[tilespmem:s12], [sflag:$0x3] =	stream.indirect_vreg.gather [hbm4b:s9+s21], $0x80, v4, vm0, $0xb8;
	[tilespmem:$0x1D800] =	vst v63  }
0x282: {  	_ = 	snop  }
0x283: {  	[tilespmem:s30], [sflag:$0x3] =	stream.indirect_vreg.gather [hbm4b:s1+s21], $0x80, v3, vm0, $0xb8;
	[tilespmem:$0x1D800] =	vst v63  }
0x284: {  	s23 =	simm.s32 $0x19800  }
0x285: {  	[tilespmem:s23], [sflag:$0x3] =	stream.indirect_vreg.gather [hbm4b:s8+s21], $0x80, v3, vm0, $0xb8;
	[tilespmem:$0x1D800] =	vst v63  }
0x286: {  	s24 =	simm.s32 $0x1A000  }
0x287: {  	[tilespmem:s24], [sflag:$0x3] =	stream.indirect_vreg.gather [hbm4b:s9+s21], $0x80, v3, vm0, $0xb8;
	[tilespmem:$0x1D800] =	vst v63  }
0x288: {  	_ =	swait.ge [sflag:s2], $0x3000  }
0x289: {  	[sflag:s2] =	ssyncset.done $0x0  }
0x28a: {  	s23 =	simm.s32 $0x0;
	[sflag:s2] =	ssyncadd.s32 $0xFFFFD000  }
.LBB2_26:
0x28b: {  	s24 =	sshra.s32 s21, $0x2  }
0x28c: {  	v3 =	vld [tilespmem:s24+$0x10070]  }
0x28d: {  	v4 =	vld [tilespmem:s24+$0x10000]  }
0x28e: {  	v5 =	vld [tilespmem:s24+$0x10010]  }
0x28f: {  	v6 =	vld [tilespmem:s24+$0x10020]  }
0x290: {  	v7 =	vld [tilespmem:s24+$0x10030]  }
0x291: {  	v8 =	vld [tilespmem:s24+$0x10040]  }
0x292: {  	v9 =	vld [tilespmem:s24+$0x10050]  }
0x293: {  	v10 =	vld [tilespmem:s24+$0x10060]  }
0x294: {  	[tilespmem:s24+$0x16070] =	vst.add.f32.msk $0xffff, v3  }
0x295: {  	[tilespmem:s24+$0x14800] =	vst.add.f32.msk $0xffff, v4  }
0x296: {  	[tilespmem:s24+$0x16000] =	vst.add.f32.msk $0xffff, v4  }
0x297: {  	[tilespmem:s24+$0x14810] =	vst.add.f32.msk $0xffff, v5  }
0x298: {  	[tilespmem:s24+$0x16010] =	vst.add.f32.msk $0xffff, v5  }
0x299: {  	[tilespmem:s24+$0x14820] =	vst.add.f32.msk $0xffff, v6  }
0x29a: {  	[tilespmem:s24+$0x16020] =	vst.add.f32.msk $0xffff, v6  }
0x29b: {  	[tilespmem:s24+$0x14830] =	vst.add.f32.msk $0xffff, v7  }
0x29c: {  	[tilespmem:s24+$0x16030] =	vst.add.f32.msk $0xffff, v7  }
0x29d: {  	[tilespmem:s24+$0x14840] =	vst.add.f32.msk $0xffff, v8  }
0x29e: {  	[tilespmem:s24+$0x16040] =	vst.add.f32.msk $0xffff, v8  }
0x29f: {  	[tilespmem:s24+$0x14850] =	vst.add.f32.msk $0xffff, v9  }
0x2a0: {  	[tilespmem:s24+$0x16050] =	vst.add.f32.msk $0xffff, v9  }
0x2a1: {  	[tilespmem:s24+$0x14860] =	vst.add.f32.msk $0xffff, v10  }
0x2a2: {  	s0 =	simm.s32 $0x0;
	s12 =	sadd.s32 $0x1000, s21;
	[tilespmem:s24+$0x16060] =	vst.add.f32.msk $0xffff, v10  }
.LBB2_27:
0x2a3: {  	s0 =	sadd.s32 $0x8, s0;
	[tilespmem:s24+$0x14870] =	vst.add.f32.msk $0xffff, v3;
	s24 =	sshra.s32 s12, $0x2  }
0x2a4: {  	v3 =	vld [tilespmem:s24+$0x10070];
	p1 =	slt.u32 s0, $0x28  }
0x2a5: {  	v4 =	vld [tilespmem:s24+$0x10000]  }
0x2a6: {  	v5 =	vld [tilespmem:s24+$0x10010]  }
0x2a7: {  	v6 =	vld [tilespmem:s24+$0x10020]  }
0x2a8: {  	v7 =	vld [tilespmem:s24+$0x10030]  }
0x2a9: {  	[tilespmem:s24+$0x16070] =	vst.add.f32.msk $0xffff, v3  }
0x2aa: {  	v8 =	vld [tilespmem:s24+$0x10040]  }
0x2ab: {  	v9 =	vld [tilespmem:s24+$0x10050]  }
0x2ac: {  	v10 =	vld [tilespmem:s24+$0x10060]  }
0x2ad: {  	[tilespmem:s24+$0x14800] =	vst.add.f32.msk $0xffff, v4  }
0x2ae: {  	[tilespmem:s24+$0x16000] =	vst.add.f32.msk $0xffff, v4  }
0x2af: {  	[tilespmem:s24+$0x14810] =	vst.add.f32.msk $0xffff, v5  }
0x2b0: {  	[tilespmem:s24+$0x16010] =	vst.add.f32.msk $0xffff, v5  }
0x2b1: {  	[tilespmem:s24+$0x14820] =	vst.add.f32.msk $0xffff, v6  }
0x2b2: {  	[tilespmem:s24+$0x16020] =	vst.add.f32.msk $0xffff, v6  }
0x2b3: {  	[tilespmem:s24+$0x14830] =	vst.add.f32.msk $0xffff, v7  }
0x2b4: {  	[tilespmem:s24+$0x16030] =	vst.add.f32.msk $0xffff, v7  }
0x2b5: {  	[tilespmem:s24+$0x14840] =	vst.add.f32.msk $0xffff, v8  }
.Ltmp14:
0x2b6: {  	[tilespmem:s24+$0x16040] =	vst.add.f32.msk $0xffff, v8;
	(pc) =	sbr.rel @p1 .LBB2_27-.Ltmp14, $4  }
0x2b7: {  	[tilespmem:s24+$0x14850] =	vst.add.f32.msk $0xffff, v9  }
0x2b8: {  	[tilespmem:s24+$0x16050] =	vst.add.f32.msk $0xffff, v9  }
0x2b9: {  	[tilespmem:s24+$0x14860] =	vst.add.f32.msk $0xffff, v10  }
0x2ba: {  	s12 =	sadd.s32 $0x1000, s12;
	[tilespmem:s24+$0x16060] =	vst.add.f32.msk $0xffff, v10  }
0x2bb: {  	s23 =	sadd.s32 $0x1, s23  }
0x2bc: {  	p1 =	sne.s32 s23, $0x5  }
.Ltmp15:
0x2bd: {  	_ = 	snop;
	(pc) =	sbr.rel @p1 .LBB2_26-.Ltmp15, $2  }
0x2be: {  	_ =	sdelay $0x2  }
0x2bf: {  	[tilespmem:s24+$0x14870] =	vst.add.f32.msk $0xffff, v3;
	s21 =	sadd.s32 $0x200, s21  }
0x2c0: {  	s0 =	sadd.s32 $0x5700, s16  }
0x2c1: {  	[hbm4b:s0+s4] =	stream.linear.scatter [tilespmem:s19], [sflag:$0x6], $0x280, $0x38;
	[tilespmem:$0x1D800] =	vst v63  }
0x2c2: {  	s21 =	sadd.s32 $0x5780, s16;
	s12 =	simm.s32 $0x14C00  }
0x2c3: {  	[hbm4b:s21+s4] =	stream.linear.scatter [tilespmem:s12], [sflag:$0x6], $0x280, $0x38;
	[tilespmem:$0x1D800] =	vst v63  }
0x2c4: {  	s23 =	sadd.s32 $0x5800, s16;
	s24 =	simm.s32 $0x15000  }
0x2c5: {  	[hbm4b:s23+s4] =	stream.linear.scatter [tilespmem:s24], [sflag:$0x6], $0x280, $0x38;
	[tilespmem:$0x1D800] =	vst v63  }
0x2c6: {  	s12 =	sadd.s32 $0x5880, s16;
	s21 =	simm.s32 $0x15400  }
0x2c7: {  	[hbm4b:s12+s4] =	stream.linear.scatter [tilespmem:s21], [sflag:$0x6], $0x280, $0x38;
	[tilespmem:$0x1D800] =	vst v63  }
0x2c8: {  	s23 =	sadd.s32 $0x5900, s16;
	s24 =	simm.s32 $0x15800  }
0x2c9: {  	[hbm4b:s23+s4] =	stream.linear.scatter [tilespmem:s24], [sflag:$0x6], $0x280, $0x38;
	[tilespmem:$0x1D800] =	vst v63  }
0x2ca: {  	s21 =	sadd.s32 $0x5980, s16;
	s23 =	simm.s32 $0x15C00  }
0x2cb: {  	[hbm4b:s21+s4] =	stream.linear.scatter [tilespmem:s23], [sflag:$0x6], $0x280, $0x38;
	[tilespmem:$0x1D800] =	vst v63  }
0x2cc: {  	s24 =	sadd.s32 $0x7500, s16  }
0x2cd: {  	[hbm4b:s24+s4] =	stream.linear.scatter [tilespmem:s22], [sflag:$0x6], $0x280, $0x38;
	[tilespmem:$0x1D800] =	vst v63  }
0x2ce: {  	s12 =	sadd.s32 $0x7580, s16;
	s21 =	simm.s32 $0x16400  }
0x2cf: {  	[hbm4b:s12+s4] =	stream.linear.scatter [tilespmem:s21], [sflag:$0x6], $0x280, $0x38;
	[tilespmem:$0x1D800] =	vst v63  }
0x2d0: {  	s23 =	sadd.s32 $0x7600, s16;
	s24 =	simm.s32 $0x16800  }
0x2d1: {  	[hbm4b:s23+s4] =	stream.linear.scatter [tilespmem:s24], [sflag:$0x6], $0x280, $0x38;
	[tilespmem:$0x1D800] =	vst v63  }
0x2d2: {  	s12 =	sadd.s32 $0x7680, s16;
	s21 =	simm.s32 $0x16C00  }
0x2d3: {  	[hbm4b:s12+s4] =	stream.linear.scatter [tilespmem:s21], [sflag:$0x6], $0x280, $0x38;
	[tilespmem:$0x1D800] =	vst v63  }
0x2d4: {  	s23 =	sadd.s32 $0x7700, s16;
	s24 =	simm.s32 $0x17000  }
0x2d5: {  	[hbm4b:s23+s4] =	stream.linear.scatter [tilespmem:s24], [sflag:$0x6], $0x280, $0x38;
	[tilespmem:$0x1D800] =	vst v63  }
0x2d6: {  	s0 =	simm.s32 @!p0 $0x8;
	s21 =	sadd.s32 $0x7780, s16;
	s23 =	simm.s32 $0x17400  }
0x2d7: {  	[hbm4b:s21+s4] =	stream.linear.scatter [tilespmem:s23], [sflag:$0x6], $0x280, $0x38;
	[tilespmem:$0x1D800] =	vst v63  }
0x2d8: {  	_ =	swait.ge @!p0 [sflag:s0], $0xF00  }
0x2d9: {  	[sflag:s0] =	ssyncset.done @!p0 $0x0  }
0x2da: {  	[sflag:s0] =	ssyncadd.s32 @!p0 $0xFFFFF100  }
0x2db: {  	_ =	swait.ge @!p0 [sflag:s0], $0xF00  }
0x2dc: {  	[sflag:s0] =	ssyncset.done @!p0 $0x0  }
0x2dd: {  	[sflag:s0] =	ssyncadd.s32 @!p0 $0xFFFFF100  }
0x2de: {  	v3 =	vld [tilespmem:s20+$0x2430];
	_ =	sdelay $0x4  }
0x2df: {  	v4 =	vshrl.u32 v3, $0x3  }
0x2e0: {  	v4 =	vmul.u32 $0x30, v4  }
0x2e1: {  	v3 =	vand.u32 $0x7, v3  }
0x2e2: {  	v3 =	vor.u32 v3, v4  }
0x2e3: {  	v4 =	vperm.xlane v3, v0;
	_ =	sdelay $0x1  }
0x2e4: {  	v4 =	vadd.s32 v1, v4;
	_ =	sdelay $0x3  }
0x2e5: {  	s20 =	simm.s32 $0x0;
	v3 =	vperm.xlane v3, v2  }
0x2e6: {  	[tilespmem:s3], [sflag:$0x4] =	stream.indirect_vreg.gather [hbm4b:s1+s20], $0x80, v4, vm0, $0xb8;
	[tilespmem:$0x1D800] =	vst v63  }
0x2e7: {  	s24 =	simm.s32 $0x1B000;
	v3 =	vadd.s32 v1, v3  }
0x2e8: {  	[tilespmem:s24], [sflag:$0x4] =	stream.indirect_vreg.gather [hbm4b:s8+s20], $0x80, v4, vm0, $0xb8;
	[tilespmem:$0x1D800] =	vst v63  }
0x2e9: {  	_ = 	snop  }
0x2ea: {  	[tilespmem:s7], [sflag:$0x4] =	stream.indirect_vreg.gather [hbm4b:s9+s20], $0x80, v4, vm0, $0xb8;
	[tilespmem:$0x1D800] =	vst v63  }
0x2eb: {  	_ = 	snop  }
0x2ec: {  	[tilespmem:s10], [sflag:$0x4] =	stream.indirect_vreg.gather [hbm4b:s1+s20], $0x80, v3, vm0, $0xb8;
	[tilespmem:$0x1D800] =	vst v63  }
0x2ed: {  	_ = 	snop  }
0x2ee: {  	[tilespmem:s11], [sflag:$0x4] =	stream.indirect_vreg.gather [hbm4b:s8+s20], $0x80, v3, vm0, $0xb8;
	[tilespmem:$0x1D800] =	vst v63  }
0x2ef: {  	_ = 	snop  }
0x2f0: {  	[tilespmem:s14], [sflag:$0x4] =	stream.indirect_vreg.gather [hbm4b:s9+s20], $0x80, v3, vm0, $0xb8;
	[tilespmem:$0x1D800] =	vst v63  }
0x2f1: {  	_ =	swait.ge [sflag:s15], $0x3000  }
0x2f2: {  	[sflag:s15] =	ssyncset.done $0x0  }
0x2f3: {  	s21 =	simm.s32 $0x0;
	[sflag:s15] =	ssyncadd.s32 $0xFFFFD000  }
.LBB2_30:
0x2f4: {  	s23 =	sshra.s32 s20, $0x2  }
0x2f5: {  	v3 =	vld [tilespmem:s23+$0x10070]  }
0x2f6: {  	v4 =	vld [tilespmem:s23+$0x10000]  }
0x2f7: {  	v5 =	vld [tilespmem:s23+$0x10010]  }
0x2f8: {  	v6 =	vld [tilespmem:s23+$0x10020]  }
0x2f9: {  	v7 =	vld [tilespmem:s23+$0x10030]  }
0x2fa: {  	v8 =	vld [tilespmem:s23+$0x10040]  }
0x2fb: {  	v9 =	vld [tilespmem:s23+$0x10050]  }
0x2fc: {  	v10 =	vld [tilespmem:s23+$0x10060]  }
0x2fd: {  	[tilespmem:s23+$0x19070] =	vst.add.f32.msk $0xffff, v3  }
0x2fe: {  	[tilespmem:s23+$0x17800] =	vst.add.f32.msk $0xffff, v4  }
0x2ff: {  	[tilespmem:s23+$0x19000] =	vst.add.f32.msk $0xffff, v4  }
0x300: {  	[tilespmem:s23+$0x17810] =	vst.add.f32.msk $0xffff, v5  }
0x301: {  	[tilespmem:s23+$0x19010] =	vst.add.f32.msk $0xffff, v5  }
0x302: {  	[tilespmem:s23+$0x17820] =	vst.add.f32.msk $0xffff, v6  }
0x303: {  	[tilespmem:s23+$0x19020] =	vst.add.f32.msk $0xffff, v6  }
0x304: {  	[tilespmem:s23+$0x17830] =	vst.add.f32.msk $0xffff, v7  }
0x305: {  	[tilespmem:s23+$0x19030] =	vst.add.f32.msk $0xffff, v7  }
0x306: {  	[tilespmem:s23+$0x17840] =	vst.add.f32.msk $0xffff, v8  }
0x307: {  	[tilespmem:s23+$0x19040] =	vst.add.f32.msk $0xffff, v8  }
0x308: {  	[tilespmem:s23+$0x17850] =	vst.add.f32.msk $0xffff, v9  }
0x309: {  	[tilespmem:s23+$0x19050] =	vst.add.f32.msk $0xffff, v9  }
0x30a: {  	[tilespmem:s23+$0x17860] =	vst.add.f32.msk $0xffff, v10  }
0x30b: {  	s0 =	simm.s32 $0x0;
	s12 =	sadd.s32 $0x1000, s20;
	[tilespmem:s23+$0x19060] =	vst.add.f32.msk $0xffff, v10  }
.LBB2_31:
0x30c: {  	s0 =	sadd.s32 $0x8, s0;
	[tilespmem:s23+$0x17870] =	vst.add.f32.msk $0xffff, v3;
	s23 =	sshra.s32 s12, $0x2  }
0x30d: {  	v3 =	vld [tilespmem:s23+$0x10070];
	p0 =	slt.u32 s0, $0x28  }
0x30e: {  	v4 =	vld [tilespmem:s23+$0x10000]  }
0x30f: {  	v5 =	vld [tilespmem:s23+$0x10010]  }
0x310: {  	v6 =	vld [tilespmem:s23+$0x10020]  }
0x311: {  	v7 =	vld [tilespmem:s23+$0x10030]  }
0x312: {  	[tilespmem:s23+$0x19070] =	vst.add.f32.msk $0xffff, v3  }
0x313: {  	v8 =	vld [tilespmem:s23+$0x10040]  }
0x314: {  	v9 =	vld [tilespmem:s23+$0x10050]  }
0x315: {  	v10 =	vld [tilespmem:s23+$0x10060]  }
0x316: {  	[tilespmem:s23+$0x17800] =	vst.add.f32.msk $0xffff, v4  }
0x317: {  	[tilespmem:s23+$0x19000] =	vst.add.f32.msk $0xffff, v4  }
0x318: {  	[tilespmem:s23+$0x17810] =	vst.add.f32.msk $0xffff, v5  }
0x319: {  	[tilespmem:s23+$0x19010] =	vst.add.f32.msk $0xffff, v5  }
0x31a: {  	[tilespmem:s23+$0x17820] =	vst.add.f32.msk $0xffff, v6  }
0x31b: {  	[tilespmem:s23+$0x19020] =	vst.add.f32.msk $0xffff, v6  }
0x31c: {  	[tilespmem:s23+$0x17830] =	vst.add.f32.msk $0xffff, v7  }
0x31d: {  	[tilespmem:s23+$0x19030] =	vst.add.f32.msk $0xffff, v7  }
0x31e: {  	[tilespmem:s23+$0x17840] =	vst.add.f32.msk $0xffff, v8  }
.Ltmp16:
0x31f: {  	[tilespmem:s23+$0x19040] =	vst.add.f32.msk $0xffff, v8;
	(pc) =	sbr.rel @p0 .LBB2_31-.Ltmp16, $4  }
0x320: {  	[tilespmem:s23+$0x17850] =	vst.add.f32.msk $0xffff, v9  }
0x321: {  	[tilespmem:s23+$0x19050] =	vst.add.f32.msk $0xffff, v9  }
0x322: {  	[tilespmem:s23+$0x17860] =	vst.add.f32.msk $0xffff, v10  }
0x323: {  	s12 =	sadd.s32 $0x1000, s12;
	[tilespmem:s23+$0x19060] =	vst.add.f32.msk $0xffff, v10  }
0x324: {  	s21 =	sadd.s32 $0x1, s21  }
0x325: {  	p0 =	sne.s32 s21, $0x5  }
.Ltmp17:
0x326: {  	_ = 	snop;
	(pc) =	sbr.rel @p0 .LBB2_30-.Ltmp17, $2  }
0x327: {  	_ =	sdelay $0x2  }
0x328: {  	[tilespmem:s23+$0x17870] =	vst.add.f32.msk $0xffff, v3;
	s20 =	sadd.s32 $0x200, s20  }
0x329: {  	s0 =	sadd.s32 $0x9300, s16  }
0x32a: {  	[hbm4b:s0+s4] =	stream.linear.scatter [tilespmem:s26], [sflag:$0x7], $0x280, $0x38;
	[tilespmem:$0x1D800] =	vst v63  }
0x32b: {  	s21 =	sadd.s32 $0x9380, s16;
	s12 =	simm.s32 $0x17C00  }
0x32c: {  	[hbm4b:s21+s4] =	stream.linear.scatter [tilespmem:s12], [sflag:$0x7], $0x280, $0x38;
	[tilespmem:$0x1D800] =	vst v63  }
0x32d: {  	s23 =	sadd.s32 $0x9400, s16;
	s24 =	simm.s32 $0x18000  }
0x32e: {  	[hbm4b:s23+s4] =	stream.linear.scatter [tilespmem:s24], [sflag:$0x7], $0x280, $0x38;
	[tilespmem:$0x1D800] =	vst v63  }
0x32f: {  	s20 =	sadd.s32 $0x9480, s16;
	s21 =	simm.s32 $0x18400  }
0x330: {  	[hbm4b:s20+s4] =	stream.linear.scatter [tilespmem:s21], [sflag:$0x7], $0x280, $0x38;
	[tilespmem:$0x1D800] =	vst v63  }
0x331: {  	s23 =	sadd.s32 $0x9500, s16;
	s24 =	simm.s32 $0x18800  }
0x332: {  	[hbm4b:s23+s4] =	stream.linear.scatter [tilespmem:s24], [sflag:$0x7], $0x280, $0x38;
	[tilespmem:$0x1D800] =	vst v63  }
0x333: {  	s12 =	sadd.s32 $0x9580, s16;
	s20 =	simm.s32 $0x18C00  }
0x334: {  	[hbm4b:s12+s4] =	stream.linear.scatter [tilespmem:s20], [sflag:$0x7], $0x280, $0x38;
	[tilespmem:$0x1D800] =	vst v63  }
0x335: {  	s21 =	sadd.s32 $0xB100, s16  }
0x336: {  	[hbm4b:s21+s4] =	stream.linear.scatter [tilespmem:s30], [sflag:$0x7], $0x280, $0x38;
	[tilespmem:$0x1D800] =	vst v63  }
0x337: {  	s23 =	sadd.s32 $0xB180, s16;
	s24 =	simm.s32 $0x19400  }
0x338: {  	[hbm4b:s23+s4] =	stream.linear.scatter [tilespmem:s24], [sflag:$0x7], $0x280, $0x38;
	[tilespmem:$0x1D800] =	vst v63  }
0x339: {  	s20 =	sadd.s32 $0xB200, s16;
	s21 =	simm.s32 $0x19800  }
0x33a: {  	[hbm4b:s20+s4] =	stream.linear.scatter [tilespmem:s21], [sflag:$0x7], $0x280, $0x38;
	[tilespmem:$0x1D800] =	vst v63  }
0x33b: {  	s23 =	sadd.s32 $0xB280, s16;
	s24 =	simm.s32 $0x19C00  }
0x33c: {  	[hbm4b:s23+s4] =	stream.linear.scatter [tilespmem:s24], [sflag:$0x7], $0x280, $0x38;
	[tilespmem:$0x1D800] =	vst v63  }
0x33d: {  	p0 =	seq.s32 s13, $0xF;
	s20 =	sadd.s32 $0xB300, s16;
	s21 =	simm.s32 $0x1A000  }
0x33e: {  	[hbm4b:s20+s4] =	stream.linear.scatter [tilespmem:s21], [sflag:$0x7], $0x280, $0x38;
	[tilespmem:$0x1D800] =	vst v63  }
0x33f: {  	s0 =	simm.s32 @!p0 $0x5;
	s23 =	sadd.s32 $0xB380, s16;
	s24 =	simm.s32 $0x1A400  }
0x340: {  	[hbm4b:s23+s4] =	stream.linear.scatter [tilespmem:s24], [sflag:$0x7], $0x280, $0x38;
	[tilespmem:$0x1D800] =	vst v63  }
0x341: {  	_ =	swait.ge @!p0 [sflag:s0], $0xF00  }
0x342: {  	[sflag:s0] =	ssyncset.done @!p0 $0x0  }
0x343: {  	[sflag:s0] =	ssyncadd.s32 @!p0 $0xFFFFF100  }
0x344: {  	_ =	swait.ge @!p0 [sflag:s0], $0xF00  }
0x345: {  	s12 =	sshll.u32 @!p0 s13, $0x6;
	[sflag:s0] =	ssyncset.done @!p0 $0x0  }
0x346: {  	[sflag:s0] =	ssyncadd.s32 @!p0 $0xFFFFF100;
	s0 =	sand.u32 @!p0 $0x3FFFFFC0, s12  }
0x347: {  	v3 =	vld @!p0 [tilespmem:s0+$0x2440];
	_ =	sdelay $0x4  }
0x348: {  	v4 =	vshrl.u32 @!p0 v3, $0x3  }
0x349: {  	v4 =	vmul.u32 @!p0 $0x30, v4  }
0x34a: {  	v5 =	vlaneseq.u32 @!p0;
	v3 =	vand.u32 @!p0 $0x7, v3  }
0x34b: {  	v6 =	vshrl.u32 @!p0 v5, $0x3;
	v3 =	vor.u32 @!p0 v3, v4;
	v4 =	vand.u32 @!p0 $0x7, v5  }
0x34c: {  	v6 =	vmul.u32 @!p0 $0x8, v6;
	v4 =	vperm.xlane @!p0 v3, v4;
	_ =	sdelay $0x1  }
0x34d: {  	v4 =	vadd.s32 @!p0 v6, v4;
	_ =	sdelay $0x2  }
0x34e: {  	v5 =	vor.u32 @!p0 $0x8, v5  }
0x34f: {  	vm1 =	vmmov @!p0 $0xffff;
	s12 =	simm.s32 @!p0 $0x11800;
	s0 =	simm.s32 @!p0 $0x0;
	v3 =	vperm.xlane @!p0 v3, v5  }
0x350: {  	[tilespmem:s12], [sflag:$0x1] =	stream.indirect_vreg.gather @!p0 [hbm4b:s1+s0], $0x80, v4, vm1, $0xb8;
	[tilespmem:$0x1D800] =	vst v63  }
0x351: {  	v3 =	vadd.s32 @!p0 v6, v3;
	s12 =	simm.s32 @!p0 $0x12000  }
0x352: {  	[tilespmem:s12], [sflag:$0x1] =	stream.indirect_vreg.gather @!p0 [hbm4b:s8+s0], $0x80, v4, vm1, $0xb8;
	[tilespmem:$0x1D800] =	vst v63  }
0x353: {  	s12 =	simm.s32 @!p0 $0x12800  }
0x354: {  	[tilespmem:s12], [sflag:$0x1] =	stream.indirect_vreg.gather @!p0 [hbm4b:s9+s0], $0x80, v4, vm1, $0xb8;
	[tilespmem:$0x1D800] =	vst v63  }
0x355: {  	s12 =	simm.s32 @!p0 $0x13000  }
0x356: {  	[tilespmem:s12], [sflag:$0x1] =	stream.indirect_vreg.gather @!p0 [hbm4b:s1+s0], $0x80, v3, vm1, $0xb8;
	[tilespmem:$0x1D800] =	vst v63  }
0x357: {  	s12 =	simm.s32 @!p0 $0x13800  }
0x358: {  	[tilespmem:s12], [sflag:$0x1] =	stream.indirect_vreg.gather @!p0 [hbm4b:s8+s0], $0x80, v3, vm1, $0xb8;
	[tilespmem:$0x1D800] =	vst v63  }
0x359: {  	s12 =	simm.s32 @!p0 $0x14000  }
0x35a: {  	[tilespmem:s12], [sflag:$0x1] =	stream.indirect_vreg.gather @!p0 [hbm4b:s9+s0], $0x80, v3, vm1, $0xb8;
	[tilespmem:$0x1D800] =	vst v63  }
0x35b: {  	_ =	swait.ge [sflag:s17], $0x3000  }
0x35c: {  	[sflag:s17] =	ssyncset.done $0x0  }
0x35d: {  	s20 =	simm.s32 $0x0;
	s21 =	simm.s32 $0x0;
	[sflag:s17] =	ssyncadd.s32 $0xFFFFD000  }
.LBB2_34:
0x35e: {  	s23 =	sshra.s32 s20, $0x2  }
0x35f: {  	v3 =	vld [tilespmem:s23+$0x10070]  }
0x360: {  	v4 =	vld [tilespmem:s23+$0x10000]  }
0x361: {  	v5 =	vld [tilespmem:s23+$0x10010]  }
0x362: {  	v6 =	vld [tilespmem:s23+$0x10020]  }
0x363: {  	v7 =	vld [tilespmem:s23+$0x10030]  }
0x364: {  	v8 =	vld [tilespmem:s23+$0x10040]  }
0x365: {  	v9 =	vld [tilespmem:s23+$0x10050]  }
0x366: {  	v10 =	vld [tilespmem:s23+$0x10060]  }
0x367: {  	[tilespmem:s23+$0x1C070] =	vst.add.f32.msk $0xffff, v3  }
0x368: {  	[tilespmem:s23+$0x1A800] =	vst.add.f32.msk $0xffff, v4  }
0x369: {  	[tilespmem:s23+$0x1C000] =	vst.add.f32.msk $0xffff, v4  }
0x36a: {  	[tilespmem:s23+$0x1A810] =	vst.add.f32.msk $0xffff, v5  }
0x36b: {  	[tilespmem:s23+$0x1C010] =	vst.add.f32.msk $0xffff, v5  }
0x36c: {  	[tilespmem:s23+$0x1A820] =	vst.add.f32.msk $0xffff, v6  }
0x36d: {  	[tilespmem:s23+$0x1C020] =	vst.add.f32.msk $0xffff, v6  }
0x36e: {  	[tilespmem:s23+$0x1A830] =	vst.add.f32.msk $0xffff, v7  }
0x36f: {  	[tilespmem:s23+$0x1C030] =	vst.add.f32.msk $0xffff, v7  }
0x370: {  	[tilespmem:s23+$0x1A840] =	vst.add.f32.msk $0xffff, v8  }
0x371: {  	[tilespmem:s23+$0x1C040] =	vst.add.f32.msk $0xffff, v8  }
0x372: {  	[tilespmem:s23+$0x1A850] =	vst.add.f32.msk $0xffff, v9  }
0x373: {  	[tilespmem:s23+$0x1C050] =	vst.add.f32.msk $0xffff, v9  }
0x374: {  	[tilespmem:s23+$0x1A860] =	vst.add.f32.msk $0xffff, v10  }
0x375: {  	s0 =	simm.s32 $0x0;
	s12 =	sadd.s32 $0x1000, s20;
	[tilespmem:s23+$0x1C060] =	vst.add.f32.msk $0xffff, v10  }
.LBB2_35:
0x376: {  	s0 =	sadd.s32 $0x8, s0;
	[tilespmem:s23+$0x1A870] =	vst.add.f32.msk $0xffff, v3;
	s23 =	sshra.s32 s12, $0x2  }
0x377: {  	v3 =	vld [tilespmem:s23+$0x10070];
	p1 =	slt.u32 s0, $0x28  }
0x378: {  	v4 =	vld [tilespmem:s23+$0x10000]  }
0x379: {  	v5 =	vld [tilespmem:s23+$0x10010]  }
0x37a: {  	v6 =	vld [tilespmem:s23+$0x10020]  }
0x37b: {  	v7 =	vld [tilespmem:s23+$0x10030]  }
0x37c: {  	[tilespmem:s23+$0x1C070] =	vst.add.f32.msk $0xffff, v3  }
0x37d: {  	v8 =	vld [tilespmem:s23+$0x10040]  }
0x37e: {  	v9 =	vld [tilespmem:s23+$0x10050]  }
0x37f: {  	v10 =	vld [tilespmem:s23+$0x10060]  }
0x380: {  	[tilespmem:s23+$0x1A800] =	vst.add.f32.msk $0xffff, v4  }
0x381: {  	[tilespmem:s23+$0x1C000] =	vst.add.f32.msk $0xffff, v4  }
0x382: {  	[tilespmem:s23+$0x1A810] =	vst.add.f32.msk $0xffff, v5  }
0x383: {  	[tilespmem:s23+$0x1C010] =	vst.add.f32.msk $0xffff, v5  }
0x384: {  	[tilespmem:s23+$0x1A820] =	vst.add.f32.msk $0xffff, v6  }
0x385: {  	[tilespmem:s23+$0x1C020] =	vst.add.f32.msk $0xffff, v6  }
0x386: {  	[tilespmem:s23+$0x1A830] =	vst.add.f32.msk $0xffff, v7  }
0x387: {  	[tilespmem:s23+$0x1C030] =	vst.add.f32.msk $0xffff, v7  }
0x388: {  	[tilespmem:s23+$0x1A840] =	vst.add.f32.msk $0xffff, v8  }
.Ltmp18:
0x389: {  	[tilespmem:s23+$0x1C040] =	vst.add.f32.msk $0xffff, v8;
	(pc) =	sbr.rel @p1 .LBB2_35-.Ltmp18, $4  }
0x38a: {  	[tilespmem:s23+$0x1A850] =	vst.add.f32.msk $0xffff, v9  }
0x38b: {  	[tilespmem:s23+$0x1C050] =	vst.add.f32.msk $0xffff, v9  }
0x38c: {  	[tilespmem:s23+$0x1A860] =	vst.add.f32.msk $0xffff, v10  }
0x38d: {  	s12 =	sadd.s32 $0x1000, s12;
	[tilespmem:s23+$0x1C060] =	vst.add.f32.msk $0xffff, v10  }
0x38e: {  	s21 =	sadd.s32 $0x1, s21  }
0x38f: {  	p1 =	sne.s32 s21, $0x5  }
.Ltmp19:
0x390: {  	_ = 	snop;
	(pc) =	sbr.rel @p1 .LBB2_34-.Ltmp19, $2  }
0x391: {  	_ =	sdelay $0x2  }
0x392: {  	[tilespmem:s23+$0x1A870] =	vst.add.f32.msk $0xffff, v3;
	s20 =	sadd.s32 $0x200, s20  }
0x393: {  	s0 =	sadd.s32 $0xCF00, s16  }
0x394: {  	[hbm4b:s0+s4] =	stream.linear.scatter [tilespmem:s3], [sflag:$0x8], $0x280, $0x38;
	[tilespmem:$0x1D800] =	vst v63  }
0x395: {  	s21 =	sadd.s32 $0xCF80, s16;
	s12 =	simm.s32 $0x1AC00  }
0x396: {  	[hbm4b:s21+s4] =	stream.linear.scatter [tilespmem:s12], [sflag:$0x8], $0x280, $0x38;
	[tilespmem:$0x1D800] =	vst v63  }
0x397: {  	s23 =	sadd.s32 $0xD000, s16;
	s24 =	simm.s32 $0x1B000  }
0x398: {  	[hbm4b:s23+s4] =	stream.linear.scatter [tilespmem:s24], [sflag:$0x8], $0x280, $0x38;
	[tilespmem:$0x1D800] =	vst v63  }
0x399: {  	s20 =	simm.s32 $0x1B400;
	s12 =	sadd.s32 $0xD080, s16  }
0x39a: {  	[hbm4b:s12+s4] =	stream.linear.scatter [tilespmem:s20], [sflag:$0x8], $0x280, $0x38;
	[tilespmem:$0x1D800] =	vst v63  }
0x39b: {  	s21 =	sadd.s32 $0xD100, s16  }
0x39c: {  	[hbm4b:s21+s4] =	stream.linear.scatter [tilespmem:s7], [sflag:$0x8], $0x280, $0x38;
	[tilespmem:$0x1D800] =	vst v63  }
0x39d: {  	s23 =	sadd.s32 $0xD180, s16;
	s24 =	simm.s32 $0x1BC00  }
0x39e: {  	[hbm4b:s23+s4] =	stream.linear.scatter [tilespmem:s24], [sflag:$0x8], $0x280, $0x38;
	[tilespmem:$0x1D800] =	vst v63  }
0x39f: {  	s20 =	sadd.s32 $0xED00, s16  }
0x3a0: {  	[hbm4b:s20+s4] =	stream.linear.scatter [tilespmem:s10], [sflag:$0x8], $0x280, $0x38;
	[tilespmem:$0x1D800] =	vst v63  }
0x3a1: {  	s21 =	sadd.s32 $0xED80, s16;
	s23 =	simm.s32 $0x1C400  }
0x3a2: {  	[hbm4b:s21+s4] =	stream.linear.scatter [tilespmem:s23], [sflag:$0x8], $0x280, $0x38;
	[tilespmem:$0x1D800] =	vst v63  }
0x3a3: {  	s24 =	sadd.s32 $0xEE00, s16  }
0x3a4: {  	[hbm4b:s24+s4] =	stream.linear.scatter [tilespmem:s11], [sflag:$0x8], $0x280, $0x38;
	[tilespmem:$0x1D800] =	vst v63  }
0x3a5: {  	s12 =	sadd.s32 $0xEE80, s16;
	s20 =	simm.s32 $0x1CC00  }
0x3a6: {  	[hbm4b:s12+s4] =	stream.linear.scatter [tilespmem:s20], [sflag:$0x8], $0x280, $0x38;
	[tilespmem:$0x1D800] =	vst v63  }
.Ltmp20:
0x3a7: {  	_ = 	snop;
	(pc) =	sbr.rel @p0 .LBB2_39-.Ltmp20, $4  }
0x3a8: {  	s21 =	sadd.s32 $0xEF00, s16  }
0x3a9: {  	[hbm4b:s21+s4] =	stream.linear.scatter [tilespmem:s14], [sflag:$0x8], $0x280, $0x38;
	[tilespmem:$0x1D800] =	vst v63  }
0x3aa: {  	s23 =	sadd.s32 $0xEF80, s16;
	s24 =	simm.s32 $0x1D400  }
0x3ab: {  	[hbm4b:s23+s4] =	stream.linear.scatter [tilespmem:s24], [sflag:$0x8], $0x280, $0x38;
	[tilespmem:$0x1D800] =	vst v63  }
0x3ac: {  	_ =	swait.ge [sflag:s18], $0xF00  }
0x3ad: {  	[sflag:s18] =	ssyncset.done $0x0  }
0x3ae: {  	[sflag:s18] =	ssyncadd.s32 $0xFFFFF100  }
0x3af: {  	_ =	swait.ge [sflag:s18], $0xF00  }
0x3b0: {  	s0 =	sshll.u32 s13, $0x6;
	[sflag:s18] =	ssyncset.done $0x0  }
0x3b1: {  	s0 =	sand.u32 $0x3FFFFFC0, s0;
	[sflag:s18] =	ssyncadd.s32 $0xFFFFF100  }
0x3b2: {  	v3 =	vld [tilespmem:s0+$0x2450];
	_ =	sdelay $0x4  }
0x3b3: {  	v4 =	vshrl.u32 v3, $0x3  }
0x3b4: {  	v4 =	vmul.u32 $0x30, v4  }
0x3b5: {  	v3 =	vand.u32 $0x7, v3  }
0x3b6: {  	v3 =	vor.u32 v3, v4  }
0x3b7: {  	v4 =	vperm.xlane v3, v0;
	_ =	sdelay $0x1  }
0x3b8: {  	v4 =	vadd.s32 v1, v4;
	_ =	sdelay $0x3  }
0x3b9: {  	v3 =	vperm.xlane v3, v2  }
0x3ba: {  	[tilespmem:s19], [sflag:$0x2] =	stream.indirect_vreg.gather [hbm4b:s1+s4], $0x80, v4, vm0, $0xb8;
	[tilespmem:$0x1D800] =	vst v63  }
0x3bb: {  	s20 =	simm.s32 $0x15000;
	v3 =	vadd.s32 v1, v3  }
0x3bc: {  	[tilespmem:s20], [sflag:$0x2] =	stream.indirect_vreg.gather [hbm4b:s8+s4], $0x80, v4, vm0, $0xb8;
	[tilespmem:$0x1D800] =	vst v63  }
0x3bd: {  	s21 =	simm.s32 $0x15800  }
0x3be: {  	[tilespmem:s21], [sflag:$0x2] =	stream.indirect_vreg.gather [hbm4b:s9+s4], $0x80, v4, vm0, $0xb8;
	[tilespmem:$0x1D800] =	vst v63  }
0x3bf: {  	_ = 	snop  }
0x3c0: {  	[tilespmem:s22], [sflag:$0x2] =	stream.indirect_vreg.gather [hbm4b:s1+s4], $0x80, v3, vm0, $0xb8;
	[tilespmem:$0x1D800] =	vst v63  }
.Ltmp21:
0x3c1: {  	_ = 	snop;
	(pc) =	sbr.rel .LBB2_21-.Ltmp21, $4  }
0x3c2: {  	s23 =	simm.s32 $0x16800  }
0x3c3: {  	[tilespmem:s23], [sflag:$0x2] =	stream.indirect_vreg.gather [hbm4b:s8+s4], $0x80, v3, vm0, $0xb8;
	[tilespmem:$0x1D800] =	vst v63  }
0x3c4: {  	s24 =	simm.s32 $0x17000;
	s13 =	sadd.s32 $0x1, s13  }
0x3c5: {  	[tilespmem:s24], [sflag:$0x2] =	stream.indirect_vreg.gather [hbm4b:s9+s4], $0x80, v3, vm0, $0xb8;
	[tilespmem:$0x1D800] =	vst v63  }
.LBB2_40:
0x3c6: {  	_ =	sfence.sel $0x180000  }
0x3c7: {  	[bflag:$0x0] =	sbarrier.arrive $0xFFFF  }
0x3c8: {  	_ =	strace $0x90000047  }
0x3c9: {  	s0 =	stileid.u32;
	[bflag:$0x2] =	sbarrier.arrive $0xFFFF  }
0x3ca: {  	p0 =	sne.s32 s0, $0x0;
	s0 =	rddreg [dreg:$0x4]  }
0x3cb: {  	s0 =	sadd.s32 @!p0 $0x100000, s0  }
0x3cc: {  	[sflag:s0] =	ssyncadd.tile.s32 @!p0 $0x1;
	_ =	shalt  }
.Lfunc_end2:
_tile_overlayer_lowered:
.L_overlay_start_2:
0x3cd: {  	(tag) =	ssettag $0x2  }
0x3ce: {  	s0 =	rddreg [dreg:$0x0];
	s2 =	stileid.u32  }
0x3cf: {  	s1 =	rddreg [dreg:$0x1];
	p0 =	sne.s32 s2, $0x0  }
0x3d0: {  	s3 =	rddreg [dreg:$0x2];
	[bflag:$0x3] =	sbarrier.arrive $0xFFFF;
	s2 =	simm.s32 @!p0 $0x1C09  }
0x3d1: {  	[timem:s3], [sflag:s2] =	dma.local @!p0 [hbm:s0], s1  }
0x3d2: {  	s0 =	simm.s32 @!p0 $0x9  }
0x3d3: {  	_ =	swait.ge @!p0 [sflag:s0], s1  }
0x3d4: {  	s1 =	ssub.s32 @!p0 $0x0, s1;
	[sflag:s0] =	ssyncset.done @!p0 $0x0  }
0x3d5: {  	[sflag:s0] =	ssyncadd.s32 @!p0 s1  }
0x3d6: {  	[bflag:$0x3] =	sbarrier.arrive $0xFFFF  }
0x3d7: {  	_ =	shalt  }

</sc_bundles>
